<compile_context>
chip_gen: v7x
topology: tpu7x:2x2x1
jax: 0.10.2.dev20260603
libtpu: 0.0.44.dev20260713+nightly
codegen_flags: <defaults>
</compile_context>

<pallas_src>
import functools

import jax
import jax.numpy as jnp
from jax import lax
from jax.experimental import pallas as pl
from jax.experimental.pallas import tpu as pltpu
from jax.experimental.pallas import tpu_sc as plsc

N = 10000
E = 320000
D = 128
H = 64
C = 10
G = 128

_NC = 2
_NS = 16
_NW = _NC * _NS
_EPW = E // _NW
_B = 125
_NB = _EPW // _B
_K = 2
_NG = 20
_RPT = 624
_RCH = 104
_TAIL = N - _RPT * _NS
_RB = 2000
_NRB = N // _RB
_RB3 = 5000
_NRB3 = N // _RB3


def _sc_agg_body(with_deg, y_hbm, edge_hbm, *rest):
    if with_deg:
        (out_hbm, src_v2, dst_v2, ra0, ra1, rb0, rb1,
         buf_v, sema, semb, semd, ones_v, acc_sh, dacc_sh) = rest
    else:
        (out0_hbm, out1_hbm, src_v2, dst_v2, ra0, ra1, rb0, rb1,
         buf_v, sema, semb, acc_sh) = rest
    ra = (ra0, ra1)
    rb = (rb0, rb1)

    cid = lax.axis_index("c")
    sid = lax.axis_index("s")
    wid = sid * _NC + cid

    def wrout(src_buf, r0, n):
        if with_deg:
            pltpu.sync_copy(src_buf, out_hbm.at[pl.ds(cid * N + r0, n)])
        else:
            @pl.when(cid == 0)
            def _():
                pltpu.sync_copy(src_buf, out0_hbm.at[pl.ds(r0, n)])

            @pl.when(cid == 1)
            def _():
                pltpu.sync_copy(src_buf, out1_hbm.at[pl.ds(r0, n)])

    zero16 = jnp.zeros((16,), jnp.float32)

    def zrow(r, _):
        for cc in range(128 // 16):
            buf_v[r, pl.ds(cc * 16, 16)] = zero16
        return ()

    lax.fori_loop(0, _RCH, zrow, ())

    if with_deg:
        one_row = jnp.where(lax.iota(jnp.int32, 16) == 0,
                            jnp.float32(1.0), jnp.float32(0.0))

        def orow(r, _):
            ones_v[r, pl.ds(0, 16)] = one_row
            return ()

        lax.fori_loop(0, _B, orow, ())

    def zcopy(k, _):
        r0 = sid * _RPT + k * _RCH
        pltpu.sync_copy(buf_v.at[:, pl.ds(0, H)], acc_sh.at[pl.ds(r0, _RCH)])
        if with_deg:
            pltpu.sync_copy(buf_v.at[:, pl.ds(H, 16)],
                            dacc_sh.at[pl.ds(r0, _RCH)])
        return ()

    lax.fori_loop(0, _RPT // _RCH, zcopy, ())

    @pl.when(sid == _NS - 1)
    def _():
        t0 = _NS * _RPT
        pltpu.sync_copy(buf_v.at[pl.ds(0, _TAIL), pl.ds(0, H)],
                        acc_sh.at[pl.ds(t0, _TAIL)])
        if with_deg:
            pltpu.sync_copy(buf_v.at[pl.ds(0, _TAIL), pl.ds(H, 16)],
                            dacc_sh.at[pl.ds(t0, _TAIL)])

    plsc.subcore_barrier()

    brow = wid * _NB
    pltpu.sync_copy(edge_hbm.at[0, pl.ds(brow, _NB)], src_v2)
    pltpu.sync_copy(edge_hbm.at[1, pl.ds(brow, _NB)], dst_v2)

    def gather(b, buf, sem):
        return pltpu.async_copy(y_hbm.at[src_v2.at[b]], buf, sem)

    def drain(b, buf, sem):
        pltpu.make_async_copy(y_hbm.at[src_v2.at[b]], buf, sem).wait()

    def scatter(b, buf):
        pltpu.sync_copy(buf, acc_sh.at[dst_v2.at[b]], add=True)
        if with_deg:
            pltpu.async_copy(ones_v, dacc_sh.at[dst_v2.at[b]], semd,
                             add=True)

    for j in range(_K):
        gather(j, ra[j], sema)

    def step(i, _):
        b0 = i * 2 * _K
        for j in range(_K):
            gather(b0 + _K + j, rb[j], semb)
        for j in range(_K):
            drain(b0 + j, ra[j], sema)
            scatter(b0 + j, ra[j])

        @pl.when(i < _NG - 1)
        def _():
            for j in range(_K):
                gather(b0 + 2 * _K + j, ra[j], sema)

        for j in range(_K):
            drain(b0 + _K + j, rb[j], semb)
            scatter(b0 + _K + j, rb[j])
        return ()

    lax.fori_loop(0, _NG, step, ())

    for b in range(_NG * 2 * _K, _NB):
        gather(b, rb[0], semb).wait()
        scatter(b, rb[0])

    if with_deg:
        def ddrain(t, _):
            pltpu.make_async_copy(ones_v, dacc_sh.at[dst_v2.at[t]],
                                  semd).wait()
            return ()

        lax.fori_loop(0, _NB, ddrain, ())
    plsc.subcore_barrier()

    def rdout(k, _):
        r0 = sid * _RPT + k * _RCH
        pltpu.sync_copy(acc_sh.at[pl.ds(r0, _RCH)], buf_v.at[:, pl.ds(0, H)])
        if with_deg:
            pltpu.sync_copy(dacc_sh.at[pl.ds(r0, _RCH)],
                            buf_v.at[:, pl.ds(H, 16)])
        wrout(buf_v, r0, _RCH)
        return ()

    lax.fori_loop(0, _RPT // _RCH, rdout, ())

    @pl.when(sid == _NS - 1)
    def _():
        t0 = _NS * _RPT
        pltpu.sync_copy(acc_sh.at[pl.ds(t0, _TAIL)],
                        buf_v.at[pl.ds(0, _TAIL), pl.ds(0, H)])
        if with_deg:
            pltpu.sync_copy(dacc_sh.at[pl.ds(t0, _TAIL)],
                            buf_v.at[pl.ds(0, _TAIL), pl.ds(H, 16)])
        wrout(buf_v.at[pl.ds(0, _TAIL)], t0, _TAIL)


def _make_sc_agg(with_deg):
    mesh = plsc.VectorSubcoreMesh(core_axis_name="c", subcore_axis_name="s")
    if with_deg:
        outs = [jax.ShapeDtypeStruct((2 * N, 128), jnp.float32)]
    else:
        outs = [jax.ShapeDtypeStruct((N, 128), jnp.float32),
                jax.ShapeDtypeStruct((N, 128), jnp.float32)]
    scratch = [
        pltpu.VMEM((_NB, _B), jnp.int32),
        pltpu.VMEM((_NB, _B), jnp.int32),
    ]
    scratch += [pltpu.VMEM((_B, H), jnp.float32) for _ in range(2 * _K)]
    scratch += [
        pltpu.VMEM((_RCH, 128), jnp.float32),
        pltpu.SemaphoreType.DMA,
        pltpu.SemaphoreType.DMA,
    ]
    if with_deg:
        scratch += [
            pltpu.SemaphoreType.DMA,
            pltpu.VMEM((_B, 16), jnp.float32),
        ]
    scratch.append(pltpu.VMEM_SHARED((N, H), jnp.float32))
    if with_deg:
        scratch.append(pltpu.VMEM_SHARED((N, 16), jnp.float32))
    return pl.kernel(functools.partial(_sc_agg_body, with_deg),
                     mesh=mesh, out_type=outs, scratch_types=scratch,
                     compiler_params=pltpu.CompilerParams(
                         use_tc_tiling_on_sc=False))


def _dott(a, w):
    return lax.dot_general(a, w, (((1,), (1,)), ((), ())),
                           preferred_element_type=jnp.float32)


def _tc1_body(x_ref, wl_ref, wr_ref, b_ref, y_ref, z_ref):
    xb = x_ref[...]
    y_ref[...] = _dott(xb, wl_ref[...])
    z_ref[...] = _dott(xb, wr_ref[...]) + b_ref[...]


def _tc2_body(a0_ref, a1_ref, z_ref, wl_ref, wr_ref, b_ref,
              y2_ref, z2_ref, inv_ref):
    a = a0_ref[...] + a1_ref[...]
    inv = 1.0 / jnp.maximum(a[:, H:H + 1], 1.0)
    h = jnp.maximum(a[:, 0:H] * inv + z_ref[...], 0.0)
    y2_ref[...] = _dott(h, wl_ref[...])
    z2_ref[...] = _dott(h, wr_ref[...]) + b_ref[...]
    inv_ref[...] = inv * jnp.ones((1, H), jnp.float32)


def _tc3_body(a0_ref, a1_ref, inv_ref, z_ref, b3_ref, wfc_ref, bfc_ref,
              out_ref, pool_s, cnt_s):
    i = pl.program_id(0)

    @pl.when(i == 0)
    def _():
        pool_s[...] = jnp.zeros_like(pool_s)
        cnt_s[...] = jnp.zeros_like(cnt_s)

    a = a0_ref[...] + a1_ref[...]
    h = jnp.maximum(a[:, 0:H] * inv_ref[...] + z_ref[...], 0.0)
    b = b3_ref[0, 0, :].reshape(_RB3, 1)
    oh = (b == lax.broadcasted_iota(jnp.int32, (_RB3, G), 1)).astype(
        jnp.float32)
    pool_s[...] += lax.dot_general(oh, h, (((0,), (0,)), ((), ())),
                                   preferred_element_type=jnp.float32)
    cnt_s[...] += lax.dot_general(oh, jnp.ones((_RB3, 1), jnp.float32),
                                  (((0,), (0,)), ((), ())),
                                  preferred_element_type=jnp.float32)

    @pl.when(i == _NRB3 - 1)
    def _():
        pooled = pool_s[...] * (1.0 / jnp.maximum(cnt_s[...], 1.0))
        logits = _dott(pooled, wfc_ref[...]) + bfc_ref[...]
        m = jnp.max(logits, axis=1, keepdims=True)
        lse = jnp.log(jnp.sum(jnp.exp(logits - m), axis=1, keepdims=True)) + m
        out_ref[...] = logits - lse


def _row_spec(w):
    return pl.BlockSpec((_RB, w), lambda i: (i, 0))


def _half_specs(w):
    return (pl.BlockSpec((_RB, w), lambda i: (i, 0)),
            pl.BlockSpec((_RB, w), lambda i: (i + _NRB, 0)))


def _full_spec(shape):
    return pl.BlockSpec(shape, lambda i: tuple(0 for _ in shape))


def _row_spec3(w):
    return pl.BlockSpec((_RB3, w), lambda i: (i, 0))


def _half_specs3(w):
    return (pl.BlockSpec((_RB3, w), lambda i: (i, 0)),
            pl.BlockSpec((_RB3, w), lambda i: (i + _NRB3, 0)))


def kernel(x, edge_index, batch, W1_l, b1_l, W1_r, W2_l, b2_l, W2_r, W_fc,
           b_fc):
    edge2 = edge_index.reshape(2, E // _B, _B)

    y1, z1 = pl.pallas_call(
        _tc1_body,
        grid=(_NRB,),
        in_specs=[_row_spec(D), _full_spec((H, D)), _full_spec((H, D)),
                  _full_spec((1, H))],
        out_specs=[_row_spec(H), _row_spec(H)],
        out_shape=[jax.ShapeDtypeStruct((N, H), jnp.float32),
                   jax.ShapeDtypeStruct((N, H), jnp.float32)],
    )(x, W1_l, W1_r, b1_l.reshape(1, H))

    agg1, = _make_sc_agg(True)(y1, edge2)

    a1spec = _half_specs(128)
    y2, z2, invd = pl.pallas_call(
        _tc2_body,
        grid=(_NRB,),
        in_specs=[a1spec[0], a1spec[1], _row_spec(H),
                  _full_spec((H, H)), _full_spec((H, H)), _full_spec((1, H))],
        out_specs=[_row_spec(H), _row_spec(H), _row_spec(H)],
        out_shape=[jax.ShapeDtypeStruct((N, H), jnp.float32),
                   jax.ShapeDtypeStruct((N, H), jnp.float32),
                   jax.ShapeDtypeStruct((N, H), jnp.float32)],
    )(agg1, agg1, z1, W2_l, W2_r, b2_l.reshape(1, H))

    agg2a, agg2b = _make_sc_agg(False)(y2, edge2)

    out = pl.pallas_call(
        _tc3_body,
        grid=(_NRB3,),
        in_specs=[_row_spec3(128), _row_spec3(128), _row_spec3(H),
                  _row_spec3(H),
                  pl.BlockSpec((1, 1, _RB3), lambda i: (i, 0, 0)),
                  _full_spec((C, H)), _full_spec((1, C))],
        out_specs=pl.BlockSpec((G, C), lambda i: (0, 0)),
        out_shape=jax.ShapeDtypeStruct((G, C), jnp.float32),
        scratch_shapes=[pltpu.VMEM((G, H), jnp.float32),
                        pltpu.VMEM((G, 1), jnp.float32)],
    )(agg2a, agg2b, invd, z2, batch.reshape(_NRB3, 1, _RB3), W_fc,
      b_fc.reshape(1, C))

    return out

# --- scband reference (transcript-rebuilt; emitter-appended) ---
"""Pipeline reference for scband-graph-sagemodel-24197845745727 (READ-ONLY COPY).

The authoritative reference and input builder live on the scoring server;
editing this copy changes nothing except your own understanding.
"""

import jax, jax.numpy as jnp
import numpy as np

N = 10000
E = 320000
D = 128
H = 64
C = 10
G = 128


def setup_inputs(seed: int = 0) -> dict:
    key = jax.random.key(seed)
    ks = jax.random.split(key, 12)
    x = jax.random.normal(ks[0], (N, D), dtype=jnp.float32)
    edge_index = jax.random.randint(ks[1], (2, E), 0, N, dtype=jnp.int32)
    batch = jnp.sort(jax.random.randint(ks[2], (N,), 0, G, dtype=jnp.int32))
    s1 = 1.0 / np.sqrt(D)
    s2 = 1.0 / np.sqrt(H)
    W1_l = jax.random.normal(ks[3], (H, D), dtype=jnp.float32) * s1
    b1_l = jnp.zeros((H,), dtype=jnp.float32)
    W1_r = jax.random.normal(ks[4], (H, D), dtype=jnp.float32) * s1
    W2_l = jax.random.normal(ks[5], (H, H), dtype=jnp.float32) * s2
    b2_l = jnp.zeros((H,), dtype=jnp.float32)
    W2_r = jax.random.normal(ks[6], (H, H), dtype=jnp.float32) * s2
    W_fc = jax.random.normal(ks[7], (C, H), dtype=jnp.float32) * s2
    b_fc = jnp.zeros((C,), dtype=jnp.float32)
    return {"x": x, "edge_index": edge_index, "batch": batch,
            "W1_l": W1_l, "b1_l": b1_l, "W1_r": W1_r,
            "W2_l": W2_l, "b2_l": b2_l, "W2_r": W2_r,
            "W_fc": W_fc, "b_fc": b_fc}


def _sage_conv(x, edge_index, W_l, b_l, W_r):
    # PyG SAGEConv (mean aggregation): out = lin_l(mean_j x_j) + lin_r(x_i)
    src = edge_index[0]
    dst = edge_index[1]
    msgs = jnp.take(x, src, axis=0)
    agg_sum = jax.ops.segment_sum(msgs, dst, num_segments=N)
    deg = jax.ops.segment_sum(jnp.ones((edge_index.shape[1],), dtype=x.dtype), dst, num_segments=N)
    agg = agg_sum / jnp.clip(deg, 1.0)[:, None]
    return agg @ W_l.T + b_l + x @ W_r.T


def reference(x, edge_index, batch, W1_l, b1_l, W1_r, W2_l, b2_l, W2_r, W_fc, b_fc):
    h = _sage_conv(x, edge_index, W1_l, b1_l, W1_r)
    h = jax.nn.relu(h)
    # dropout is identity in eval mode
    h = _sage_conv(h, edge_index, W2_l, b2_l, W2_r)
    h = jax.nn.relu(h)
    # global_mean_pool over batch segment ids
    pooled_sum = jax.ops.segment_sum(h, batch, num_segments=G)
    counts = jax.ops.segment_sum(jnp.ones((N,), dtype=h.dtype), batch, num_segments=G)
    pooled = pooled_sum / jnp.clip(counts, 1.0)[:, None]
    logits = pooled @ W_fc.T + b_fc
    return jax.nn.log_softmax(logits, axis=1)

if __name__ == "__main__":
    import jax
    _d = setup_inputs()
    print(jax.jit(kernel)(*tuple(_d.values())))

</pallas_src>

<mosaic_0001>
#map = affine_map<(d0, d1) -> (0, 0)>
#map1 = affine_map<(d0, d1) -> (0, 0, 0)>
module attributes {stable_mosaic.version = 14 : i64} {
  func.func @_sc_agg_body(%arg0: i32, %arg1: i32, %arg2: memref<10000x64xf32, #tpu.memory_space<hbm>>, %arg3: memref<2x2560x125xi32, #tpu.memory_space<hbm>>, %arg4: memref<10000x128xf32, #tpu.memory_space<hbm>>, %arg5: memref<10000x128xf32, #tpu.memory_space<hbm>>, %arg6: memref<80x125xi32, #tpu.memory_space<vmem>>, %arg7: memref<80x125xi32, #tpu.memory_space<vmem>>, %arg8: memref<125x64xf32, #tpu.memory_space<vmem>>, %arg9: memref<125x64xf32, #tpu.memory_space<vmem>>, %arg10: memref<125x64xf32, #tpu.memory_space<vmem>>, %arg11: memref<125x64xf32, #tpu.memory_space<vmem>>, %arg12: memref<104x128xf32, #tpu.memory_space<vmem>>, %arg13: memref<!tpu.dma_semaphore, #tpu.memory_space<semaphore_mem>>, %arg14: memref<!tpu.dma_semaphore, #tpu.memory_space<semaphore_mem>>, %arg15: memref<10000x64xf32, #tpu.memory_space<vmem_shared>>) attributes {dimension_semantics = [#tpu.dimension_semantics<core_parallel>, #tpu.dimension_semantics<subcore_parallel>], iteration_bounds = array<i64: 2, 16>, scalar_prefetch = 0 : i64, scratch_operands = 10 : i64, tpu.core_type = #tpu.core_type<sc_vector_subcore>, window_params = [{transform_indices = #map}, {transform_indices = #map1}, {transform_indices = #map}, {transform_indices = #map}]} {
    %mul3A = arith.constant 2 : i32
    %mul3A_0 = arith.muli %arg1, %mul3A : i32
    %add3A = arith.addi %mul3A_0, %arg0 : i32
    %broadcast_in_dim3A = arith.constant 0.000000e+00 : f32
    %broadcast_in_dim3A_1 = vector.broadcast %broadcast_in_dim3A : f32 to vector<16xf32>
    %scan3A = arith.constant 0 : i32
    %scan3A_2 = arith.constant 104 : i32
    %scan3A_3 = arith.addi %scan3A, %scan3A_2 : i32
    %scan3A_4 = arith.constant 1 : i32
    scf.for %scan3A_45 = %scan3A to %scan3A_3 step %scan3A_4  : i32 {
      %swap3A = arith.index_cast %scan3A_45 : i32 to index
      %swap3A_46 = arith.constant 0 : index
      %swap3A_47 = tpu.vector_load %arg12[%swap3A, %swap3A_46] {strides = array<i32>} : memref<104x128xf32, #tpu.memory_space<vmem>>, vector<1x16xf32>,
      %swap3A_48 = vector.shape_cast %swap3A_47 : vector<1x16xf32> to vector<16xf32>
      %swap3A_49 = vector.shape_cast %broadcast_in_dim3A_1 : vector<16xf32> to vector<1x16xf32>
      tpu.vector_store %arg12[%swap3A, %swap3A_46], %swap3A_49 {strides = array<i32>} : memref<104x128xf32, #tpu.memory_space<vmem>>, vector<1x16xf32>,
      %swap3A_50 = arith.index_cast %scan3A_45 : i32 to index
      %swap3A_51 = arith.constant 16 : index
      %swap3A_52 = tpu.vector_load %arg12[%swap3A_50, %swap3A_51] {strides = array<i32>} : memref<104x128xf32, #tpu.memory_space<vmem>>, vector<1x16xf32>,
      %swap3A_53 = vector.shape_cast %swap3A_52 : vector<1x16xf32> to vector<16xf32>
      %swap3A_54 = vector.shape_cast %broadcast_in_dim3A_1 : vector<16xf32> to vector<1x16xf32>
      tpu.vector_store %arg12[%swap3A_50, %swap3A_51], %swap3A_54 {strides = array<i32>} : memref<104x128xf32, #tpu.memory_space<vmem>>, vector<1x16xf32>,
      %swap3A_55 = arith.index_cast %scan3A_45 : i32 to index
      %swap3A_56 = arith.constant 32 : index
      %swap3A_57 = tpu.vector_load %arg12[%swap3A_55, %swap3A_56] {strides = array<i32>} : memref<104x128xf32, #tpu.memory_space<vmem>>, vector<1x16xf32>,
      %swap3A_58 = vector.shape_cast %swap3A_57 : vector<1x16xf32> to vector<16xf32>
      %swap3A_59 = vector.shape_cast %broadcast_in_dim3A_1 : vector<16xf32> to vector<1x16xf32>
      tpu.vector_store %arg12[%swap3A_55, %swap3A_56], %swap3A_59 {strides = array<i32>} : memref<104x128xf32, #tpu.memory_space<vmem>>, vector<1x16xf32>,
      %swap3A_60 = arith.index_cast %scan3A_45 : i32 to index
      %swap3A_61 = arith.constant 48 : index
      %swap3A_62 = tpu.vector_load %arg12[%swap3A_60, %swap3A_61] {strides = array<i32>} : memref<104x128xf32, #tpu.memory_space<vmem>>, vector<1x16xf32>,
      %swap3A_63 = vector.shape_cast %swap3A_62 : vector<1x16xf32> to vector<16xf32>
      %swap3A_64 = vector.shape_cast %broadcast_in_dim3A_1 : vector<16xf32> to vector<1x16xf32>
      tpu.vector_store %arg12[%swap3A_60, %swap3A_61], %swap3A_64 {strides = array<i32>} : memref<104x128xf32, #tpu.memory_space<vmem>>, vector<1x16xf32>,
      %swap3A_65 = arith.index_cast %scan3A_45 : i32 to index
      %swap3A_66 = arith.constant 64 : index
      %swap3A_67 = tpu.vector_load %arg12[%swap3A_65, %swap3A_66] {strides = array<i32>} : memref<104x128xf32, #tpu.memory_space<vmem>>, vector<1x16xf32>,
      %swap3A_68 = vector.shape_cast %swap3A_67 : vector<1x16xf32> to vector<16xf32>
      %swap3A_69 = vector.shape_cast %broadcast_in_dim3A_1 : vector<16xf32> to vector<1x16xf32>
      tpu.vector_store %arg12[%swap3A_65, %swap3A_66], %swap3A_69 {strides = array<i32>} : memref<104x128xf32, #tpu.memory_space<vmem>>, vector<1x16xf32>,
      %swap3A_70 = arith.index_cast %scan3A_45 : i32 to index
      %swap3A_71 = arith.constant 80 : index
      %swap3A_72 = tpu.vector_load %arg12[%swap3A_70, %swap3A_71] {strides = array<i32>} : memref<104x128xf32, #tpu.memory_space<vmem>>, vector<1x16xf32>,
      %swap3A_73 = vector.shape_cast %swap3A_72 : vector<1x16xf32> to vector<16xf32>
      %swap3A_74 = vector.shape_cast %broadcast_in_dim3A_1 : vector<16xf32> to vector<1x16xf32>
      tpu.vector_store %arg12[%swap3A_70, %swap3A_71], %swap3A_74 {strides = array<i32>} : memref<104x128xf32, #tpu.memory_space<vmem>>, vector<1x16xf32>,
      %swap3A_75 = arith.index_cast %scan3A_45 : i32 to index
      %swap3A_76 = arith.constant 96 : index
      %swap3A_77 = tpu.vector_load %arg12[%swap3A_75, %swap3A_76] {strides = array<i32>} : memref<104x128xf32, #tpu.memory_space<vmem>>, vector<1x16xf32>,
      %swap3A_78 = vector.shape_cast %swap3A_77 : vector<1x16xf32> to vector<16xf32>
      %swap3A_79 = vector.shape_cast %broadcast_in_dim3A_1 : vector<16xf32> to vector<1x16xf32>
      tpu.vector_store %arg12[%swap3A_75, %swap3A_76], %swap3A_79 {strides = array<i32>} : memref<104x128xf32, #tpu.memory_space<vmem>>, vector<1x16xf32>,
      %swap3A_80 = arith.index_cast %scan3A_45 : i32 to index
      %swap3A_81 = arith.constant 112 : index
      %swap3A_82 = tpu.vector_load %arg12[%swap3A_80, %swap3A_81] {strides = array<i32>} : memref<104x128xf32, #tpu.memory_space<vmem>>, vector<1x16xf32>,
      %swap3A_83 = vector.shape_cast %swap3A_82 : vector<1x16xf32> to vector<16xf32>
      %swap3A_84 = vector.shape_cast %broadcast_in_dim3A_1 : vector<16xf32> to vector<1x16xf32>
      tpu.vector_store %arg12[%swap3A_80, %swap3A_81], %swap3A_84 {strides = array<i32>} : memref<104x128xf32, #tpu.memory_space<vmem>>, vector<1x16xf32>,
    }
    %scan3A_5 = arith.constant 104 : i32
    %scan3A_6 = arith.constant 0 : i32
    %scan3A_7 = arith.constant 6 : i32
    %scan3A_8 = arith.addi %scan3A_6, %scan3A_7 : i32
    %scan3A_9 = arith.constant 1 : i32
    scf.for %scan3A_45 = %scan3A_6 to %scan3A_8 step %scan3A_9  : i32 {
      %mul3A_46 = arith.constant 624 : i32
      %mul3A_47 = arith.muli %arg1, %mul3A_46 : i32
      %mul3A_48 = arith.constant 104 : i32
      %mul3A_49 = arith.muli %scan3A_45, %mul3A_48 : i32
      %add3A_50 = arith.addi %mul3A_47, %mul3A_49 : i32
      "tpu.region"() ({
        %run_scoped3A_51 = tpu.sem_alloc : memref<!tpu.dma_semaphore, #tpu.memory_space<semaphore_mem>>
        %dma_start3A_52 = arith.constant 0 : i32
        %dma_start3A_53 = arith.constant 0 : i32
        %dma_start3A_54 = tpu.memref_slice %arg12[%dma_start3A_52, %dma_start3A_53] : memref<104x128xf32, #tpu.memory_space<vmem>> -> memref<104x64xf32, #tpu.memory_space<vmem>>
        %dma_start3A_55 = arith.constant 0 : i32
        %dma_start3A_56 = tpu.memref_slice %arg15[%add3A_50, %dma_start3A_55] : memref<10000x64xf32, #tpu.memory_space<vmem_shared>> -> memref<104x64xf32, #tpu.memory_space<vmem_shared>>
        %dma_start3A_57 = arith.constant 0 : i32
        %dma_start3A_58 = tpu.memref_slice %arg15[%add3A_50, %dma_start3A_57] : memref<10000x64xf32, #tpu.memory_space<vmem_shared>> -> memref<104x64xf32, #tpu.memory_space<vmem_shared>>
        %dma_start3A_59 = arith.constant 0 : i32
        %dma_start3A_60 = arith.constant 0 : i32
        %dma_start3A_61 = tpu.memref_slice %arg12[%dma_start3A_59, %dma_start3A_60] : memref<104x128xf32, #tpu.memory_space<vmem>> -> memref<104x64xf32, #tpu.memory_space<vmem>>
        tpu.enqueue_dma source(%dma_start3A_61 : memref<104x64xf32, #tpu.memory_space<vmem>>) target(%dma_start3A_58 : memref<104x64xf32, #tpu.memory_space<vmem_shared>>) target_semaphore(%run_scoped3A_51 : memref<!tpu.dma_semaphore, #tpu.memory_space<semaphore_mem>>)
        %dma_wait3A = arith.constant 0 : i32
        %dma_wait3A_62 = arith.constant 0 : i32
        %dma_wait3A_63 = tpu.memref_slice %arg12[%dma_wait3A, %dma_wait3A_62] : memref<104x128xf32, #tpu.memory_space<vmem>> -> memref<104x64xf32, #tpu.memory_space<vmem>>
        %dma_wait3A_64 = arith.constant 0 : i32
        %dma_wait3A_65 = tpu.memref_slice %arg15[%add3A_50, %dma_wait3A_64] : memref<10000x64xf32, #tpu.memory_space<vmem_shared>> -> memref<104x64xf32, #tpu.memory_space<vmem_shared>>
        %dma_wait3A_66 = arith.constant 0 : i32
        %dma_wait3A_67 = tpu.memref_slice %arg15[%add3A_50, %dma_wait3A_66] : memref<10000x64xf32, #tpu.memory_space<vmem_shared>> -> memref<104x64xf32, #tpu.memory_space<vmem_shared>>
        %dma_wait3A_68 = arith.constant 0 : i32
        %dma_wait3A_69 = arith.constant 0 : i32
        %dma_wait3A_70 = tpu.memref_slice %arg12[%dma_wait3A_68, %dma_wait3A_69] : memref<104x128xf32, #tpu.memory_space<vmem>> -> memref<104x64xf32, #tpu.memory_space<vmem>>
        tpu.wait_dma2 semaphore(%run_scoped3A_51 : memref<!tpu.dma_semaphore, #tpu.memory_space<semaphore_mem>>) src(%dma_wait3A_70 : memref<104x64xf32, #tpu.memory_space<vmem>>) dst(%dma_wait3A_67 : memref<104x64xf32, #tpu.memory_space<vmem_shared>>)
        tpu.yield
      }) : () -> ()
    }
    %scan3A_10 = arith.constant 6 : i32
    %eq3A = arith.constant 15 : i32
    %eq3A_11 = arith.cmpi eq, %arg1, %eq3A : i32
    %convert_element_type3A = arith.extui %eq3A_11 : i1 to i32
    %cond3A = arith.constant 0 : i32
    %cond3A_12 = arith.cmpi ne, %convert_element_type3A, %cond3A : i32
    scf.if %cond3A_12 {
      "tpu.region"() ({
        %run_scoped3A_45 = tpu.sem_alloc : memref<!tpu.dma_semaphore, #tpu.memory_space<semaphore_mem>>
        %dma_start3A_46 = arith.constant 0 : i32
        %dma_start3A_47 = arith.constant 0 : i32
        %dma_start3A_48 = tpu.memref_slice %arg12[%dma_start3A_46, %dma_start3A_47] : memref<104x128xf32, #tpu.memory_space<vmem>> -> memref<16x64xf32, #tpu.memory_space<vmem>>
        %dma_start3A_49 = arith.constant 9984 : i32
        %dma_start3A_50 = arith.constant 0 : i32
        %dma_start3A_51 = tpu.memref_slice %arg15[%dma_start3A_49, %dma_start3A_50] : memref<10000x64xf32, #tpu.memory_space<vmem_shared>> -> memref<16x64xf32, #tpu.memory_space<vmem_shared>>
        %dma_start3A_52 = arith.constant 9984 : i32
        %dma_start3A_53 = arith.constant 0 : i32
        %dma_start3A_54 = tpu.memref_slice %arg15[%dma_start3A_52, %dma_start3A_53] : memref<10000x64xf32, #tpu.memory_space<vmem_shared>> -> memref<16x64xf32, #tpu.memory_space<vmem_shared>>
        %dma_start3A_55 = arith.constant 0 : i32
        %dma_start3A_56 = arith.constant 0 : i32
        %dma_start3A_57 = tpu.memref_slice %arg12[%dma_start3A_55, %dma_start3A_56] : memref<104x128xf32, #tpu.memory_space<vmem>> -> memref<16x64xf32, #tpu.memory_space<vmem>>
        tpu.enqueue_dma source(%dma_start3A_57 : memref<16x64xf32, #tpu.memory_space<vmem>>) target(%dma_start3A_54 : memref<16x64xf32, #tpu.memory_space<vmem_shared>>) target_semaphore(%run_scoped3A_45 : memref<!tpu.dma_semaphore, #tpu.memory_space<semaphore_mem>>)
        %dma_wait3A = arith.constant 0 : i32
        %dma_wait3A_58 = arith.constant 0 : i32
        %dma_wait3A_59 = tpu.memref_slice %arg12[%dma_wait3A, %dma_wait3A_58] : memref<104x128xf32, #tpu.memory_space<vmem>> -> memref<16x64xf32, #tpu.memory_space<vmem>>
        %dma_wait3A_60 = arith.constant 9984 : i32
        %dma_wait3A_61 = arith.constant 0 : i32
        %dma_wait3A_62 = tpu.memref_slice %arg15[%dma_wait3A_60, %dma_wait3A_61] : memref<10000x64xf32, #tpu.memory_space<vmem_shared>> -> memref<16x64xf32, #tpu.memory_space<vmem_shared>>
        %dma_wait3A_63 = arith.constant 9984 : i32
        %dma_wait3A_64 = arith.constant 0 : i32
        %dma_wait3A_65 = tpu.memref_slice %arg15[%dma_wait3A_63, %dma_wait3A_64] : memref<10000x64xf32, #tpu.memory_space<vmem_shared>> -> memref<16x64xf32, #tpu.memory_space<vmem_shared>>
        %dma_wait3A_66 = arith.constant 0 : i32
        %dma_wait3A_67 = arith.constant 0 : i32
        %dma_wait3A_68 = tpu.memref_slice %arg12[%dma_wait3A_66, %dma_wait3A_67] : memref<104x128xf32, #tpu.memory_space<vmem>> -> memref<16x64xf32, #tpu.memory_space<vmem>>
        tpu.wait_dma2 semaphore(%run_scoped3A_45 : memref<!tpu.dma_semaphore, #tpu.memory_space<semaphore_mem>>) src(%dma_wait3A_68 : memref<16x64xf32, #tpu.memory_space<vmem>>) dst(%dma_wait3A_65 : memref<16x64xf32, #tpu.memory_space<vmem_shared>>)
        tpu.yield
      }) : () -> ()
    } else {
    }
    %barrier3A = arith.constant 0 : index
    tpu.barrier barrier_id(%barrier3A)
    %mul3A_13 = arith.constant 80 : i32
    %mul3A_14 = arith.muli %add3A, %mul3A_13 : i32
    %run_scoped3A = arith.constant 0 : i32
    "tpu.region"() ({
      %run_scoped3A_45 = tpu.sem_alloc : memref<!tpu.dma_semaphore, #tpu.memory_space<semaphore_mem>>
      %dma_start3A_46 = arith.constant 0 : i32
      %dma_start3A_47 = tpu.memref_slice %arg3[%run_scoped3A, %mul3A_14, %dma_start3A_46] : memref<2x2560x125xi32, #tpu.memory_space<hbm>> -> memref<1x80x125xi32, #tpu.memory_space<hbm>>
      %dma_start3A_48 = tpu.memref_squeeze %dma_start3A_47 : memref<1x80x125xi32, #tpu.memory_space<hbm>> -> memref<80x125xi32, #tpu.memory_space<hbm>>
      %dma_start3A_49 = arith.constant 0 : i32
      %dma_start3A_50 = tpu.memref_slice %arg3[%run_scoped3A, %mul3A_14, %dma_start3A_49] : memref<2x2560x125xi32, #tpu.memory_space<hbm>> -> memref<1x80x125xi32, #tpu.memory_space<hbm>>
      %dma_start3A_51 = tpu.memref_squeeze %dma_start3A_50 : memref<1x80x125xi32, #tpu.memory_space<hbm>> -> memref<80x125xi32, #tpu.memory_space<hbm>>
      tpu.enqueue_dma source(%dma_start3A_51 : memref<80x125xi32, #tpu.memory_space<hbm>>) target(%arg6 : memref<80x125xi32, #tpu.memory_space<vmem>>) target_semaphore(%run_scoped3A_45 : memref<!tpu.dma_semaphore, #tpu.memory_space<semaphore_mem>>)
      %dma_wait3A = arith.constant 0 : i32
      %dma_wait3A_52 = tpu.memref_slice %arg3[%run_scoped3A, %mul3A_14, %dma_wait3A] : memref<2x2560x125xi32, #tpu.memory_space<hbm>> -> memref<1x80x125xi32, #tpu.memory_space<hbm>>
      %dma_wait3A_53 = tpu.memref_squeeze %dma_wait3A_52 : memref<1x80x125xi32, #tpu.memory_space<hbm>> -> memref<80x125xi32, #tpu.memory_space<hbm>>
      %dma_wait3A_54 = arith.constant 0 : i32
      %dma_wait3A_55 = tpu.memref_slice %arg3[%run_scoped3A, %mul3A_14, %dma_wait3A_54] : memref<2x2560x125xi32, #tpu.memory_space<hbm>> -> memref<1x80x125xi32, #tpu.memory_space<hbm>>
      %dma_wait3A_56 = tpu.memref_squeeze %dma_wait3A_55 : memref<1x80x125xi32, #tpu.memory_space<hbm>> -> memref<80x125xi32, #tpu.memory_space<hbm>>
      tpu.wait_dma2 semaphore(%run_scoped3A_45 : memref<!tpu.dma_semaphore, #tpu.memory_space<semaphore_mem>>) src(%dma_wait3A_56 : memref<80x125xi32, #tpu.memory_space<hbm>>) dst(%arg6 : memref<80x125xi32, #tpu.memory_space<vmem>>)
      tpu.yield
    }) : () -> ()
    %run_scoped3A_15 = arith.constant 1 : i32
    "tpu.region"() ({
      %run_scoped3A_45 = tpu.sem_alloc : memref<!tpu.dma_semaphore, #tpu.memory_space<semaphore_mem>>
      %dma_start3A_46 = arith.constant 0 : i32
      %dma_start3A_47 = tpu.memref_slice %arg3[%run_scoped3A_15, %mul3A_14, %dma_start3A_46] : memref<2x2560x125xi32, #tpu.memory_space<hbm>> -> memref<1x80x125xi32, #tpu.memory_space<hbm>>
      %dma_start3A_48 = tpu.memref_squeeze %dma_start3A_47 : memref<1x80x125xi32, #tpu.memory_space<hbm>> -> memref<80x125xi32, #tpu.memory_space<hbm>>
      %dma_start3A_49 = arith.constant 0 : i32
      %dma_start3A_50 = tpu.memref_slice %arg3[%run_scoped3A_15, %mul3A_14, %dma_start3A_49] : memref<2x2560x125xi32, #tpu.memory_space<hbm>> -> memref<1x80x125xi32, #tpu.memory_space<hbm>>
      %dma_start3A_51 = tpu.memref_squeeze %dma_start3A_50 : memref<1x80x125xi32, #tpu.memory_space<hbm>> -> memref<80x125xi32, #tpu.memory_space<hbm>>
      tpu.enqueue_dma source(%dma_start3A_51 : memref<80x125xi32, #tpu.memory_space<hbm>>) target(%arg7 : memref<80x125xi32, #tpu.memory_space<vmem>>) target_semaphore(%run_scoped3A_45 : memref<!tpu.dma_semaphore, #tpu.memory_space<semaphore_mem>>)
      %dma_wait3A = arith.constant 0 : i32
      %dma_wait3A_52 = tpu.memref_slice %arg3[%run_scoped3A_15, %mul3A_14, %dma_wait3A] : memref<2x2560x125xi32, #tpu.memory_space<hbm>> -> memref<1x80x125xi32, #tpu.memory_space<hbm>>
      %dma_wait3A_53 = tpu.memref_squeeze %dma_wait3A_52 : memref<1x80x125xi32, #tpu.memory_space<hbm>> -> memref<80x125xi32, #tpu.memory_space<hbm>>
      %dma_wait3A_54 = arith.constant 0 : i32
      %dma_wait3A_55 = tpu.memref_slice %arg3[%run_scoped3A_15, %mul3A_14, %dma_wait3A_54] : memref<2x2560x125xi32, #tpu.memory_space<hbm>> -> memref<1x80x125xi32, #tpu.memory_space<hbm>>
      %dma_wait3A_56 = tpu.memref_squeeze %dma_wait3A_55 : memref<1x80x125xi32, #tpu.memory_space<hbm>> -> memref<80x125xi32, #tpu.memory_space<hbm>>
      tpu.wait_dma2 semaphore(%run_scoped3A_45 : memref<!tpu.dma_semaphore, #tpu.memory_space<semaphore_mem>>) src(%dma_wait3A_56 : memref<80x125xi32, #tpu.memory_space<hbm>>) dst(%arg7 : memref<80x125xi32, #tpu.memory_space<vmem>>)
      tpu.yield
    }) : () -> ()
    %dma_start3A = arith.constant 0 : i32
    %dma_start3A_16 = arith.constant 0 : i32
    %dma_start3A_17 = tpu.memref_slice %arg6[%dma_start3A, %dma_start3A_16] : memref<80x125xi32, #tpu.memory_space<vmem>> -> memref<1x125xi32, #tpu.memory_space<vmem>>
    %dma_start3A_18 = tpu.memref_squeeze %dma_start3A_17 : memref<1x125xi32, #tpu.memory_space<vmem>> -> memref<125xi32, #tpu.memory_space<vmem>>
    %dma_start3A_19 = arith.constant 0 : i32
    %dma_start3A_20 = arith.constant 0 : i32
    %dma_start3A_21 = tpu.memref_slice %arg2[%dma_start3A_19, %dma_start3A_20] : memref<10000x64xf32, #tpu.memory_space<hbm>> -> memref<10000x64xf32, #tpu.memory_space<hbm>>
    tpu.enqueue_indirect_dma source(%dma_start3A_21 : memref<10000x64xf32, #tpu.memory_space<hbm>>) target(%arg8 : memref<125x64xf32, #tpu.memory_space<vmem>>) offsets(%dma_start3A_18 : memref<125xi32, #tpu.memory_space<vmem>>) semaphore(%arg13 : memref<!tpu.dma_semaphore, #tpu.memory_space<semaphore_mem>>)
    %dma_start3A_22 = arith.constant 1 : i32
    %dma_start3A_23 = arith.constant 0 : i32
    %dma_start3A_24 = tpu.memref_slice %arg6[%dma_start3A_22, %dma_start3A_23] : memref<80x125xi32, #tpu.memory_space<vmem>> -> memref<1x125xi32, #tpu.memory_space<vmem>>
    %dma_start3A_25 = tpu.memref_squeeze %dma_start3A_24 : memref<1x125xi32, #tpu.memory_space<vmem>> -> memref<125xi32, #tpu.memory_space<vmem>>
    %dma_start3A_26 = arith.constant 0 : i32
    %dma_start3A_27 = arith.constant 0 : i32
    %dma_start3A_28 = tpu.memref_slice %arg2[%dma_start3A_26, %dma_start3A_27] : memref<10000x64xf32, #tpu.memory_space<hbm>> -> memref<10000x64xf32, #tpu.memory_space<hbm>>
    tpu.enqueue_indirect_dma source(%dma_start3A_28 : memref<10000x64xf32, #tpu.memory_space<hbm>>) target(%arg9 : memref<125x64xf32, #tpu.memory_space<vmem>>) offsets(%dma_start3A_25 : memref<125xi32, #tpu.memory_space<vmem>>) semaphore(%arg13 : memref<!tpu.dma_semaphore, #tpu.memory_space<semaphore_mem>>)
    %scan3A_29 = arith.constant 0 : i32
    %scan3A_30 = arith.constant 20 : i32
    %scan3A_31 = arith.addi %scan3A_29, %scan3A_30 : i32
    %scan3A_32 = arith.constant 1 : i32
    scf.for %scan3A_45 = %scan3A_29 to %scan3A_31 step %scan3A_32  : i32 {
      %mul3A_46 = arith.constant 2 : i32
      %mul3A_47 = arith.muli %scan3A_45, %mul3A_46 : i32
      %mul3A_48 = arith.constant 2 : i32
      %mul3A_49 = arith.muli %mul3A_47, %mul3A_48 : i32
      %add3A_50 = arith.constant 2 : i32
      %add3A_51 = arith.addi %mul3A_49, %add3A_50 : i32
      %add3A_52 = arith.constant 0 : i32
      %add3A_53 = arith.addi %add3A_51, %add3A_52 : i32
      %dma_start3A_54 = arith.constant 0 : i32
      %dma_start3A_55 = tpu.memref_slice %arg6[%add3A_53, %dma_start3A_54] : memref<80x125xi32, #tpu.memory_space<vmem>> -> memref<1x125xi32, #tpu.memory_space<vmem>>
      %dma_start3A_56 = tpu.memref_squeeze %dma_start3A_55 : memref<1x125xi32, #tpu.memory_space<vmem>> -> memref<125xi32, #tpu.memory_space<vmem>>
      %dma_start3A_57 = arith.constant 0 : i32
      %dma_start3A_58 = arith.constant 0 : i32
      %dma_start3A_59 = tpu.memref_slice %arg2[%dma_start3A_57, %dma_start3A_58] : memref<10000x64xf32, #tpu.memory_space<hbm>> -> memref<10000x64xf32, #tpu.memory_space<hbm>>
      tpu.enqueue_indirect_dma source(%dma_start3A_59 : memref<10000x64xf32, #tpu.memory_space<hbm>>) target(%arg10 : memref<125x64xf32, #tpu.memory_space<vmem>>) offsets(%dma_start3A_56 : memref<125xi32, #tpu.memory_space<vmem>>) semaphore(%arg14 : memref<!tpu.dma_semaphore, #tpu.memory_space<semaphore_mem>>)
      %add3A_60 = arith.constant 2 : i32
      %add3A_61 = arith.addi %mul3A_49, %add3A_60 : i32
      %add3A_62 = arith.constant 1 : i32
      %add3A_63 = arith.addi %add3A_61, %add3A_62 : i32
      %dma_start3A_64 = arith.constant 0 : i32
      %dma_start3A_65 = tpu.memref_slice %arg6[%add3A_63, %dma_start3A_64] : memref<80x125xi32, #tpu.memory_space<vmem>> -> memref<1x125xi32, #tpu.memory_space<vmem>>
      %dma_start3A_66 = tpu.memref_squeeze %dma_start3A_65 : memref<1x125xi32, #tpu.memory_space<vmem>> -> memref<125xi32, #tpu.memory_space<vmem>>
      %dma_start3A_67 = arith.constant 0 : i32
      %dma_start3A_68 = arith.constant 0 : i32
      %dma_start3A_69 = tpu.memref_slice %arg2[%dma_start3A_67, %dma_start3A_68] : memref<10000x64xf32, #tpu.memory_space<hbm>> -> memref<10000x64xf32, #tpu.memory_space<hbm>>
      tpu.enqueue_indirect_dma source(%dma_start3A_69 : memref<10000x64xf32, #tpu.memory_space<hbm>>) target(%arg11 : memref<125x64xf32, #tpu.memory_space<vmem>>) offsets(%dma_start3A_66 : memref<125xi32, #tpu.memory_space<vmem>>) semaphore(%arg14 : memref<!tpu.dma_semaphore, #tpu.memory_space<semaphore_mem>>)
      %add3A_70 = arith.constant 0 : i32
      %add3A_71 = arith.addi %mul3A_49, %add3A_70 : i32
      %dma_wait3A = arith.constant 0 : i32
      %dma_wait3A_72 = tpu.memref_slice %arg6[%add3A_71, %dma_wait3A] : memref<80x125xi32, #tpu.memory_space<vmem>> -> memref<1x125xi32, #tpu.memory_space<vmem>>
      %dma_wait3A_73 = tpu.memref_squeeze %dma_wait3A_72 : memref<1x125xi32, #tpu.memory_space<vmem>> -> memref<125xi32, #tpu.memory_space<vmem>>
      %dma_wait3A_74 = arith.constant 0 : i32
      %dma_wait3A_75 = arith.constant 0 : i32
      %dma_wait3A_76 = tpu.memref_slice %arg2[%dma_wait3A_74, %dma_wait3A_75] : memref<10000x64xf32, #tpu.memory_space<hbm>> -> memref<10000x64xf32, #tpu.memory_space<hbm>>
      tpu.wait_indirect_dma semaphore(%arg13 : memref<!tpu.dma_semaphore, #tpu.memory_space<semaphore_mem>>) src(%dma_wait3A_76 : memref<10000x64xf32, #tpu.memory_space<hbm>>) dst(%arg8 : memref<125x64xf32, #tpu.memory_space<vmem>>)
      %add3A_77 = arith.constant 0 : i32
      %add3A_78 = arith.addi %mul3A_49, %add3A_77 : i32
      "tpu.region"() ({
        %run_scoped3A_121 = tpu.sem_alloc : memref<!tpu.dma_semaphore, #tpu.memory_space<semaphore_mem>>
        %dma_start3A_122 = arith.constant 0 : i32
        %dma_start3A_123 = tpu.memref_slice %arg7[%add3A_78, %dma_start3A_122] : memref<80x125xi32, #tpu.memory_space<vmem>> -> memref<1x125xi32, #tpu.memory_space<vmem>>
        %dma_start3A_124 = tpu.memref_squeeze %dma_start3A_123 : memref<1x125xi32, #tpu.memory_space<vmem>> -> memref<125xi32, #tpu.memory_space<vmem>>
        %dma_start3A_125 = arith.constant 0 : i32
        %dma_start3A_126 = arith.constant 0 : i32
        %dma_start3A_127 = tpu.memref_slice %arg15[%dma_start3A_125, %dma_start3A_126] : memref<10000x64xf32, #tpu.memory_space<vmem_shared>> -> memref<10000x64xf32, #tpu.memory_space<vmem_shared>>
        tpu.enqueue_indirect_dma source(%arg8 : memref<125x64xf32, #tpu.memory_space<vmem>>) target(%dma_start3A_127 : memref<10000x64xf32, #tpu.memory_space<vmem_shared>>) offsets(%dma_start3A_124 : memref<125xi32, #tpu.memory_space<vmem>>) semaphore(%run_scoped3A_121 : memref<!tpu.dma_semaphore, #tpu.memory_space<semaphore_mem>>) {add = true}
        %dma_wait3A_128 = arith.constant 0 : i32
        %dma_wait3A_129 = tpu.memref_slice %arg7[%add3A_78, %dma_wait3A_128] : memref<80x125xi32, #tpu.memory_space<vmem>> -> memref<1x125xi32, #tpu.memory_space<vmem>>
        %dma_wait3A_130 = tpu.memref_squeeze %dma_wait3A_129 : memref<1x125xi32, #tpu.memory_space<vmem>> -> memref<125xi32, #tpu.memory_space<vmem>>
        %dma_wait3A_131 = arith.constant 0 : i32
        %dma_wait3A_132 = arith.constant 0 : i32
        %dma_wait3A_133 = tpu.memref_slice %arg15[%dma_wait3A_131, %dma_wait3A_132] : memref<10000x64xf32, #tpu.memory_space<vmem_shared>> -> memref<10000x64xf32, #tpu.memory_space<vmem_shared>>
        tpu.wait_indirect_dma semaphore(%run_scoped3A_121 : memref<!tpu.dma_semaphore, #tpu.memory_space<semaphore_mem>>) src(%arg8 : memref<125x64xf32, #tpu.memory_space<vmem>>) dst(%dma_wait3A_133 : memref<10000x64xf32, #tpu.memory_space<vmem_shared>>)
        tpu.yield
      }) : () -> ()
      %add3A_79 = arith.constant 1 : i32
      %add3A_80 = arith.addi %mul3A_49, %add3A_79 : i32
      %dma_wait3A_81 = arith.constant 0 : i32
      %dma_wait3A_82 = tpu.memref_slice %arg6[%add3A_80, %dma_wait3A_81] : memref<80x125xi32, #tpu.memory_space<vmem>> -> memref<1x125xi32, #tpu.memory_space<vmem>>
      %dma_wait3A_83 = tpu.memref_squeeze %dma_wait3A_82 : memref<1x125xi32, #tpu.memory_space<vmem>> -> memref<125xi32, #tpu.memory_space<vmem>>
      %dma_wait3A_84 = arith.constant 0 : i32
      %dma_wait3A_85 = arith.constant 0 : i32
      %dma_wait3A_86 = tpu.memref_slice %arg2[%dma_wait3A_84, %dma_wait3A_85] : memref<10000x64xf32, #tpu.memory_space<hbm>> -> memref<10000x64xf32, #tpu.memory_space<hbm>>
      tpu.wait_indirect_dma semaphore(%arg13 : memref<!tpu.dma_semaphore, #tpu.memory_space<semaphore_mem>>) src(%dma_wait3A_86 : memref<10000x64xf32, #tpu.memory_space<hbm>>) dst(%arg9 : memref<125x64xf32, #tpu.memory_space<vmem>>)
      %add3A_87 = arith.constant 1 : i32
      %add3A_88 = arith.addi %mul3A_49, %add3A_87 : i32
      "tpu.region"() ({
        %run_scoped3A_121 = tpu.sem_alloc : memref<!tpu.dma_semaphore, #tpu.memory_space<semaphore_mem>>
        %dma_start3A_122 = arith.constant 0 : i32
        %dma_start3A_123 = tpu.memref_slice %arg7[%add3A_88, %dma_start3A_122] : memref<80x125xi32, #tpu.memory_space<vmem>> -> memref<1x125xi32, #tpu.memory_space<vmem>>
        %dma_start3A_124 = tpu.memref_squeeze %dma_start3A_123 : memref<1x125xi32, #tpu.memory_space<vmem>> -> memref<125xi32, #tpu.memory_space<vmem>>
        %dma_start3A_125 = arith.constant 0 : i32
        %dma_start3A_126 = arith.constant 0 : i32
        %dma_start3A_127 = tpu.memref_slice %arg15[%dma_start3A_125, %dma_start3A_126] : memref<10000x64xf32, #tpu.memory_space<vmem_shared>> -> memref<10000x64xf32, #tpu.memory_space<vmem_shared>>
        tpu.enqueue_indirect_dma source(%arg9 : memref<125x64xf32, #tpu.memory_space<vmem>>) target(%dma_start3A_127 : memref<10000x64xf32, #tpu.memory_space<vmem_shared>>) offsets(%dma_start3A_124 : memref<125xi32, #tpu.memory_space<vmem>>) semaphore(%run_scoped3A_121 : memref<!tpu.dma_semaphore, #tpu.memory_space<semaphore_mem>>) {add = true}
        %dma_wait3A_128 = arith.constant 0 : i32
        %dma_wait3A_129 = tpu.memref_slice %arg7[%add3A_88, %dma_wait3A_128] : memref<80x125xi32, #tpu.memory_space<vmem>> -> memref<1x125xi32, #tpu.memory_space<vmem>>
        %dma_wait3A_130 = tpu.memref_squeeze %dma_wait3A_129 : memref<1x125xi32, #tpu.memory_space<vmem>> -> memref<125xi32, #tpu.memory_space<vmem>>
        %dma_wait3A_131 = arith.constant 0 : i32
        %dma_wait3A_132 = arith.constant 0 : i32
        %dma_wait3A_133 = tpu.memref_slice %arg15[%dma_wait3A_131, %dma_wait3A_132] : memref<10000x64xf32, #tpu.memory_space<vmem_shared>> -> memref<10000x64xf32, #tpu.memory_space<vmem_shared>>
        tpu.wait_indirect_dma semaphore(%run_scoped3A_121 : memref<!tpu.dma_semaphore, #tpu.memory_space<semaphore_mem>>) src(%arg9 : memref<125x64xf32, #tpu.memory_space<vmem>>) dst(%dma_wait3A_133 : memref<10000x64xf32, #tpu.memory_space<vmem_shared>>)
        tpu.yield
      }) : () -> ()
      %lt3A = arith.constant 19 : i32
      %lt3A_89 = arith.cmpi slt, %scan3A_45, %lt3A : i32
      %convert_element_type3A_90 = arith.extui %lt3A_89 : i1 to i32
      %cond3A_91 = arith.constant 0 : i32
      %cond3A_92 = arith.cmpi ne, %convert_element_type3A_90, %cond3A_91 : i32
      scf.if %cond3A_92 {
        %add3A_121 = arith.constant 4 : i32
        %add3A_122 = arith.addi %mul3A_49, %add3A_121 : i32
        %add3A_123 = arith.constant 0 : i32
        %add3A_124 = arith.addi %add3A_122, %add3A_123 : i32
        %dma_start3A_125 = arith.constant 0 : i32
        %dma_start3A_126 = tpu.memref_slice %arg6[%add3A_124, %dma_start3A_125] : memref<80x125xi32, #tpu.memory_space<vmem>> -> memref<1x125xi32, #tpu.memory_space<vmem>>
        %dma_start3A_127 = tpu.memref_squeeze %dma_start3A_126 : memref<1x125xi32, #tpu.memory_space<vmem>> -> memref<125xi32, #tpu.memory_space<vmem>>
        %dma_start3A_128 = arith.constant 0 : i32
        %dma_start3A_129 = arith.constant 0 : i32
        %dma_start3A_130 = tpu.memref_slice %arg2[%dma_start3A_128, %dma_start3A_129] : memref<10000x64xf32, #tpu.memory_space<hbm>> -> memref<10000x64xf32, #tpu.memory_space<hbm>>
        tpu.enqueue_indirect_dma source(%dma_start3A_130 : memref<10000x64xf32, #tpu.memory_space<hbm>>) target(%arg8 : memref<125x64xf32, #tpu.memory_space<vmem>>) offsets(%dma_start3A_127 : memref<125xi32, #tpu.memory_space<vmem>>) semaphore(%arg13 : memref<!tpu.dma_semaphore, #tpu.memory_space<semaphore_mem>>)
        %add3A_131 = arith.constant 4 : i32
        %add3A_132 = arith.addi %mul3A_49, %add3A_131 : i32
        %add3A_133 = arith.constant 1 : i32
        %add3A_134 = arith.addi %add3A_132, %add3A_133 : i32
        %dma_start3A_135 = arith.constant 0 : i32
        %dma_start3A_136 = tpu.memref_slice %arg6[%add3A_134, %dma_start3A_135] : memref<80x125xi32, #tpu.memory_space<vmem>> -> memref<1x125xi32, #tpu.memory_space<vmem>>
        %dma_start3A_137 = tpu.memref_squeeze %dma_start3A_136 : memref<1x125xi32, #tpu.memory_space<vmem>> -> memref<125xi32, #tpu.memory_space<vmem>>
        %dma_start3A_138 = arith.constant 0 : i32
        %dma_start3A_139 = arith.constant 0 : i32
        %dma_start3A_140 = tpu.memref_slice %arg2[%dma_start3A_138, %dma_start3A_139] : memref<10000x64xf32, #tpu.memory_space<hbm>> -> memref<10000x64xf32, #tpu.memory_space<hbm>>
        tpu.enqueue_indirect_dma source(%dma_start3A_140 : memref<10000x64xf32, #tpu.memory_space<hbm>>) target(%arg9 : memref<125x64xf32, #tpu.memory_space<vmem>>) offsets(%dma_start3A_137 : memref<125xi32, #tpu.memory_space<vmem>>) semaphore(%arg13 : memref<!tpu.dma_semaphore, #tpu.memory_space<semaphore_mem>>)
      } else {
      }
      %add3A_93 = arith.constant 2 : i32
      %add3A_94 = arith.addi %mul3A_49, %add3A_93 : i32
      %add3A_95 = arith.constant 0 : i32
      %add3A_96 = arith.addi %add3A_94, %add3A_95 : i32
      %dma_wait3A_97 = arith.constant 0 : i32
      %dma_wait3A_98 = tpu.memref_slice %arg6[%add3A_96, %dma_wait3A_97] : memref<80x125xi32, #tpu.memory_space<vmem>> -> memref<1x125xi32, #tpu.memory_space<vmem>>
      %dma_wait3A_99 = tpu.memref_squeeze %dma_wait3A_98 : memref<1x125xi32, #tpu.memory_space<vmem>> -> memref<125xi32, #tpu.memory_space<vmem>>
      %dma_wait3A_100 = arith.constant 0 : i32
      %dma_wait3A_101 = arith.constant 0 : i32
      %dma_wait3A_102 = tpu.memref_slice %arg2[%dma_wait3A_100, %dma_wait3A_101] : memref<10000x64xf32, #tpu.memory_space<hbm>> -> memref<10000x64xf32, #tpu.memory_space<hbm>>
      tpu.wait_indirect_dma semaphore(%arg14 : memref<!tpu.dma_semaphore, #tpu.memory_space<semaphore_mem>>) src(%dma_wait3A_102 : memref<10000x64xf32, #tpu.memory_space<hbm>>) dst(%arg10 : memref<125x64xf32, #tpu.memory_space<vmem>>)
      %add3A_103 = arith.constant 2 : i32
      %add3A_104 = arith.addi %mul3A_49, %add3A_103 : i32
      %add3A_105 = arith.constant 0 : i32
      %add3A_106 = arith.addi %add3A_104, %add3A_105 : i32
      "tpu.region"() ({
        %run_scoped3A_121 = tpu.sem_alloc : memref<!tpu.dma_semaphore, #tpu.memory_space<semaphore_mem>>
        %dma_start3A_122 = arith.constant 0 : i32
        %dma_start3A_123 = tpu.memref_slice %arg7[%add3A_106, %dma_start3A_122] : memref<80x125xi32, #tpu.memory_space<vmem>> -> memref<1x125xi32, #tpu.memory_space<vmem>>
        %dma_start3A_124 = tpu.memref_squeeze %dma_start3A_123 : memref<1x125xi32, #tpu.memory_space<vmem>> -> memref<125xi32, #tpu.memory_space<vmem>>
        %dma_start3A_125 = arith.constant 0 : i32
        %dma_start3A_126 = arith.constant 0 : i32
        %dma_start3A_127 = tpu.memref_slice %arg15[%dma_start3A_125, %dma_start3A_126] : memref<10000x64xf32, #tpu.memory_space<vmem_shared>> -> memref<10000x64xf32, #tpu.memory_space<vmem_shared>>
        tpu.enqueue_indirect_dma source(%arg10 : memref<125x64xf32, #tpu.memory_space<vmem>>) target(%dma_start3A_127 : memref<10000x64xf32, #tpu.memory_space<vmem_shared>>) offsets(%dma_start3A_124 : memref<125xi32, #tpu.memory_space<vmem>>) semaphore(%run_scoped3A_121 : memref<!tpu.dma_semaphore, #tpu.memory_space<semaphore_mem>>) {add = true}
        %dma_wait3A_128 = arith.constant 0 : i32
        %dma_wait3A_129 = tpu.memref_slice %arg7[%add3A_106, %dma_wait3A_128] : memref<80x125xi32, #tpu.memory_space<vmem>> -> memref<1x125xi32, #tpu.memory_space<vmem>>
        %dma_wait3A_130 = tpu.memref_squeeze %dma_wait3A_129 : memref<1x125xi32, #tpu.memory_space<vmem>> -> memref<125xi32, #tpu.memory_space<vmem>>
        %dma_wait3A_131 = arith.constant 0 : i32
        %dma_wait3A_132 = arith.constant 0 : i32
        %dma_wait3A_133 = tpu.memref_slice %arg15[%dma_wait3A_131, %dma_wait3A_132] : memref<10000x64xf32, #tpu.memory_space<vmem_shared>> -> memref<10000x64xf32, #tpu.memory_space<vmem_shared>>
        tpu.wait_indirect_dma semaphore(%run_scoped3A_121 : memref<!tpu.dma_semaphore, #tpu.memory_space<semaphore_mem>>) src(%arg10 : memref<125x64xf32, #tpu.memory_space<vmem>>) dst(%dma_wait3A_133 : memref<10000x64xf32, #tpu.memory_space<vmem_shared>>)
        tpu.yield
      }) : () -> ()
      %add3A_107 = arith.constant 2 : i32
      %add3A_108 = arith.addi %mul3A_49, %add3A_107 : i32
      %add3A_109 = arith.constant 1 : i32
      %add3A_110 = arith.addi %add3A_108, %add3A_109 : i32
      %dma_wait3A_111 = arith.constant 0 : i32
      %dma_wait3A_112 = tpu.memref_slice %arg6[%add3A_110, %dma_wait3A_111] : memref<80x125xi32, #tpu.memory_space<vmem>> -> memref<1x125xi32, #tpu.memory_space<vmem>>
      %dma_wait3A_113 = tpu.memref_squeeze %dma_wait3A_112 : memref<1x125xi32, #tpu.memory_space<vmem>> -> memref<125xi32, #tpu.memory_space<vmem>>
      %dma_wait3A_114 = arith.constant 0 : i32
      %dma_wait3A_115 = arith.constant 0 : i32
      %dma_wait3A_116 = tpu.memref_slice %arg2[%dma_wait3A_114, %dma_wait3A_115] : memref<10000x64xf32, #tpu.memory_space<hbm>> -> memref<10000x64xf32, #tpu.memory_space<hbm>>
      tpu.wait_indirect_dma semaphore(%arg14 : memref<!tpu.dma_semaphore, #tpu.memory_space<semaphore_mem>>) src(%dma_wait3A_116 : memref<10000x64xf32, #tpu.memory_space<hbm>>) dst(%arg11 : memref<125x64xf32, #tpu.memory_space<vmem>>)
      %add3A_117 = arith.constant 2 : i32
      %add3A_118 = arith.addi %mul3A_49, %add3A_117 : i32
      %add3A_119 = arith.constant 1 : i32
      %add3A_120 = arith.addi %add3A_118, %add3A_119 : i32
      "tpu.region"() ({
        %run_scoped3A_121 = tpu.sem_alloc : memref<!tpu.dma_semaphore, #tpu.memory_space<semaphore_mem>>
        %dma_start3A_122 = arith.constant 0 : i32
        %dma_start3A_123 = tpu.memref_slice %arg7[%add3A_120, %dma_start3A_122] : memref<80x125xi32, #tpu.memory_space<vmem>> -> memref<1x125xi32, #tpu.memory_space<vmem>>
        %dma_start3A_124 = tpu.memref_squeeze %dma_start3A_123 : memref<1x125xi32, #tpu.memory_space<vmem>> -> memref<125xi32, #tpu.memory_space<vmem>>
        %dma_start3A_125 = arith.constant 0 : i32
        %dma_start3A_126 = arith.constant 0 : i32
        %dma_start3A_127 = tpu.memref_slice %arg15[%dma_start3A_125, %dma_start3A_126] : memref<10000x64xf32, #tpu.memory_space<vmem_shared>> -> memref<10000x64xf32, #tpu.memory_space<vmem_shared>>
        tpu.enqueue_indirect_dma source(%arg11 : memref<125x64xf32, #tpu.memory_space<vmem>>) target(%dma_start3A_127 : memref<10000x64xf32, #tpu.memory_space<vmem_shared>>) offsets(%dma_start3A_124 : memref<125xi32, #tpu.memory_space<vmem>>) semaphore(%run_scoped3A_121 : memref<!tpu.dma_semaphore, #tpu.memory_space<semaphore_mem>>) {add = true}
        %dma_wait3A_128 = arith.constant 0 : i32
        %dma_wait3A_129 = tpu.memref_slice %arg7[%add3A_120, %dma_wait3A_128] : memref<80x125xi32, #tpu.memory_space<vmem>> -> memref<1x125xi32, #tpu.memory_space<vmem>>
        %dma_wait3A_130 = tpu.memref_squeeze %dma_wait3A_129 : memref<1x125xi32, #tpu.memory_space<vmem>> -> memref<125xi32, #tpu.memory_space<vmem>>
        %dma_wait3A_131 = arith.constant 0 : i32
        %dma_wait3A_132 = arith.constant 0 : i32
        %dma_wait3A_133 = tpu.memref_slice %arg15[%dma_wait3A_131, %dma_wait3A_132] : memref<10000x64xf32, #tpu.memory_space<vmem_shared>> -> memref<10000x64xf32, #tpu.memory_space<vmem_shared>>
        tpu.wait_indirect_dma semaphore(%run_scoped3A_121 : memref<!tpu.dma_semaphore, #tpu.memory_space<semaphore_mem>>) src(%arg11 : memref<125x64xf32, #tpu.memory_space<vmem>>) dst(%dma_wait3A_133 : memref<10000x64xf32, #tpu.memory_space<vmem_shared>>)
        tpu.yield
      }) : () -> ()
    }
    %scan3A_33 = arith.constant 20 : i32
    %barrier3A_34 = arith.constant 0 : index
    tpu.barrier barrier_id(%barrier3A_34)
    %scan3A_35 = arith.constant 0 : i32
    %scan3A_36 = arith.constant 6 : i32
    %scan3A_37 = arith.addi %scan3A_35, %scan3A_36 : i32
    %scan3A_38 = arith.constant 1 : i32
    scf.for %scan3A_45 = %scan3A_35 to %scan3A_37 step %scan3A_38  : i32 {
      %mul3A_46 = arith.constant 624 : i32
      %mul3A_47 = arith.muli %arg1, %mul3A_46 : i32
      %mul3A_48 = arith.constant 104 : i32
      %mul3A_49 = arith.muli %scan3A_45, %mul3A_48 : i32
      %add3A_50 = arith.addi %mul3A_47, %mul3A_49 : i32
      "tpu.region"() ({
        %run_scoped3A_61 = tpu.sem_alloc : memref<!tpu.dma_semaphore, #tpu.memory_space<semaphore_mem>>
        %dma_start3A_62 = arith.constant 0 : i32
        %dma_start3A_63 = arith.constant 0 : i32
        %dma_start3A_64 = tpu.memref_slice %arg12[%dma_start3A_62, %dma_start3A_63] : memref<104x128xf32, #tpu.memory_space<vmem>> -> memref<104x64xf32, #tpu.memory_space<vmem>>
        %dma_start3A_65 = arith.constant 0 : i32
        %dma_start3A_66 = tpu.memref_slice %arg15[%add3A_50, %dma_start3A_65] : memref<10000x64xf32, #tpu.memory_space<vmem_shared>> -> memref<104x64xf32, #tpu.memory_space<vmem_shared>>
        %dma_start3A_67 = arith.constant 0 : i32
        %dma_start3A_68 = arith.constant 0 : i32
        %dma_start3A_69 = tpu.memref_slice %arg12[%dma_start3A_67, %dma_start3A_68] : memref<104x128xf32, #tpu.memory_space<vmem>> -> memref<104x64xf32, #tpu.memory_space<vmem>>
        %dma_start3A_70 = arith.constant 0 : i32
        %dma_start3A_71 = tpu.memref_slice %arg15[%add3A_50, %dma_start3A_70] : memref<10000x64xf32, #tpu.memory_space<vmem_shared>> -> memref<104x64xf32, #tpu.memory_space<vmem_shared>>
        tpu.enqueue_dma source(%dma_start3A_71 : memref<104x64xf32, #tpu.memory_space<vmem_shared>>) target(%dma_start3A_69 : memref<104x64xf32, #tpu.memory_space<vmem>>) target_semaphore(%run_scoped3A_61 : memref<!tpu.dma_semaphore, #tpu.memory_space<semaphore_mem>>)
        %dma_wait3A = arith.constant 0 : i32
        %dma_wait3A_72 = arith.constant 0 : i32
        %dma_wait3A_73 = tpu.memref_slice %arg12[%dma_wait3A, %dma_wait3A_72] : memref<104x128xf32, #tpu.memory_space<vmem>> -> memref<104x64xf32, #tpu.memory_space<vmem>>
        %dma_wait3A_74 = arith.constant 0 : i32
        %dma_wait3A_75 = tpu.memref_slice %arg15[%add3A_50, %dma_wait3A_74] : memref<10000x64xf32, #tpu.memory_space<vmem_shared>> -> memref<104x64xf32, #tpu.memory_space<vmem_shared>>
        %dma_wait3A_76 = arith.constant 0 : i32
        %dma_wait3A_77 = arith.constant 0 : i32
        %dma_wait3A_78 = tpu.memref_slice %arg12[%dma_wait3A_76, %dma_wait3A_77] : memref<104x128xf32, #tpu.memory_space<vmem>> -> memref<104x64xf32, #tpu.memory_space<vmem>>
        %dma_wait3A_79 = arith.constant 0 : i32
        %dma_wait3A_80 = tpu.memref_slice %arg15[%add3A_50, %dma_wait3A_79] : memref<10000x64xf32, #tpu.memory_space<vmem_shared>> -> memref<104x64xf32, #tpu.memory_space<vmem_shared>>
        tpu.wait_dma2 semaphore(%run_scoped3A_61 : memref<!tpu.dma_semaphore, #tpu.memory_space<semaphore_mem>>) src(%dma_wait3A_80 : memref<104x64xf32, #tpu.memory_space<vmem_shared>>) dst(%dma_wait3A_78 : memref<104x64xf32, #tpu.memory_space<vmem>>)
        tpu.yield
      }) : () -> ()
      %eq3A_51 = arith.constant 0 : i32
      %eq3A_52 = arith.cmpi eq, %arg0, %eq3A_51 : i32
      %convert_element_type3A_53 = arith.extui %eq3A_52 : i1 to i32
      %cond3A_54 = arith.constant 0 : i32
      %cond3A_55 = arith.cmpi ne, %convert_element_type3A_53, %cond3A_54 : i32
      scf.if %cond3A_55 {
        "tpu.region"() ({
          %run_scoped3A_61 = tpu.sem_alloc : memref<!tpu.dma_semaphore, #tpu.memory_space<semaphore_mem>>
          %dma_start3A_62 = arith.constant 0 : i32
          %dma_start3A_63 = tpu.memref_slice %arg4[%add3A_50, %dma_start3A_62] : memref<10000x128xf32, #tpu.memory_space<hbm>> -> memref<104x128xf32, #tpu.memory_space<hbm>>
          %dma_start3A_64 = arith.constant 0 : i32
          %dma_start3A_65 = tpu.memref_slice %arg4[%add3A_50, %dma_start3A_64] : memref<10000x128xf32, #tpu.memory_space<hbm>> -> memref<104x128xf32, #tpu.memory_space<hbm>>
          tpu.enqueue_dma source(%arg12 : memref<104x128xf32, #tpu.memory_space<vmem>>) target(%dma_start3A_65 : memref<104x128xf32, #tpu.memory_space<hbm>>) target_semaphore(%run_scoped3A_61 : memref<!tpu.dma_semaphore, #tpu.memory_space<semaphore_mem>>)
          %dma_wait3A = arith.constant 0 : i32
          %dma_wait3A_66 = tpu.memref_slice %arg4[%add3A_50, %dma_wait3A] : memref<10000x128xf32, #tpu.memory_space<hbm>> -> memref<104x128xf32, #tpu.memory_space<hbm>>
          %dma_wait3A_67 = arith.constant 0 : i32
          %dma_wait3A_68 = tpu.memref_slice %arg4[%add3A_50, %dma_wait3A_67] : memref<10000x128xf32, #tpu.memory_space<hbm>> -> memref<104x128xf32, #tpu.memory_space<hbm>>
          tpu.wait_dma2 semaphore(%run_scoped3A_61 : memref<!tpu.dma_semaphore, #tpu.memory_space<semaphore_mem>>) src(%arg12 : memref<104x128xf32, #tpu.memory_space<vmem>>) dst(%dma_wait3A_68 : memref<104x128xf32, #tpu.memory_space<hbm>>)
          tpu.yield
        }) : () -> ()
      } else {
      }
      %eq3A_56 = arith.constant 1 : i32
      %eq3A_57 = arith.cmpi eq, %arg0, %eq3A_56 : i32
      %convert_element_type3A_58 = arith.extui %eq3A_57 : i1 to i32
      %cond3A_59 = arith.constant 0 : i32
      %cond3A_60 = arith.cmpi ne, %convert_element_type3A_58, %cond3A_59 : i32
      scf.if %cond3A_60 {
        "tpu.region"() ({
          %run_scoped3A_61 = tpu.sem_alloc : memref<!tpu.dma_semaphore, #tpu.memory_space<semaphore_mem>>
          %dma_start3A_62 = arith.constant 0 : i32
          %dma_start3A_63 = tpu.memref_slice %arg5[%add3A_50, %dma_start3A_62] : memref<10000x128xf32, #tpu.memory_space<hbm>> -> memref<104x128xf32, #tpu.memory_space<hbm>>
          %dma_start3A_64 = arith.constant 0 : i32
          %dma_start3A_65 = tpu.memref_slice %arg5[%add3A_50, %dma_start3A_64] : memref<10000x128xf32, #tpu.memory_space<hbm>> -> memref<104x128xf32, #tpu.memory_space<hbm>>
          tpu.enqueue_dma source(%arg12 : memref<104x128xf32, #tpu.memory_space<vmem>>) target(%dma_start3A_65 : memref<104x128xf32, #tpu.memory_space<hbm>>) target_semaphore(%run_scoped3A_61 : memref<!tpu.dma_semaphore, #tpu.memory_space<semaphore_mem>>)
          %dma_wait3A = arith.constant 0 : i32
          %dma_wait3A_66 = tpu.memref_slice %arg5[%add3A_50, %dma_wait3A] : memref<10000x128xf32, #tpu.memory_space<hbm>> -> memref<104x128xf32, #tpu.memory_space<hbm>>
          %dma_wait3A_67 = arith.constant 0 : i32
          %dma_wait3A_68 = tpu.memref_slice %arg5[%add3A_50, %dma_wait3A_67] : memref<10000x128xf32, #tpu.memory_space<hbm>> -> memref<104x128xf32, #tpu.memory_space<hbm>>
          tpu.wait_dma2 semaphore(%run_scoped3A_61 : memref<!tpu.dma_semaphore, #tpu.memory_space<semaphore_mem>>) src(%arg12 : memref<104x128xf32, #tpu.memory_space<vmem>>) dst(%dma_wait3A_68 : memref<104x128xf32, #tpu.memory_space<hbm>>)
          tpu.yield
        }) : () -> ()
      } else {
      }
    }
    %scan3A_39 = arith.constant 6 : i32
    %eq3A_40 = arith.constant 15 : i32
    %eq3A_41 = arith.cmpi eq, %arg1, %eq3A_40 : i32
    %convert_element_type3A_42 = arith.extui %eq3A_41 : i1 to i32
    %cond3A_43 = arith.constant 0 : i32
    %cond3A_44 = arith.cmpi ne, %convert_element_type3A_42, %cond3A_43 : i32
    scf.if %cond3A_44 {
      "tpu.region"() ({
        %run_scoped3A_55 = tpu.sem_alloc : memref<!tpu.dma_semaphore, #tpu.memory_space<semaphore_mem>>
        %dma_start3A_56 = arith.constant 0 : i32
        %dma_start3A_57 = arith.constant 0 : i32
        %dma_start3A_58 = tpu.memref_slice %arg12[%dma_start3A_56, %dma_start3A_57] : memref<104x128xf32, #tpu.memory_space<vmem>> -> memref<16x64xf32, #tpu.memory_space<vmem>>
        %dma_start3A_59 = arith.constant 9984 : i32
        %dma_start3A_60 = arith.constant 0 : i32
        %dma_start3A_61 = tpu.memref_slice %arg15[%dma_start3A_59, %dma_start3A_60] : memref<10000x64xf32, #tpu.memory_space<vmem_shared>> -> memref<16x64xf32, #tpu.memory_space<vmem_shared>>
        %dma_start3A_62 = arith.constant 0 : i32
        %dma_start3A_63 = arith.constant 0 : i32
        %dma_start3A_64 = tpu.memref_slice %arg12[%dma_start3A_62, %dma_start3A_63] : memref<104x128xf32, #tpu.memory_space<vmem>> -> memref<16x64xf32, #tpu.memory_space<vmem>>
        %dma_start3A_65 = arith.constant 9984 : i32
        %dma_start3A_66 = arith.constant 0 : i32
        %dma_start3A_67 = tpu.memref_slice %arg15[%dma_start3A_65, %dma_start3A_66] : memref<10000x64xf32, #tpu.memory_space<vmem_shared>> -> memref<16x64xf32, #tpu.memory_space<vmem_shared>>
        tpu.enqueue_dma source(%dma_start3A_67 : memref<16x64xf32, #tpu.memory_space<vmem_shared>>) target(%dma_start3A_64 : memref<16x64xf32, #tpu.memory_space<vmem>>) target_semaphore(%run_scoped3A_55 : memref<!tpu.dma_semaphore, #tpu.memory_space<semaphore_mem>>)
        %dma_wait3A = arith.constant 0 : i32
        %dma_wait3A_68 = arith.constant 0 : i32
        %dma_wait3A_69 = tpu.memref_slice %arg12[%dma_wait3A, %dma_wait3A_68] : memref<104x128xf32, #tpu.memory_space<vmem>> -> memref<16x64xf32, #tpu.memory_space<vmem>>
        %dma_wait3A_70 = arith.constant 9984 : i32
        %dma_wait3A_71 = arith.constant 0 : i32
        %dma_wait3A_72 = tpu.memref_slice %arg15[%dma_wait3A_70, %dma_wait3A_71] : memref<10000x64xf32, #tpu.memory_space<vmem_shared>> -> memref<16x64xf32, #tpu.memory_space<vmem_shared>>
        %dma_wait3A_73 = arith.constant 0 : i32
        %dma_wait3A_74 = arith.constant 0 : i32
        %dma_wait3A_75 = tpu.memref_slice %arg12[%dma_wait3A_73, %dma_wait3A_74] : memref<104x128xf32, #tpu.memory_space<vmem>> -> memref<16x64xf32, #tpu.memory_space<vmem>>
        %dma_wait3A_76 = arith.constant 9984 : i32
        %dma_wait3A_77 = arith.constant 0 : i32
        %dma_wait3A_78 = tpu.memref_slice %arg15[%dma_wait3A_76, %dma_wait3A_77] : memref<10000x64xf32, #tpu.memory_space<vmem_shared>> -> memref<16x64xf32, #tpu.memory_space<vmem_shared>>
        tpu.wait_dma2 semaphore(%run_scoped3A_55 : memref<!tpu.dma_semaphore, #tpu.memory_space<semaphore_mem>>) src(%dma_wait3A_78 : memref<16x64xf32, #tpu.memory_space<vmem_shared>>) dst(%dma_wait3A_75 : memref<16x64xf32, #tpu.memory_space<vmem>>)
        tpu.yield
      }) : () -> ()
      %eq3A_45 = arith.constant 0 : i32
      %eq3A_46 = arith.cmpi eq, %arg0, %eq3A_45 : i32
      %convert_element_type3A_47 = arith.extui %eq3A_46 : i1 to i32
      %cond3A_48 = arith.constant 0 : i32
      %cond3A_49 = arith.cmpi ne, %convert_element_type3A_47, %cond3A_48 : i32
      scf.if %cond3A_49 {
        "tpu.region"() ({
          %run_scoped3A_55 = tpu.sem_alloc : memref<!tpu.dma_semaphore, #tpu.memory_space<semaphore_mem>>
          %dma_start3A_56 = arith.constant 0 : i32
          %dma_start3A_57 = arith.constant 0 : i32
          %dma_start3A_58 = tpu.memref_slice %arg12[%dma_start3A_56, %dma_start3A_57] : memref<104x128xf32, #tpu.memory_space<vmem>> -> memref<16x128xf32, #tpu.memory_space<vmem>>
          %dma_start3A_59 = arith.constant 9984 : i32
          %dma_start3A_60 = arith.constant 0 : i32
          %dma_start3A_61 = tpu.memref_slice %arg4[%dma_start3A_59, %dma_start3A_60] : memref<10000x128xf32, #tpu.memory_space<hbm>> -> memref<16x128xf32, #tpu.memory_space<hbm>>
          %dma_start3A_62 = arith.constant 9984 : i32
          %dma_start3A_63 = arith.constant 0 : i32
          %dma_start3A_64 = tpu.memref_slice %arg4[%dma_start3A_62, %dma_start3A_63] : memref<10000x128xf32, #tpu.memory_space<hbm>> -> memref<16x128xf32, #tpu.memory_space<hbm>>
          %dma_start3A_65 = arith.constant 0 : i32
          %dma_start3A_66 = arith.constant 0 : i32
          %dma_start3A_67 = tpu.memref_slice %arg12[%dma_start3A_65, %dma_start3A_66] : memref<104x128xf32, #tpu.memory_space<vmem>> -> memref<16x128xf32, #tpu.memory_space<vmem>>
          tpu.enqueue_dma source(%dma_start3A_67 : memref<16x128xf32, #tpu.memory_space<vmem>>) target(%dma_start3A_64 : memref<16x128xf32, #tpu.memory_space<hbm>>) target_semaphore(%run_scoped3A_55 : memref<!tpu.dma_semaphore, #tpu.memory_space<semaphore_mem>>)
          %dma_wait3A = arith.constant 0 : i32
          %dma_wait3A_68 = arith.constant 0 : i32
          %dma_wait3A_69 = tpu.memref_slice %arg12[%dma_wait3A, %dma_wait3A_68] : memref<104x128xf32, #tpu.memory_space<vmem>> -> memref<16x128xf32, #tpu.memory_space<vmem>>
          %dma_wait3A_70 = arith.constant 9984 : i32
          %dma_wait3A_71 = arith.constant 0 : i32
          %dma_wait3A_72 = tpu.memref_slice %arg4[%dma_wait3A_70, %dma_wait3A_71] : memref<10000x128xf32, #tpu.memory_space<hbm>> -> memref<16x128xf32, #tpu.memory_space<hbm>>
          %dma_wait3A_73 = arith.constant 9984 : i32
          %dma_wait3A_74 = arith.constant 0 : i32
          %dma_wait3A_75 = tpu.memref_slice %arg4[%dma_wait3A_73, %dma_wait3A_74] : memref<10000x128xf32, #tpu.memory_space<hbm>> -> memref<16x128xf32, #tpu.memory_space<hbm>>
          %dma_wait3A_76 = arith.constant 0 : i32
          %dma_wait3A_77 = arith.constant 0 : i32
          %dma_wait3A_78 = tpu.memref_slice %arg12[%dma_wait3A_76, %dma_wait3A_77] : memref<104x128xf32, #tpu.memory_space<vmem>> -> memref<16x128xf32, #tpu.memory_space<vmem>>
          tpu.wait_dma2 semaphore(%run_scoped3A_55 : memref<!tpu.dma_semaphore, #tpu.memory_space<semaphore_mem>>) src(%dma_wait3A_78 : memref<16x128xf32, #tpu.memory_space<vmem>>) dst(%dma_wait3A_75 : memref<16x128xf32, #tpu.memory_space<hbm>>)
          tpu.yield
        }) : () -> ()
      } else {
      }
      %eq3A_50 = arith.constant 1 : i32
      %eq3A_51 = arith.cmpi eq, %arg0, %eq3A_50 : i32
      %convert_element_type3A_52 = arith.extui %eq3A_51 : i1 to i32
      %cond3A_53 = arith.constant 0 : i32
      %cond3A_54 = arith.cmpi ne, %convert_element_type3A_52, %cond3A_53 : i32
      scf.if %cond3A_54 {
        "tpu.region"() ({
          %run_scoped3A_55 = tpu.sem_alloc : memref<!tpu.dma_semaphore, #tpu.memory_space<semaphore_mem>>
          %dma_start3A_56 = arith.constant 0 : i32
          %dma_start3A_57 = arith.constant 0 : i32
          %dma_start3A_58 = tpu.memref_slice %arg12[%dma_start3A_56, %dma_start3A_57] : memref<104x128xf32, #tpu.memory_space<vmem>> -> memref<16x128xf32, #tpu.memory_space<vmem>>
          %dma_start3A_59 = arith.constant 9984 : i32
          %dma_start3A_60 = arith.constant 0 : i32
          %dma_start3A_61 = tpu.memref_slice %arg5[%dma_start3A_59, %dma_start3A_60] : memref<10000x128xf32, #tpu.memory_space<hbm>> -> memref<16x128xf32, #tpu.memory_space<hbm>>
          %dma_start3A_62 = arith.constant 9984 : i32
          %dma_start3A_63 = arith.constant 0 : i32
          %dma_start3A_64 = tpu.memref_slice %arg5[%dma_start3A_62, %dma_start3A_63] : memref<10000x128xf32, #tpu.memory_space<hbm>> -> memref<16x128xf32, #tpu.memory_space<hbm>>
          %dma_start3A_65 = arith.constant 0 : i32
          %dma_start3A_66 = arith.constant 0 : i32
          %dma_start3A_67 = tpu.memref_slice %arg12[%dma_start3A_65, %dma_start3A_66] : memref<104x128xf32, #tpu.memory_space<vmem>> -> memref<16x128xf32, #tpu.memory_space<vmem>>
          tpu.enqueue_dma source(%dma_start3A_67 : memref<16x128xf32, #tpu.memory_space<vmem>>) target(%dma_start3A_64 : memref<16x128xf32, #tpu.memory_space<hbm>>) target_semaphore(%run_scoped3A_55 : memref<!tpu.dma_semaphore, #tpu.memory_space<semaphore_mem>>)
          %dma_wait3A = arith.constant 0 : i32
          %dma_wait3A_68 = arith.constant 0 : i32
          %dma_wait3A_69 = tpu.memref_slice %arg12[%dma_wait3A, %dma_wait3A_68] : memref<104x128xf32, #tpu.memory_space<vmem>> -> memref<16x128xf32, #tpu.memory_space<vmem>>
          %dma_wait3A_70 = arith.constant 9984 : i32
          %dma_wait3A_71 = arith.constant 0 : i32
          %dma_wait3A_72 = tpu.memref_slice %arg5[%dma_wait3A_70, %dma_wait3A_71] : memref<10000x128xf32, #tpu.memory_space<hbm>> -> memref<16x128xf32, #tpu.memory_space<hbm>>
          %dma_wait3A_73 = arith.constant 9984 : i32
          %dma_wait3A_74 = arith.constant 0 : i32
          %dma_wait3A_75 = tpu.memref_slice %arg5[%dma_wait3A_73, %dma_wait3A_74] : memref<10000x128xf32, #tpu.memory_space<hbm>> -> memref<16x128xf32, #tpu.memory_space<hbm>>
          %dma_wait3A_76 = arith.constant 0 : i32
          %dma_wait3A_77 = arith.constant 0 : i32
          %dma_wait3A_78 = tpu.memref_slice %arg12[%dma_wait3A_76, %dma_wait3A_77] : memref<104x128xf32, #tpu.memory_space<vmem>> -> memref<16x128xf32, #tpu.memory_space<vmem>>
          tpu.wait_dma2 semaphore(%run_scoped3A_55 : memref<!tpu.dma_semaphore, #tpu.memory_space<semaphore_mem>>) src(%dma_wait3A_78 : memref<16x128xf32, #tpu.memory_space<vmem>>) dst(%dma_wait3A_75 : memref<16x128xf32, #tpu.memory_space<hbm>>)
          tpu.yield
        }) : () -> ()
      } else {
      }
    } else {
    }
    return
  }
}

#map = affine_map<(d0, d1) -> (0, 0)>
#map1 = affine_map<(d0, d1) -> (0, 0, 0)>
module attributes {stable_mosaic.version = 14 : i64} {
  func.func @_sc_agg_body(%arg0: i32, %arg1: i32, %arg2: memref<10000x64xf32, #tpu.memory_space<hbm>>, %arg3: memref<2x2560x125xi32, #tpu.memory_space<hbm>>, %arg4: memref<20000x128xf32, #tpu.memory_space<hbm>>, %arg5: memref<80x125xi32, #tpu.memory_space<vmem>>, %arg6: memref<80x125xi32, #tpu.memory_space<vmem>>, %arg7: memref<125x64xf32, #tpu.memory_space<vmem>>, %arg8: memref<125x64xf32, #tpu.memory_space<vmem>>, %arg9: memref<125x64xf32, #tpu.memory_space<vmem>>, %arg10: memref<125x64xf32, #tpu.memory_space<vmem>>, %arg11: memref<104x128xf32, #tpu.memory_space<vmem>>, %arg12: memref<!tpu.dma_semaphore, #tpu.memory_space<semaphore_mem>>, %arg13: memref<!tpu.dma_semaphore, #tpu.memory_space<semaphore_mem>>, %arg14: memref<!tpu.dma_semaphore, #tpu.memory_space<semaphore_mem>>, %arg15: memref<125x16xf32, #tpu.memory_space<vmem>>, %arg16: memref<10000x64xf32, #tpu.memory_space<vmem_shared>>, %arg17: memref<10000x16xf32, #tpu.memory_space<vmem_shared>>) attributes {dimension_semantics = [#tpu.dimension_semantics<core_parallel>, #tpu.dimension_semantics<subcore_parallel>], iteration_bounds = array<i64: 2, 16>, scalar_prefetch = 0 : i64, scratch_operands = 13 : i64, tpu.core_type = #tpu.core_type<sc_vector_subcore>, window_params = [{transform_indices = #map}, {transform_indices = #map1}, {transform_indices = #map}]} {
    %mul3A = arith.constant 2 : i32
    %mul3A_0 = arith.muli %arg1, %mul3A : i32
    %add3A = arith.addi %mul3A_0, %arg0 : i32
    %broadcast_in_dim3A = arith.constant 0.000000e+00 : f32
    %broadcast_in_dim3A_1 = vector.broadcast %broadcast_in_dim3A : f32 to vector<16xf32>
    %scan3A = arith.constant 0 : i32
    %scan3A_2 = arith.constant 104 : i32
    %scan3A_3 = arith.addi %scan3A, %scan3A_2 : i32
    %scan3A_4 = arith.constant 1 : i32
    scf.for %scan3A_61 = %scan3A to %scan3A_3 step %scan3A_4  : i32 {
      %swap3A = arith.index_cast %scan3A_61 : i32 to index
      %swap3A_62 = arith.constant 0 : index
      %swap3A_63 = tpu.vector_load %arg11[%swap3A, %swap3A_62] {strides = array<i32>} : memref<104x128xf32, #tpu.memory_space<vmem>>, vector<1x16xf32>,
      %swap3A_64 = vector.shape_cast %swap3A_63 : vector<1x16xf32> to vector<16xf32>
      %swap3A_65 = vector.shape_cast %broadcast_in_dim3A_1 : vector<16xf32> to vector<1x16xf32>
      tpu.vector_store %arg11[%swap3A, %swap3A_62], %swap3A_65 {strides = array<i32>} : memref<104x128xf32, #tpu.memory_space<vmem>>, vector<1x16xf32>,
      %swap3A_66 = arith.index_cast %scan3A_61 : i32 to index
      %swap3A_67 = arith.constant 16 : index
      %swap3A_68 = tpu.vector_load %arg11[%swap3A_66, %swap3A_67] {strides = array<i32>} : memref<104x128xf32, #tpu.memory_space<vmem>>, vector<1x16xf32>,
      %swap3A_69 = vector.shape_cast %swap3A_68 : vector<1x16xf32> to vector<16xf32>
      %swap3A_70 = vector.shape_cast %broadcast_in_dim3A_1 : vector<16xf32> to vector<1x16xf32>
      tpu.vector_store %arg11[%swap3A_66, %swap3A_67], %swap3A_70 {strides = array<i32>} : memref<104x128xf32, #tpu.memory_space<vmem>>, vector<1x16xf32>,
      %swap3A_71 = arith.index_cast %scan3A_61 : i32 to index
      %swap3A_72 = arith.constant 32 : index
      %swap3A_73 = tpu.vector_load %arg11[%swap3A_71, %swap3A_72] {strides = array<i32>} : memref<104x128xf32, #tpu.memory_space<vmem>>, vector<1x16xf32>,
      %swap3A_74 = vector.shape_cast %swap3A_73 : vector<1x16xf32> to vector<16xf32>
      %swap3A_75 = vector.shape_cast %broadcast_in_dim3A_1 : vector<16xf32> to vector<1x16xf32>
      tpu.vector_store %arg11[%swap3A_71, %swap3A_72], %swap3A_75 {strides = array<i32>} : memref<104x128xf32, #tpu.memory_space<vmem>>, vector<1x16xf32>,
      %swap3A_76 = arith.index_cast %scan3A_61 : i32 to index
      %swap3A_77 = arith.constant 48 : index
      %swap3A_78 = tpu.vector_load %arg11[%swap3A_76, %swap3A_77] {strides = array<i32>} : memref<104x128xf32, #tpu.memory_space<vmem>>, vector<1x16xf32>,
      %swap3A_79 = vector.shape_cast %swap3A_78 : vector<1x16xf32> to vector<16xf32>
      %swap3A_80 = vector.shape_cast %broadcast_in_dim3A_1 : vector<16xf32> to vector<1x16xf32>
      tpu.vector_store %arg11[%swap3A_76, %swap3A_77], %swap3A_80 {strides = array<i32>} : memref<104x128xf32, #tpu.memory_space<vmem>>, vector<1x16xf32>,
      %swap3A_81 = arith.index_cast %scan3A_61 : i32 to index
      %swap3A_82 = arith.constant 64 : index
      %swap3A_83 = tpu.vector_load %arg11[%swap3A_81, %swap3A_82] {strides = array<i32>} : memref<104x128xf32, #tpu.memory_space<vmem>>, vector<1x16xf32>,
      %swap3A_84 = vector.shape_cast %swap3A_83 : vector<1x16xf32> to vector<16xf32>
      %swap3A_85 = vector.shape_cast %broadcast_in_dim3A_1 : vector<16xf32> to vector<1x16xf32>
      tpu.vector_store %arg11[%swap3A_81, %swap3A_82], %swap3A_85 {strides = array<i32>} : memref<104x128xf32, #tpu.memory_space<vmem>>, vector<1x16xf32>,
      %swap3A_86 = arith.index_cast %scan3A_61 : i32 to index
      %swap3A_87 = arith.constant 80 : index
      %swap3A_88 = tpu.vector_load %arg11[%swap3A_86, %swap3A_87] {strides = array<i32>} : memref<104x128xf32, #tpu.memory_space<vmem>>, vector<1x16xf32>,
      %swap3A_89 = vector.shape_cast %swap3A_88 : vector<1x16xf32> to vector<16xf32>
      %swap3A_90 = vector.shape_cast %broadcast_in_dim3A_1 : vector<16xf32> to vector<1x16xf32>
      tpu.vector_store %arg11[%swap3A_86, %swap3A_87], %swap3A_90 {strides = array<i32>} : memref<104x128xf32, #tpu.memory_space<vmem>>, vector<1x16xf32>,
      %swap3A_91 = arith.index_cast %scan3A_61 : i32 to index
      %swap3A_92 = arith.constant 96 : index
      %swap3A_93 = tpu.vector_load %arg11[%swap3A_91, %swap3A_92] {strides = array<i32>} : memref<104x128xf32, #tpu.memory_space<vmem>>, vector<1x16xf32>,
      %swap3A_94 = vector.shape_cast %swap3A_93 : vector<1x16xf32> to vector<16xf32>
      %swap3A_95 = vector.shape_cast %broadcast_in_dim3A_1 : vector<16xf32> to vector<1x16xf32>
      tpu.vector_store %arg11[%swap3A_91, %swap3A_92], %swap3A_95 {strides = array<i32>} : memref<104x128xf32, #tpu.memory_space<vmem>>, vector<1x16xf32>,
      %swap3A_96 = arith.index_cast %scan3A_61 : i32 to index
      %swap3A_97 = arith.constant 112 : index
      %swap3A_98 = tpu.vector_load %arg11[%swap3A_96, %swap3A_97] {strides = array<i32>} : memref<104x128xf32, #tpu.memory_space<vmem>>, vector<1x16xf32>,
      %swap3A_99 = vector.shape_cast %swap3A_98 : vector<1x16xf32> to vector<16xf32>
      %swap3A_100 = vector.shape_cast %broadcast_in_dim3A_1 : vector<16xf32> to vector<1x16xf32>
      tpu.vector_store %arg11[%swap3A_96, %swap3A_97], %swap3A_100 {strides = array<i32>} : memref<104x128xf32, #tpu.memory_space<vmem>>, vector<1x16xf32>,
    }
    %scan3A_5 = arith.constant 104 : i32
    %iota3A = tpu.iota {dimensions = array<i32: 0>} : vector<16xi32>
    %eq3A = arith.constant 0 : i32
    %eq3A_6 = vector.broadcast %eq3A : i32 to vector<16xi32>
    %eq3A_7 = arith.cmpi eq, %iota3A, %eq3A_6 : vector<16xi32>
    %jit3A = arith.constant 1.000000e+00 : f32
    %jit3A_8 = arith.constant 0.000000e+00 : f32
    %broadcast_in_dim3A_9 = vector.broadcast %jit3A : f32 to vector<16xf32>
    %broadcast_in_dim3A_10 = vector.broadcast %jit3A_8 : f32 to vector<16xf32>
    %select_n3A = arith.select %eq3A_7, %broadcast_in_dim3A_9, %broadcast_in_dim3A_10 : vector<16xi1>, vector<16xf32>
    %scan3A_11 = arith.constant 0 : i32
    %scan3A_12 = arith.constant 125 : i32
    %scan3A_13 = arith.addi %scan3A_11, %scan3A_12 : i32
    %scan3A_14 = arith.constant 1 : i32
    scf.for %scan3A_61 = %scan3A_11 to %scan3A_13 step %scan3A_14  : i32 {
      %swap3A = arith.index_cast %scan3A_61 : i32 to index
      %swap3A_62 = arith.constant 0 : index
      %swap3A_63 = tpu.vector_load %arg15[%swap3A, %swap3A_62] {strides = array<i32>} : memref<125x16xf32, #tpu.memory_space<vmem>>, vector<1x16xf32>,
      %swap3A_64 = vector.shape_cast %swap3A_63 : vector<1x16xf32> to vector<16xf32>
      %swap3A_65 = vector.shape_cast %select_n3A : vector<16xf32> to vector<1x16xf32>
      tpu.vector_store %arg15[%swap3A, %swap3A_62], %swap3A_65 {strides = array<i32>} : memref<125x16xf32, #tpu.memory_space<vmem>>, vector<1x16xf32>,
    }
    %scan3A_15 = arith.constant 125 : i32
    %scan3A_16 = arith.constant 0 : i32
    %scan3A_17 = arith.constant 6 : i32
    %scan3A_18 = arith.addi %scan3A_16, %scan3A_17 : i32
    %scan3A_19 = arith.constant 1 : i32
    scf.for %scan3A_61 = %scan3A_16 to %scan3A_18 step %scan3A_19  : i32 {
      %mul3A_62 = arith.constant 624 : i32
      %mul3A_63 = arith.muli %arg1, %mul3A_62 : i32
      %mul3A_64 = arith.constant 104 : i32
      %mul3A_65 = arith.muli %scan3A_61, %mul3A_64 : i32
      %add3A_66 = arith.addi %mul3A_63, %mul3A_65 : i32
      "tpu.region"() ({
        %run_scoped3A_67 = tpu.sem_alloc : memref<!tpu.dma_semaphore, #tpu.memory_space<semaphore_mem>>
        %dma_start3A_68 = arith.constant 0 : i32
        %dma_start3A_69 = arith.constant 0 : i32
        %dma_start3A_70 = tpu.memref_slice %arg11[%dma_start3A_68, %dma_start3A_69] : memref<104x128xf32, #tpu.memory_space<vmem>> -> memref<104x64xf32, #tpu.memory_space<vmem>>
        %dma_start3A_71 = arith.constant 0 : i32
        %dma_start3A_72 = tpu.memref_slice %arg16[%add3A_66, %dma_start3A_71] : memref<10000x64xf32, #tpu.memory_space<vmem_shared>> -> memref<104x64xf32, #tpu.memory_space<vmem_shared>>
        %dma_start3A_73 = arith.constant 0 : i32
        %dma_start3A_74 = tpu.memref_slice %arg16[%add3A_66, %dma_start3A_73] : memref<10000x64xf32, #tpu.memory_space<vmem_shared>> -> memref<104x64xf32, #tpu.memory_space<vmem_shared>>
        %dma_start3A_75 = arith.constant 0 : i32
        %dma_start3A_76 = arith.constant 0 : i32
        %dma_start3A_77 = tpu.memref_slice %arg11[%dma_start3A_75, %dma_start3A_76] : memref<104x128xf32, #tpu.memory_space<vmem>> -> memref<104x64xf32, #tpu.memory_space<vmem>>
        tpu.enqueue_dma source(%dma_start3A_77 : memref<104x64xf32, #tpu.memory_space<vmem>>) target(%dma_start3A_74 : memref<104x64xf32, #tpu.memory_space<vmem_shared>>) target_semaphore(%run_scoped3A_67 : memref<!tpu.dma_semaphore, #tpu.memory_space<semaphore_mem>>)
        %dma_wait3A = arith.constant 0 : i32
        %dma_wait3A_78 = arith.constant 0 : i32
        %dma_wait3A_79 = tpu.memref_slice %arg11[%dma_wait3A, %dma_wait3A_78] : memref<104x128xf32, #tpu.memory_space<vmem>> -> memref<104x64xf32, #tpu.memory_space<vmem>>
        %dma_wait3A_80 = arith.constant 0 : i32
        %dma_wait3A_81 = tpu.memref_slice %arg16[%add3A_66, %dma_wait3A_80] : memref<10000x64xf32, #tpu.memory_space<vmem_shared>> -> memref<104x64xf32, #tpu.memory_space<vmem_shared>>
        %dma_wait3A_82 = arith.constant 0 : i32
        %dma_wait3A_83 = tpu.memref_slice %arg16[%add3A_66, %dma_wait3A_82] : memref<10000x64xf32, #tpu.memory_space<vmem_shared>> -> memref<104x64xf32, #tpu.memory_space<vmem_shared>>
        %dma_wait3A_84 = arith.constant 0 : i32
        %dma_wait3A_85 = arith.constant 0 : i32
        %dma_wait3A_86 = tpu.memref_slice %arg11[%dma_wait3A_84, %dma_wait3A_85] : memref<104x128xf32, #tpu.memory_space<vmem>> -> memref<104x64xf32, #tpu.memory_space<vmem>>
        tpu.wait_dma2 semaphore(%run_scoped3A_67 : memref<!tpu.dma_semaphore, #tpu.memory_space<semaphore_mem>>) src(%dma_wait3A_86 : memref<104x64xf32, #tpu.memory_space<vmem>>) dst(%dma_wait3A_83 : memref<104x64xf32, #tpu.memory_space<vmem_shared>>)
        tpu.yield
      }) : () -> ()
      "tpu.region"() ({
        %run_scoped3A_67 = tpu.sem_alloc : memref<!tpu.dma_semaphore, #tpu.memory_space<semaphore_mem>>
        %dma_start3A_68 = arith.constant 0 : i32
        %dma_start3A_69 = arith.constant 64 : i32
        %dma_start3A_70 = tpu.memref_slice %arg11[%dma_start3A_68, %dma_start3A_69] : memref<104x128xf32, #tpu.memory_space<vmem>> -> memref<104x16xf32, #tpu.memory_space<vmem>>
        %dma_start3A_71 = arith.constant 0 : i32
        %dma_start3A_72 = tpu.memref_slice %arg17[%add3A_66, %dma_start3A_71] : memref<10000x16xf32, #tpu.memory_space<vmem_shared>> -> memref<104x16xf32, #tpu.memory_space<vmem_shared>>
        %dma_start3A_73 = arith.constant 0 : i32
        %dma_start3A_74 = tpu.memref_slice %arg17[%add3A_66, %dma_start3A_73] : memref<10000x16xf32, #tpu.memory_space<vmem_shared>> -> memref<104x16xf32, #tpu.memory_space<vmem_shared>>
        %dma_start3A_75 = arith.constant 0 : i32
        %dma_start3A_76 = arith.constant 64 : i32
        %dma_start3A_77 = tpu.memref_slice %arg11[%dma_start3A_75, %dma_start3A_76] : memref<104x128xf32, #tpu.memory_space<vmem>> -> memref<104x16xf32, #tpu.memory_space<vmem>>
        tpu.enqueue_dma source(%dma_start3A_77 : memref<104x16xf32, #tpu.memory_space<vmem>>) target(%dma_start3A_74 : memref<104x16xf32, #tpu.memory_space<vmem_shared>>) target_semaphore(%run_scoped3A_67 : memref<!tpu.dma_semaphore, #tpu.memory_space<semaphore_mem>>)
        %dma_wait3A = arith.constant 0 : i32
        %dma_wait3A_78 = arith.constant 64 : i32
        %dma_wait3A_79 = tpu.memref_slice %arg11[%dma_wait3A, %dma_wait3A_78] : memref<104x128xf32, #tpu.memory_space<vmem>> -> memref<104x16xf32, #tpu.memory_space<vmem>>
        %dma_wait3A_80 = arith.constant 0 : i32
        %dma_wait3A_81 = tpu.memref_slice %arg17[%add3A_66, %dma_wait3A_80] : memref<10000x16xf32, #tpu.memory_space<vmem_shared>> -> memref<104x16xf32, #tpu.memory_space<vmem_shared>>
        %dma_wait3A_82 = arith.constant 0 : i32
        %dma_wait3A_83 = tpu.memref_slice %arg17[%add3A_66, %dma_wait3A_82] : memref<10000x16xf32, #tpu.memory_space<vmem_shared>> -> memref<104x16xf32, #tpu.memory_space<vmem_shared>>
        %dma_wait3A_84 = arith.constant 0 : i32
        %dma_wait3A_85 = arith.constant 64 : i32
        %dma_wait3A_86 = tpu.memref_slice %arg11[%dma_wait3A_84, %dma_wait3A_85] : memref<104x128xf32, #tpu.memory_space<vmem>> -> memref<104x16xf32, #tpu.memory_space<vmem>>
        tpu.wait_dma2 semaphore(%run_scoped3A_67 : memref<!tpu.dma_semaphore, #tpu.memory_space<semaphore_mem>>) src(%dma_wait3A_86 : memref<104x16xf32, #tpu.memory_space<vmem>>) dst(%dma_wait3A_83 : memref<104x16xf32, #tpu.memory_space<vmem_shared>>)
        tpu.yield
      }) : () -> ()
    }
    %scan3A_20 = arith.constant 6 : i32
    %eq3A_21 = arith.constant 15 : i32
    %eq3A_22 = arith.cmpi eq, %arg1, %eq3A_21 : i32
    %convert_element_type3A = arith.extui %eq3A_22 : i1 to i32
    %cond3A = arith.constant 0 : i32
    %cond3A_23 = arith.cmpi ne, %convert_element_type3A, %cond3A : i32
    scf.if %cond3A_23 {
      "tpu.region"() ({
        %run_scoped3A_61 = tpu.sem_alloc : memref<!tpu.dma_semaphore, #tpu.memory_space<semaphore_mem>>
        %dma_start3A_62 = arith.constant 0 : i32
        %dma_start3A_63 = arith.constant 0 : i32
        %dma_start3A_64 = tpu.memref_slice %arg11[%dma_start3A_62, %dma_start3A_63] : memref<104x128xf32, #tpu.memory_space<vmem>> -> memref<16x64xf32, #tpu.memory_space<vmem>>
        %dma_start3A_65 = arith.constant 9984 : i32
        %dma_start3A_66 = arith.constant 0 : i32
        %dma_start3A_67 = tpu.memref_slice %arg16[%dma_start3A_65, %dma_start3A_66] : memref<10000x64xf32, #tpu.memory_space<vmem_shared>> -> memref<16x64xf32, #tpu.memory_space<vmem_shared>>
        %dma_start3A_68 = arith.constant 9984 : i32
        %dma_start3A_69 = arith.constant 0 : i32
        %dma_start3A_70 = tpu.memref_slice %arg16[%dma_start3A_68, %dma_start3A_69] : memref<10000x64xf32, #tpu.memory_space<vmem_shared>> -> memref<16x64xf32, #tpu.memory_space<vmem_shared>>
        %dma_start3A_71 = arith.constant 0 : i32
        %dma_start3A_72 = arith.constant 0 : i32
        %dma_start3A_73 = tpu.memref_slice %arg11[%dma_start3A_71, %dma_start3A_72] : memref<104x128xf32, #tpu.memory_space<vmem>> -> memref<16x64xf32, #tpu.memory_space<vmem>>
        tpu.enqueue_dma source(%dma_start3A_73 : memref<16x64xf32, #tpu.memory_space<vmem>>) target(%dma_start3A_70 : memref<16x64xf32, #tpu.memory_space<vmem_shared>>) target_semaphore(%run_scoped3A_61 : memref<!tpu.dma_semaphore, #tpu.memory_space<semaphore_mem>>)
        %dma_wait3A = arith.constant 0 : i32
        %dma_wait3A_74 = arith.constant 0 : i32
        %dma_wait3A_75 = tpu.memref_slice %arg11[%dma_wait3A, %dma_wait3A_74] : memref<104x128xf32, #tpu.memory_space<vmem>> -> memref<16x64xf32, #tpu.memory_space<vmem>>
        %dma_wait3A_76 = arith.constant 9984 : i32
        %dma_wait3A_77 = arith.constant 0 : i32
        %dma_wait3A_78 = tpu.memref_slice %arg16[%dma_wait3A_76, %dma_wait3A_77] : memref<10000x64xf32, #tpu.memory_space<vmem_shared>> -> memref<16x64xf32, #tpu.memory_space<vmem_shared>>
        %dma_wait3A_79 = arith.constant 9984 : i32
        %dma_wait3A_80 = arith.constant 0 : i32
        %dma_wait3A_81 = tpu.memref_slice %arg16[%dma_wait3A_79, %dma_wait3A_80] : memref<10000x64xf32, #tpu.memory_space<vmem_shared>> -> memref<16x64xf32, #tpu.memory_space<vmem_shared>>
        %dma_wait3A_82 = arith.constant 0 : i32
        %dma_wait3A_83 = arith.constant 0 : i32
        %dma_wait3A_84 = tpu.memref_slice %arg11[%dma_wait3A_82, %dma_wait3A_83] : memref<104x128xf32, #tpu.memory_space<vmem>> -> memref<16x64xf32, #tpu.memory_space<vmem>>
        tpu.wait_dma2 semaphore(%run_scoped3A_61 : memref<!tpu.dma_semaphore, #tpu.memory_space<semaphore_mem>>) src(%dma_wait3A_84 : memref<16x64xf32, #tpu.memory_space<vmem>>) dst(%dma_wait3A_81 : memref<16x64xf32, #tpu.memory_space<vmem_shared>>)
        tpu.yield
      }) : () -> ()
      "tpu.region"() ({
        %run_scoped3A_61 = tpu.sem_alloc : memref<!tpu.dma_semaphore, #tpu.memory_space<semaphore_mem>>
        %dma_start3A_62 = arith.constant 0 : i32
        %dma_start3A_63 = arith.constant 64 : i32
        %dma_start3A_64 = tpu.memref_slice %arg11[%dma_start3A_62, %dma_start3A_63] : memref<104x128xf32, #tpu.memory_space<vmem>> -> memref<16x16xf32, #tpu.memory_space<vmem>>
        %dma_start3A_65 = arith.constant 9984 : i32
        %dma_start3A_66 = arith.constant 0 : i32
        %dma_start3A_67 = tpu.memref_slice %arg17[%dma_start3A_65, %dma_start3A_66] : memref<10000x16xf32, #tpu.memory_space<vmem_shared>> -> memref<16x16xf32, #tpu.memory_space<vmem_shared>>
        %dma_start3A_68 = arith.constant 9984 : i32
        %dma_start3A_69 = arith.constant 0 : i32
        %dma_start3A_70 = tpu.memref_slice %arg17[%dma_start3A_68, %dma_start3A_69] : memref<10000x16xf32, #tpu.memory_space<vmem_shared>> -> memref<16x16xf32, #tpu.memory_space<vmem_shared>>
        %dma_start3A_71 = arith.constant 0 : i32
        %dma_start3A_72 = arith.constant 64 : i32
        %dma_start3A_73 = tpu.memref_slice %arg11[%dma_start3A_71, %dma_start3A_72] : memref<104x128xf32, #tpu.memory_space<vmem>> -> memref<16x16xf32, #tpu.memory_space<vmem>>
        tpu.enqueue_dma source(%dma_start3A_73 : memref<16x16xf32, #tpu.memory_space<vmem>>) target(%dma_start3A_70 : memref<16x16xf32, #tpu.memory_space<vmem_shared>>) target_semaphore(%run_scoped3A_61 : memref<!tpu.dma_semaphore, #tpu.memory_space<semaphore_mem>>)
        %dma_wait3A = arith.constant 0 : i32
        %dma_wait3A_74 = arith.constant 64 : i32
        %dma_wait3A_75 = tpu.memref_slice %arg11[%dma_wait3A, %dma_wait3A_74] : memref<104x128xf32, #tpu.memory_space<vmem>> -> memref<16x16xf32, #tpu.memory_space<vmem>>
        %dma_wait3A_76 = arith.constant 9984 : i32
        %dma_wait3A_77 = arith.constant 0 : i32
        %dma_wait3A_78 = tpu.memref_slice %arg17[%dma_wait3A_76, %dma_wait3A_77] : memref<10000x16xf32, #tpu.memory_space<vmem_shared>> -> memref<16x16xf32, #tpu.memory_space<vmem_shared>>
        %dma_wait3A_79 = arith.constant 9984 : i32
        %dma_wait3A_80 = arith.constant 0 : i32
        %dma_wait3A_81 = tpu.memref_slice %arg17[%dma_wait3A_79, %dma_wait3A_80] : memref<10000x16xf32, #tpu.memory_space<vmem_shared>> -> memref<16x16xf32, #tpu.memory_space<vmem_shared>>
        %dma_wait3A_82 = arith.constant 0 : i32
        %dma_wait3A_83 = arith.constant 64 : i32
        %dma_wait3A_84 = tpu.memref_slice %arg11[%dma_wait3A_82, %dma_wait3A_83] : memref<104x128xf32, #tpu.memory_space<vmem>> -> memref<16x16xf32, #tpu.memory_space<vmem>>
        tpu.wait_dma2 semaphore(%run_scoped3A_61 : memref<!tpu.dma_semaphore, #tpu.memory_space<semaphore_mem>>) src(%dma_wait3A_84 : memref<16x16xf32, #tpu.memory_space<vmem>>) dst(%dma_wait3A_81 : memref<16x16xf32, #tpu.memory_space<vmem_shared>>)
        tpu.yield
      }) : () -> ()
    } else {
    }
    %barrier3A = arith.constant 0 : index
    tpu.barrier barrier_id(%barrier3A)
    %mul3A_24 = arith.constant 80 : i32
    %mul3A_25 = arith.muli %add3A, %mul3A_24 : i32
    %run_scoped3A = arith.constant 0 : i32
    "tpu.region"() ({
      %run_scoped3A_61 = tpu.sem_alloc : memref<!tpu.dma_semaphore, #tpu.memory_space<semaphore_mem>>
      %dma_start3A_62 = arith.constant 0 : i32
      %dma_start3A_63 = tpu.memref_slice %arg3[%run_scoped3A, %mul3A_25, %dma_start3A_62] : memref<2x2560x125xi32, #tpu.memory_space<hbm>> -> memref<1x80x125xi32, #tpu.memory_space<hbm>>
      %dma_start3A_64 = tpu.memref_squeeze %dma_start3A_63 : memref<1x80x125xi32, #tpu.memory_space<hbm>> -> memref<80x125xi32, #tpu.memory_space<hbm>>
      %dma_start3A_65 = arith.constant 0 : i32
      %dma_start3A_66 = tpu.memref_slice %arg3[%run_scoped3A, %mul3A_25, %dma_start3A_65] : memref<2x2560x125xi32, #tpu.memory_space<hbm>> -> memref<1x80x125xi32, #tpu.memory_space<hbm>>
      %dma_start3A_67 = tpu.memref_squeeze %dma_start3A_66 : memref<1x80x125xi32, #tpu.memory_space<hbm>> -> memref<80x125xi32, #tpu.memory_space<hbm>>
      tpu.enqueue_dma source(%dma_start3A_67 : memref<80x125xi32, #tpu.memory_space<hbm>>) target(%arg5 : memref<80x125xi32, #tpu.memory_space<vmem>>) target_semaphore(%run_scoped3A_61 : memref<!tpu.dma_semaphore, #tpu.memory_space<semaphore_mem>>)
      %dma_wait3A = arith.constant 0 : i32
      %dma_wait3A_68 = tpu.memref_slice %arg3[%run_scoped3A, %mul3A_25, %dma_wait3A] : memref<2x2560x125xi32, #tpu.memory_space<hbm>> -> memref<1x80x125xi32, #tpu.memory_space<hbm>>
      %dma_wait3A_69 = tpu.memref_squeeze %dma_wait3A_68 : memref<1x80x125xi32, #tpu.memory_space<hbm>> -> memref<80x125xi32, #tpu.memory_space<hbm>>
      %dma_wait3A_70 = arith.constant 0 : i32
      %dma_wait3A_71 = tpu.memref_slice %arg3[%run_scoped3A, %mul3A_25, %dma_wait3A_70] : memref<2x2560x125xi32, #tpu.memory_space<hbm>> -> memref<1x80x125xi32, #tpu.memory_space<hbm>>
      %dma_wait3A_72 = tpu.memref_squeeze %dma_wait3A_71 : memref<1x80x125xi32, #tpu.memory_space<hbm>> -> memref<80x125xi32, #tpu.memory_space<hbm>>
      tpu.wait_dma2 semaphore(%run_scoped3A_61 : memref<!tpu.dma_semaphore, #tpu.memory_space<semaphore_mem>>) src(%dma_wait3A_72 : memref<80x125xi32, #tpu.memory_space<hbm>>) dst(%arg5 : memref<80x125xi32, #tpu.memory_space<vmem>>)
      tpu.yield
    }) : () -> ()
    %run_scoped3A_26 = arith.constant 1 : i32
    "tpu.region"() ({
      %run_scoped3A_61 = tpu.sem_alloc : memref<!tpu.dma_semaphore, #tpu.memory_space<semaphore_mem>>
      %dma_start3A_62 = arith.constant 0 : i32
      %dma_start3A_63 = tpu.memref_slice %arg3[%run_scoped3A_26, %mul3A_25, %dma_start3A_62] : memref<2x2560x125xi32, #tpu.memory_space<hbm>> -> memref<1x80x125xi32, #tpu.memory_space<hbm>>
      %dma_start3A_64 = tpu.memref_squeeze %dma_start3A_63 : memref<1x80x125xi32, #tpu.memory_space<hbm>> -> memref<80x125xi32, #tpu.memory_space<hbm>>
      %dma_start3A_65 = arith.constant 0 : i32
      %dma_start3A_66 = tpu.memref_slice %arg3[%run_scoped3A_26, %mul3A_25, %dma_start3A_65] : memref<2x2560x125xi32, #tpu.memory_space<hbm>> -> memref<1x80x125xi32, #tpu.memory_space<hbm>>
      %dma_start3A_67 = tpu.memref_squeeze %dma_start3A_66 : memref<1x80x125xi32, #tpu.memory_space<hbm>> -> memref<80x125xi32, #tpu.memory_space<hbm>>
      tpu.enqueue_dma source(%dma_start3A_67 : memref<80x125xi32, #tpu.memory_space<hbm>>) target(%arg6 : memref<80x125xi32, #tpu.memory_space<vmem>>) target_semaphore(%run_scoped3A_61 : memref<!tpu.dma_semaphore, #tpu.memory_space<semaphore_mem>>)
      %dma_wait3A = arith.constant 0 : i32
      %dma_wait3A_68 = tpu.memref_slice %arg3[%run_scoped3A_26, %mul3A_25, %dma_wait3A] : memref<2x2560x125xi32, #tpu.memory_space<hbm>> -> memref<1x80x125xi32, #tpu.memory_space<hbm>>
      %dma_wait3A_69 = tpu.memref_squeeze %dma_wait3A_68 : memref<1x80x125xi32, #tpu.memory_space<hbm>> -> memref<80x125xi32, #tpu.memory_space<hbm>>
      %dma_wait3A_70 = arith.constant 0 : i32
      %dma_wait3A_71 = tpu.memref_slice %arg3[%run_scoped3A_26, %mul3A_25, %dma_wait3A_70] : memref<2x2560x125xi32, #tpu.memory_space<hbm>> -> memref<1x80x125xi32, #tpu.memory_space<hbm>>
      %dma_wait3A_72 = tpu.memref_squeeze %dma_wait3A_71 : memref<1x80x125xi32, #tpu.memory_space<hbm>> -> memref<80x125xi32, #tpu.memory_space<hbm>>
      tpu.wait_dma2 semaphore(%run_scoped3A_61 : memref<!tpu.dma_semaphore, #tpu.memory_space<semaphore_mem>>) src(%dma_wait3A_72 : memref<80x125xi32, #tpu.memory_space<hbm>>) dst(%arg6 : memref<80x125xi32, #tpu.memory_space<vmem>>)
      tpu.yield
    }) : () -> ()
    %dma_start3A = arith.constant 0 : i32
    %dma_start3A_27 = arith.constant 0 : i32
    %dma_start3A_28 = tpu.memref_slice %arg5[%dma_start3A, %dma_start3A_27] : memref<80x125xi32, #tpu.memory_space<vmem>> -> memref<1x125xi32, #tpu.memory_space<vmem>>
    %dma_start3A_29 = tpu.memref_squeeze %dma_start3A_28 : memref<1x125xi32, #tpu.memory_space<vmem>> -> memref<125xi32, #tpu.memory_space<vmem>>
    %dma_start3A_30 = arith.constant 0 : i32
    %dma_start3A_31 = arith.constant 0 : i32
    %dma_start3A_32 = tpu.memref_slice %arg2[%dma_start3A_30, %dma_start3A_31] : memref<10000x64xf32, #tpu.memory_space<hbm>> -> memref<10000x64xf32, #tpu.memory_space<hbm>>
    tpu.enqueue_indirect_dma source(%dma_start3A_32 : memref<10000x64xf32, #tpu.memory_space<hbm>>) target(%arg7 : memref<125x64xf32, #tpu.memory_space<vmem>>) offsets(%dma_start3A_29 : memref<125xi32, #tpu.memory_space<vmem>>) semaphore(%arg12 : memref<!tpu.dma_semaphore, #tpu.memory_space<semaphore_mem>>)
    %dma_start3A_33 = arith.constant 1 : i32
    %dma_start3A_34 = arith.constant 0 : i32
    %dma_start3A_35 = tpu.memref_slice %arg5[%dma_start3A_33, %dma_start3A_34] : memref<80x125xi32, #tpu.memory_space<vmem>> -> memref<1x125xi32, #tpu.memory_space<vmem>>
    %dma_start3A_36 = tpu.memref_squeeze %dma_start3A_35 : memref<1x125xi32, #tpu.memory_space<vmem>> -> memref<125xi32, #tpu.memory_space<vmem>>
    %dma_start3A_37 = arith.constant 0 : i32
    %dma_start3A_38 = arith.constant 0 : i32
    %dma_start3A_39 = tpu.memref_slice %arg2[%dma_start3A_37, %dma_start3A_38] : memref<10000x64xf32, #tpu.memory_space<hbm>> -> memref<10000x64xf32, #tpu.memory_space<hbm>>
    tpu.enqueue_indirect_dma source(%dma_start3A_39 : memref<10000x64xf32, #tpu.memory_space<hbm>>) target(%arg8 : memref<125x64xf32, #tpu.memory_space<vmem>>) offsets(%dma_start3A_36 : memref<125xi32, #tpu.memory_space<vmem>>) semaphore(%arg12 : memref<!tpu.dma_semaphore, #tpu.memory_space<semaphore_mem>>)
    %scan3A_40 = arith.constant 0 : i32
    %scan3A_41 = arith.constant 20 : i32
    %scan3A_42 = arith.addi %scan3A_40, %scan3A_41 : i32
    %scan3A_43 = arith.constant 1 : i32
    scf.for %scan3A_61 = %scan3A_40 to %scan3A_42 step %scan3A_43  : i32 {
      %mul3A_62 = arith.constant 2 : i32
      %mul3A_63 = arith.muli %scan3A_61, %mul3A_62 : i32
      %mul3A_64 = arith.constant 2 : i32
      %mul3A_65 = arith.muli %mul3A_63, %mul3A_64 : i32
      %add3A_66 = arith.constant 2 : i32
      %add3A_67 = arith.addi %mul3A_65, %add3A_66 : i32
      %add3A_68 = arith.constant 0 : i32
      %add3A_69 = arith.addi %add3A_67, %add3A_68 : i32
      %dma_start3A_70 = arith.constant 0 : i32
      %dma_start3A_71 = tpu.memref_slice %arg5[%add3A_69, %dma_start3A_70] : memref<80x125xi32, #tpu.memory_space<vmem>> -> memref<1x125xi32, #tpu.memory_space<vmem>>
      %dma_start3A_72 = tpu.memref_squeeze %dma_start3A_71 : memref<1x125xi32, #tpu.memory_space<vmem>> -> memref<125xi32, #tpu.memory_space<vmem>>
      %dma_start3A_73 = arith.constant 0 : i32
      %dma_start3A_74 = arith.constant 0 : i32
      %dma_start3A_75 = tpu.memref_slice %arg2[%dma_start3A_73, %dma_start3A_74] : memref<10000x64xf32, #tpu.memory_space<hbm>> -> memref<10000x64xf32, #tpu.memory_space<hbm>>
      tpu.enqueue_indirect_dma source(%dma_start3A_75 : memref<10000x64xf32, #tpu.memory_space<hbm>>) target(%arg9 : memref<125x64xf32, #tpu.memory_space<vmem>>) offsets(%dma_start3A_72 : memref<125xi32, #tpu.memory_space<vmem>>) semaphore(%arg13 : memref<!tpu.dma_semaphore, #tpu.memory_space<semaphore_mem>>)
      %add3A_76 = arith.constant 2 : i32
      %add3A_77 = arith.addi %mul3A_65, %add3A_76 : i32
      %add3A_78 = arith.constant 1 : i32
      %add3A_79 = arith.addi %add3A_77, %add3A_78 : i32
      %dma_start3A_80 = arith.constant 0 : i32
      %dma_start3A_81 = tpu.memref_slice %arg5[%add3A_79, %dma_start3A_80] : memref<80x125xi32, #tpu.memory_space<vmem>> -> memref<1x125xi32, #tpu.memory_space<vmem>>
      %dma_start3A_82 = tpu.memref_squeeze %dma_start3A_81 : memref<1x125xi32, #tpu.memory_space<vmem>> -> memref<125xi32, #tpu.memory_space<vmem>>
      %dma_start3A_83 = arith.constant 0 : i32
      %dma_start3A_84 = arith.constant 0 : i32
      %dma_start3A_85 = tpu.memref_slice %arg2[%dma_start3A_83, %dma_start3A_84] : memref<10000x64xf32, #tpu.memory_space<hbm>> -> memref<10000x64xf32, #tpu.memory_space<hbm>>
      tpu.enqueue_indirect_dma source(%dma_start3A_85 : memref<10000x64xf32, #tpu.memory_space<hbm>>) target(%arg10 : memref<125x64xf32, #tpu.memory_space<vmem>>) offsets(%dma_start3A_82 : memref<125xi32, #tpu.memory_space<vmem>>) semaphore(%arg13 : memref<!tpu.dma_semaphore, #tpu.memory_space<semaphore_mem>>)
      %add3A_86 = arith.constant 0 : i32
      %add3A_87 = arith.addi %mul3A_65, %add3A_86 : i32
      %dma_wait3A = arith.constant 0 : i32
      %dma_wait3A_88 = tpu.memref_slice %arg5[%add3A_87, %dma_wait3A] : memref<80x125xi32, #tpu.memory_space<vmem>> -> memref<1x125xi32, #tpu.memory_space<vmem>>
      %dma_wait3A_89 = tpu.memref_squeeze %dma_wait3A_88 : memref<1x125xi32, #tpu.memory_space<vmem>> -> memref<125xi32, #tpu.memory_space<vmem>>
      %dma_wait3A_90 = arith.constant 0 : i32
      %dma_wait3A_91 = arith.constant 0 : i32
      %dma_wait3A_92 = tpu.memref_slice %arg2[%dma_wait3A_90, %dma_wait3A_91] : memref<10000x64xf32, #tpu.memory_space<hbm>> -> memref<10000x64xf32, #tpu.memory_space<hbm>>
      tpu.wait_indirect_dma semaphore(%arg12 : memref<!tpu.dma_semaphore, #tpu.memory_space<semaphore_mem>>) src(%dma_wait3A_92 : memref<10000x64xf32, #tpu.memory_space<hbm>>) dst(%arg7 : memref<125x64xf32, #tpu.memory_space<vmem>>)
      %add3A_93 = arith.constant 0 : i32
      %add3A_94 = arith.addi %mul3A_65, %add3A_93 : i32
      "tpu.region"() ({
        %run_scoped3A_161 = tpu.sem_alloc : memref<!tpu.dma_semaphore, #tpu.memory_space<semaphore_mem>>
        %dma_start3A_162 = arith.constant 0 : i32
        %dma_start3A_163 = tpu.memref_slice %arg6[%add3A_94, %dma_start3A_162] : memref<80x125xi32, #tpu.memory_space<vmem>> -> memref<1x125xi32, #tpu.memory_space<vmem>>
        %dma_start3A_164 = tpu.memref_squeeze %dma_start3A_163 : memref<1x125xi32, #tpu.memory_space<vmem>> -> memref<125xi32, #tpu.memory_space<vmem>>
        %dma_start3A_165 = arith.constant 0 : i32
        %dma_start3A_166 = arith.constant 0 : i32
        %dma_start3A_167 = tpu.memref_slice %arg16[%dma_start3A_165, %dma_start3A_166] : memref<10000x64xf32, #tpu.memory_space<vmem_shared>> -> memref<10000x64xf32, #tpu.memory_space<vmem_shared>>
        tpu.enqueue_indirect_dma source(%arg7 : memref<125x64xf32, #tpu.memory_space<vmem>>) target(%dma_start3A_167 : memref<10000x64xf32, #tpu.memory_space<vmem_shared>>) offsets(%dma_start3A_164 : memref<125xi32, #tpu.memory_space<vmem>>) semaphore(%run_scoped3A_161 : memref<!tpu.dma_semaphore, #tpu.memory_space<semaphore_mem>>) {add = true}
        %dma_wait3A_168 = arith.constant 0 : i32
        %dma_wait3A_169 = tpu.memref_slice %arg6[%add3A_94, %dma_wait3A_168] : memref<80x125xi32, #tpu.memory_space<vmem>> -> memref<1x125xi32, #tpu.memory_space<vmem>>
        %dma_wait3A_170 = tpu.memref_squeeze %dma_wait3A_169 : memref<1x125xi32, #tpu.memory_space<vmem>> -> memref<125xi32, #tpu.memory_space<vmem>>
        %dma_wait3A_171 = arith.constant 0 : i32
        %dma_wait3A_172 = arith.constant 0 : i32
        %dma_wait3A_173 = tpu.memref_slice %arg16[%dma_wait3A_171, %dma_wait3A_172] : memref<10000x64xf32, #tpu.memory_space<vmem_shared>> -> memref<10000x64xf32, #tpu.memory_space<vmem_shared>>
        tpu.wait_indirect_dma semaphore(%run_scoped3A_161 : memref<!tpu.dma_semaphore, #tpu.memory_space<semaphore_mem>>) src(%arg7 : memref<125x64xf32, #tpu.memory_space<vmem>>) dst(%dma_wait3A_173 : memref<10000x64xf32, #tpu.memory_space<vmem_shared>>)
        tpu.yield
      }) : () -> ()
      %dma_start3A_95 = arith.constant 0 : i32
      %dma_start3A_96 = tpu.memref_slice %arg6[%add3A_94, %dma_start3A_95] : memref<80x125xi32, #tpu.memory_space<vmem>> -> memref<1x125xi32, #tpu.memory_space<vmem>>
      %dma_start3A_97 = tpu.memref_squeeze %dma_start3A_96 : memref<1x125xi32, #tpu.memory_space<vmem>> -> memref<125xi32, #tpu.memory_space<vmem>>
      %dma_start3A_98 = arith.constant 0 : i32
      %dma_start3A_99 = arith.constant 0 : i32
      %dma_start3A_100 = tpu.memref_slice %arg17[%dma_start3A_98, %dma_start3A_99] : memref<10000x16xf32, #tpu.memory_space<vmem_shared>> -> memref<10000x16xf32, #tpu.memory_space<vmem_shared>>
      tpu.enqueue_indirect_dma source(%arg15 : memref<125x16xf32, #tpu.memory_space<vmem>>) target(%dma_start3A_100 : memref<10000x16xf32, #tpu.memory_space<vmem_shared>>) offsets(%dma_start3A_97 : memref<125xi32, #tpu.memory_space<vmem>>) semaphore(%arg14 : memref<!tpu.dma_semaphore, #tpu.memory_space<semaphore_mem>>) {add = true}
      %add3A_101 = arith.constant 1 : i32
      %add3A_102 = arith.addi %mul3A_65, %add3A_101 : i32
      %dma_wait3A_103 = arith.constant 0 : i32
      %dma_wait3A_104 = tpu.memref_slice %arg5[%add3A_102, %dma_wait3A_103] : memref<80x125xi32, #tpu.memory_space<vmem>> -> memref<1x125xi32, #tpu.memory_space<vmem>>
      %dma_wait3A_105 = tpu.memref_squeeze %dma_wait3A_104 : memref<1x125xi32, #tpu.memory_space<vmem>> -> memref<125xi32, #tpu.memory_space<vmem>>
      %dma_wait3A_106 = arith.constant 0 : i32
      %dma_wait3A_107 = arith.constant 0 : i32
      %dma_wait3A_108 = tpu.memref_slice %arg2[%dma_wait3A_106, %dma_wait3A_107] : memref<10000x64xf32, #tpu.memory_space<hbm>> -> memref<10000x64xf32, #tpu.memory_space<hbm>>
      tpu.wait_indirect_dma semaphore(%arg12 : memref<!tpu.dma_semaphore, #tpu.memory_space<semaphore_mem>>) src(%dma_wait3A_108 : memref<10000x64xf32, #tpu.memory_space<hbm>>) dst(%arg8 : memref<125x64xf32, #tpu.memory_space<vmem>>)
      %add3A_109 = arith.constant 1 : i32
      %add3A_110 = arith.addi %mul3A_65, %add3A_109 : i32
      "tpu.region"() ({
        %run_scoped3A_161 = tpu.sem_alloc : memref<!tpu.dma_semaphore, #tpu.memory_space<semaphore_mem>>
        %dma_start3A_162 = arith.constant 0 : i32
        %dma_start3A_163 = tpu.memref_slice %arg6[%add3A_110, %dma_start3A_162] : memref<80x125xi32, #tpu.memory_space<vmem>> -> memref<1x125xi32, #tpu.memory_space<vmem>>
        %dma_start3A_164 = tpu.memref_squeeze %dma_start3A_163 : memref<1x125xi32, #tpu.memory_space<vmem>> -> memref<125xi32, #tpu.memory_space<vmem>>
        %dma_start3A_165 = arith.constant 0 : i32
        %dma_start3A_166 = arith.constant 0 : i32
        %dma_start3A_167 = tpu.memref_slice %arg16[%dma_start3A_165, %dma_start3A_166] : memref<10000x64xf32, #tpu.memory_space<vmem_shared>> -> memref<10000x64xf32, #tpu.memory_space<vmem_shared>>
        tpu.enqueue_indirect_dma source(%arg8 : memref<125x64xf32, #tpu.memory_space<vmem>>) target(%dma_start3A_167 : memref<10000x64xf32, #tpu.memory_space<vmem_shared>>) offsets(%dma_start3A_164 : memref<125xi32, #tpu.memory_space<vmem>>) semaphore(%run_scoped3A_161 : memref<!tpu.dma_semaphore, #tpu.memory_space<semaphore_mem>>) {add = true}
        %dma_wait3A_168 = arith.constant 0 : i32
        %dma_wait3A_169 = tpu.memref_slice %arg6[%add3A_110, %dma_wait3A_168] : memref<80x125xi32, #tpu.memory_space<vmem>> -> memref<1x125xi32, #tpu.memory_space<vmem>>
        %dma_wait3A_170 = tpu.memref_squeeze %dma_wait3A_169 : memref<1x125xi32, #tpu.memory_space<vmem>> -> memref<125xi32, #tpu.memory_space<vmem>>
        %dma_wait3A_171 = arith.constant 0 : i32
        %dma_wait3A_172 = arith.constant 0 : i32
        %dma_wait3A_173 = tpu.memref_slice %arg16[%dma_wait3A_171, %dma_wait3A_172] : memref<10000x64xf32, #tpu.memory_space<vmem_shared>> -> memref<10000x64xf32, #tpu.memory_space<vmem_shared>>
        tpu.wait_indirect_dma semaphore(%run_scoped3A_161 : memref<!tpu.dma_semaphore, #tpu.memory_space<semaphore_mem>>) src(%arg8 : memref<125x64xf32, #tpu.memory_space<vmem>>) dst(%dma_wait3A_173 : memref<10000x64xf32, #tpu.memory_space<vmem_shared>>)
        tpu.yield
      }) : () -> ()
      %dma_start3A_111 = arith.constant 0 : i32
      %dma_start3A_112 = tpu.memref_slice %arg6[%add3A_110, %dma_start3A_111] : memref<80x125xi32, #tpu.memory_space<vmem>> -> memref<1x125xi32, #tpu.memory_space<vmem>>
      %dma_start3A_113 = tpu.memref_squeeze %dma_start3A_112 : memref<1x125xi32, #tpu.memory_space<vmem>> -> memref<125xi32, #tpu.memory_space<vmem>>
      %dma_start3A_114 = arith.constant 0 : i32
      %dma_start3A_115 = arith.constant 0 : i32
      %dma_start3A_116 = tpu.memref_slice %arg17[%dma_start3A_114, %dma_start3A_115] : memref<10000x16xf32, #tpu.memory_space<vmem_shared>> -> memref<10000x16xf32, #tpu.memory_space<vmem_shared>>
      tpu.enqueue_indirect_dma source(%arg15 : memref<125x16xf32, #tpu.memory_space<vmem>>) target(%dma_start3A_116 : memref<10000x16xf32, #tpu.memory_space<vmem_shared>>) offsets(%dma_start3A_113 : memref<125xi32, #tpu.memory_space<vmem>>) semaphore(%arg14 : memref<!tpu.dma_semaphore, #tpu.memory_space<semaphore_mem>>) {add = true}
      %lt3A = arith.constant 19 : i32
      %lt3A_117 = arith.cmpi slt, %scan3A_61, %lt3A : i32
      %convert_element_type3A_118 = arith.extui %lt3A_117 : i1 to i32
      %cond3A_119 = arith.constant 0 : i32
      %cond3A_120 = arith.cmpi ne, %convert_element_type3A_118, %cond3A_119 : i32
      scf.if %cond3A_120 {
        %add3A_161 = arith.constant 4 : i32
        %add3A_162 = arith.addi %mul3A_65, %add3A_161 : i32
        %add3A_163 = arith.constant 0 : i32
        %add3A_164 = arith.addi %add3A_162, %add3A_163 : i32
        %dma_start3A_165 = arith.constant 0 : i32
        %dma_start3A_166 = tpu.memref_slice %arg5[%add3A_164, %dma_start3A_165] : memref<80x125xi32, #tpu.memory_space<vmem>> -> memref<1x125xi32, #tpu.memory_space<vmem>>
        %dma_start3A_167 = tpu.memref_squeeze %dma_start3A_166 : memref<1x125xi32, #tpu.memory_space<vmem>> -> memref<125xi32, #tpu.memory_space<vmem>>
        %dma_start3A_168 = arith.constant 0 : i32
        %dma_start3A_169 = arith.constant 0 : i32
        %dma_start3A_170 = tpu.memref_slice %arg2[%dma_start3A_168, %dma_start3A_169] : memref<10000x64xf32, #tpu.memory_space<hbm>> -> memref<10000x64xf32, #tpu.memory_space<hbm>>
        tpu.enqueue_indirect_dma source(%dma_start3A_170 : memref<10000x64xf32, #tpu.memory_space<hbm>>) target(%arg7 : memref<125x64xf32, #tpu.memory_space<vmem>>) offsets(%dma_start3A_167 : memref<125xi32, #tpu.memory_space<vmem>>) semaphore(%arg12 : memref<!tpu.dma_semaphore, #tpu.memory_space<semaphore_mem>>)
        %add3A_171 = arith.constant 4 : i32
        %add3A_172 = arith.addi %mul3A_65, %add3A_171 : i32
        %add3A_173 = arith.constant 1 : i32
        %add3A_174 = arith.addi %add3A_172, %add3A_173 : i32
        %dma_start3A_175 = arith.constant 0 : i32
        %dma_start3A_176 = tpu.memref_slice %arg5[%add3A_174, %dma_start3A_175] : memref<80x125xi32, #tpu.memory_space<vmem>> -> memref<1x125xi32, #tpu.memory_space<vmem>>
        %dma_start3A_177 = tpu.memref_squeeze %dma_start3A_176 : memref<1x125xi32, #tpu.memory_space<vmem>> -> memref<125xi32, #tpu.memory_space<vmem>>
        %dma_start3A_178 = arith.constant 0 : i32
        %dma_start3A_179 = arith.constant 0 : i32
        %dma_start3A_180 = tpu.memref_slice %arg2[%dma_start3A_178, %dma_start3A_179] : memref<10000x64xf32, #tpu.memory_space<hbm>> -> memref<10000x64xf32, #tpu.memory_space<hbm>>
        tpu.enqueue_indirect_dma source(%dma_start3A_180 : memref<10000x64xf32, #tpu.memory_space<hbm>>) target(%arg8 : memref<125x64xf32, #tpu.memory_space<vmem>>) offsets(%dma_start3A_177 : memref<125xi32, #tpu.memory_space<vmem>>) semaphore(%arg12 : memref<!tpu.dma_semaphore, #tpu.memory_space<semaphore_mem>>)
      } else {
      }
      %add3A_121 = arith.constant 2 : i32
      %add3A_122 = arith.addi %mul3A_65, %add3A_121 : i32
      %add3A_123 = arith.constant 0 : i32
      %add3A_124 = arith.addi %add3A_122, %add3A_123 : i32
      %dma_wait3A_125 = arith.constant 0 : i32
      %dma_wait3A_126 = tpu.memref_slice %arg5[%add3A_124, %dma_wait3A_125] : memref<80x125xi32, #tpu.memory_space<vmem>> -> memref<1x125xi32, #tpu.memory_space<vmem>>
      %dma_wait3A_127 = tpu.memref_squeeze %dma_wait3A_126 : memref<1x125xi32, #tpu.memory_space<vmem>> -> memref<125xi32, #tpu.memory_space<vmem>>
      %dma_wait3A_128 = arith.constant 0 : i32
      %dma_wait3A_129 = arith.constant 0 : i32
      %dma_wait3A_130 = tpu.memref_slice %arg2[%dma_wait3A_128, %dma_wait3A_129] : memref<10000x64xf32, #tpu.memory_space<hbm>> -> memref<10000x64xf32, #tpu.memory_space<hbm>>
      tpu.wait_indirect_dma semaphore(%arg13 : memref<!tpu.dma_semaphore, #tpu.memory_space<semaphore_mem>>) src(%dma_wait3A_130 : memref<10000x64xf32, #tpu.memory_space<hbm>>) dst(%arg9 : memref<125x64xf32, #tpu.memory_space<vmem>>)
      %add3A_131 = arith.constant 2 : i32
      %add3A_132 = arith.addi %mul3A_65, %add3A_131 : i32
      %add3A_133 = arith.constant 0 : i32
      %add3A_134 = arith.addi %add3A_132, %add3A_133 : i32
      "tpu.region"() ({
        %run_scoped3A_161 = tpu.sem_alloc : memref<!tpu.dma_semaphore, #tpu.memory_space<semaphore_mem>>
        %dma_start3A_162 = arith.constant 0 : i32
        %dma_start3A_163 = tpu.memref_slice %arg6[%add3A_134, %dma_start3A_162] : memref<80x125xi32, #tpu.memory_space<vmem>> -> memref<1x125xi32, #tpu.memory_space<vmem>>
        %dma_start3A_164 = tpu.memref_squeeze %dma_start3A_163 : memref<1x125xi32, #tpu.memory_space<vmem>> -> memref<125xi32, #tpu.memory_space<vmem>>
        %dma_start3A_165 = arith.constant 0 : i32
        %dma_start3A_166 = arith.constant 0 : i32
        %dma_start3A_167 = tpu.memref_slice %arg16[%dma_start3A_165, %dma_start3A_166] : memref<10000x64xf32, #tpu.memory_space<vmem_shared>> -> memref<10000x64xf32, #tpu.memory_space<vmem_shared>>
        tpu.enqueue_indirect_dma source(%arg9 : memref<125x64xf32, #tpu.memory_space<vmem>>) target(%dma_start3A_167 : memref<10000x64xf32, #tpu.memory_space<vmem_shared>>) offsets(%dma_start3A_164 : memref<125xi32, #tpu.memory_space<vmem>>) semaphore(%run_scoped3A_161 : memref<!tpu.dma_semaphore, #tpu.memory_space<semaphore_mem>>) {add = true}
        %dma_wait3A_168 = arith.constant 0 : i32
        %dma_wait3A_169 = tpu.memref_slice %arg6[%add3A_134, %dma_wait3A_168] : memref<80x125xi32, #tpu.memory_space<vmem>> -> memref<1x125xi32, #tpu.memory_space<vmem>>
        %dma_wait3A_170 = tpu.memref_squeeze %dma_wait3A_169 : memref<1x125xi32, #tpu.memory_space<vmem>> -> memref<125xi32, #tpu.memory_space<vmem>>
        %dma_wait3A_171 = arith.constant 0 : i32
        %dma_wait3A_172 = arith.constant 0 : i32
        %dma_wait3A_173 = tpu.memref_slice %arg16[%dma_wait3A_171, %dma_wait3A_172] : memref<10000x64xf32, #tpu.memory_space<vmem_shared>> -> memref<10000x64xf32, #tpu.memory_space<vmem_shared>>
        tpu.wait_indirect_dma semaphore(%run_scoped3A_161 : memref<!tpu.dma_semaphore, #tpu.memory_space<semaphore_mem>>) src(%arg9 : memref<125x64xf32, #tpu.memory_space<vmem>>) dst(%dma_wait3A_173 : memref<10000x64xf32, #tpu.memory_space<vmem_shared>>)
        tpu.yield
      }) : () -> ()
      %dma_start3A_135 = arith.constant 0 : i32
      %dma_start3A_136 = tpu.memref_slice %arg6[%add3A_134, %dma_start3A_135] : memref<80x125xi32, #tpu.memory_space<vmem>> -> memref<1x125xi32, #tpu.memory_space<vmem>>
      %dma_start3A_137 = tpu.memref_squeeze %dma_start3A_136 : memref<1x125xi32, #tpu.memory_space<vmem>> -> memref<125xi32, #tpu.memory_space<vmem>>
      %dma_start3A_138 = arith.constant 0 : i32
      %dma_start3A_139 = arith.constant 0 : i32
      %dma_start3A_140 = tpu.memref_slice %arg17[%dma_start3A_138, %dma_start3A_139] : memref<10000x16xf32, #tpu.memory_space<vmem_shared>> -> memref<10000x16xf32, #tpu.memory_space<vmem_shared>>
      tpu.enqueue_indirect_dma source(%arg15 : memref<125x16xf32, #tpu.memory_space<vmem>>) target(%dma_start3A_140 : memref<10000x16xf32, #tpu.memory_space<vmem_shared>>) offsets(%dma_start3A_137 : memref<125xi32, #tpu.memory_space<vmem>>) semaphore(%arg14 : memref<!tpu.dma_semaphore, #tpu.memory_space<semaphore_mem>>) {add = true}
      %add3A_141 = arith.constant 2 : i32
      %add3A_142 = arith.addi %mul3A_65, %add3A_141 : i32
      %add3A_143 = arith.constant 1 : i32
      %add3A_144 = arith.addi %add3A_142, %add3A_143 : i32
      %dma_wait3A_145 = arith.constant 0 : i32
      %dma_wait3A_146 = tpu.memref_slice %arg5[%add3A_144, %dma_wait3A_145] : memref<80x125xi32, #tpu.memory_space<vmem>> -> memref<1x125xi32, #tpu.memory_space<vmem>>
      %dma_wait3A_147 = tpu.memref_squeeze %dma_wait3A_146 : memref<1x125xi32, #tpu.memory_space<vmem>> -> memref<125xi32, #tpu.memory_space<vmem>>
      %dma_wait3A_148 = arith.constant 0 : i32
      %dma_wait3A_149 = arith.constant 0 : i32
      %dma_wait3A_150 = tpu.memref_slice %arg2[%dma_wait3A_148, %dma_wait3A_149] : memref<10000x64xf32, #tpu.memory_space<hbm>> -> memref<10000x64xf32, #tpu.memory_space<hbm>>
      tpu.wait_indirect_dma semaphore(%arg13 : memref<!tpu.dma_semaphore, #tpu.memory_space<semaphore_mem>>) src(%dma_wait3A_150 : memref<10000x64xf32, #tpu.memory_space<hbm>>) dst(%arg10 : memref<125x64xf32, #tpu.memory_space<vmem>>)
      %add3A_151 = arith.constant 2 : i32
      %add3A_152 = arith.addi %mul3A_65, %add3A_151 : i32
      %add3A_153 = arith.constant 1 : i32
      %add3A_154 = arith.addi %add3A_152, %add3A_153 : i32
      "tpu.region"() ({
        %run_scoped3A_161 = tpu.sem_alloc : memref<!tpu.dma_semaphore, #tpu.memory_space<semaphore_mem>>
        %dma_start3A_162 = arith.constant 0 : i32
        %dma_start3A_163 = tpu.memref_slice %arg6[%add3A_154, %dma_start3A_162] : memref<80x125xi32, #tpu.memory_space<vmem>> -> memref<1x125xi32, #tpu.memory_space<vmem>>
        %dma_start3A_164 = tpu.memref_squeeze %dma_start3A_163 : memref<1x125xi32, #tpu.memory_space<vmem>> -> memref<125xi32, #tpu.memory_space<vmem>>
        %dma_start3A_165 = arith.constant 0 : i32
        %dma_start3A_166 = arith.constant 0 : i32
        %dma_start3A_167 = tpu.memref_slice %arg16[%dma_start3A_165, %dma_start3A_166] : memref<10000x64xf32, #tpu.memory_space<vmem_shared>> -> memref<10000x64xf32, #tpu.memory_space<vmem_shared>>
        tpu.enqueue_indirect_dma source(%arg10 : memref<125x64xf32, #tpu.memory_space<vmem>>) target(%dma_start3A_167 : memref<10000x64xf32, #tpu.memory_space<vmem_shared>>) offsets(%dma_start3A_164 : memref<125xi32, #tpu.memory_space<vmem>>) semaphore(%run_scoped3A_161 : memref<!tpu.dma_semaphore, #tpu.memory_space<semaphore_mem>>) {add = true}
        %dma_wait3A_168 = arith.constant 0 : i32
        %dma_wait3A_169 = tpu.memref_slice %arg6[%add3A_154, %dma_wait3A_168] : memref<80x125xi32, #tpu.memory_space<vmem>> -> memref<1x125xi32, #tpu.memory_space<vmem>>
        %dma_wait3A_170 = tpu.memref_squeeze %dma_wait3A_169 : memref<1x125xi32, #tpu.memory_space<vmem>> -> memref<125xi32, #tpu.memory_space<vmem>>
        %dma_wait3A_171 = arith.constant 0 : i32
        %dma_wait3A_172 = arith.constant 0 : i32
        %dma_wait3A_173 = tpu.memref_slice %arg16[%dma_wait3A_171, %dma_wait3A_172] : memref<10000x64xf32, #tpu.memory_space<vmem_shared>> -> memref<10000x64xf32, #tpu.memory_space<vmem_shared>>
        tpu.wait_indirect_dma semaphore(%run_scoped3A_161 : memref<!tpu.dma_semaphore, #tpu.memory_space<semaphore_mem>>) src(%arg10 : memref<125x64xf32, #tpu.memory_space<vmem>>) dst(%dma_wait3A_173 : memref<10000x64xf32, #tpu.memory_space<vmem_shared>>)
        tpu.yield
      }) : () -> ()
      %dma_start3A_155 = arith.constant 0 : i32
      %dma_start3A_156 = tpu.memref_slice %arg6[%add3A_154, %dma_start3A_155] : memref<80x125xi32, #tpu.memory_space<vmem>> -> memref<1x125xi32, #tpu.memory_space<vmem>>
      %dma_start3A_157 = tpu.memref_squeeze %dma_start3A_156 : memref<1x125xi32, #tpu.memory_space<vmem>> -> memref<125xi32, #tpu.memory_space<vmem>>
      %dma_start3A_158 = arith.constant 0 : i32
      %dma_start3A_159 = arith.constant 0 : i32
      %dma_start3A_160 = tpu.memref_slice %arg17[%dma_start3A_158, %dma_start3A_159] : memref<10000x16xf32, #tpu.memory_space<vmem_shared>> -> memref<10000x16xf32, #tpu.memory_space<vmem_shared>>
      tpu.enqueue_indirect_dma source(%arg15 : memref<125x16xf32, #tpu.memory_space<vmem>>) target(%dma_start3A_160 : memref<10000x16xf32, #tpu.memory_space<vmem_shared>>) offsets(%dma_start3A_157 : memref<125xi32, #tpu.memory_space<vmem>>) semaphore(%arg14 : memref<!tpu.dma_semaphore, #tpu.memory_space<semaphore_mem>>) {add = true}
    }
    %scan3A_44 = arith.constant 20 : i32
    %scan3A_45 = arith.constant 0 : i32
    %scan3A_46 = arith.constant 80 : i32
    %scan3A_47 = arith.addi %scan3A_45, %scan3A_46 : i32
    %scan3A_48 = arith.constant 1 : i32
    scf.for %scan3A_61 = %scan3A_45 to %scan3A_47 step %scan3A_48  : i32 {
      %dma_wait3A = arith.constant 0 : i32
      %dma_wait3A_62 = tpu.memref_slice %arg6[%scan3A_61, %dma_wait3A] : memref<80x125xi32, #tpu.memory_space<vmem>> -> memref<1x125xi32, #tpu.memory_space<vmem>>
      %dma_wait3A_63 = tpu.memref_squeeze %dma_wait3A_62 : memref<1x125xi32, #tpu.memory_space<vmem>> -> memref<125xi32, #tpu.memory_space<vmem>>
      %dma_wait3A_64 = arith.constant 0 : i32
      %dma_wait3A_65 = arith.constant 0 : i32
      %dma_wait3A_66 = tpu.memref_slice %arg17[%dma_wait3A_64, %dma_wait3A_65] : memref<10000x16xf32, #tpu.memory_space<vmem_shared>> -> memref<10000x16xf32, #tpu.memory_space<vmem_shared>>
      tpu.wait_indirect_dma semaphore(%arg14 : memref<!tpu.dma_semaphore, #tpu.memory_space<semaphore_mem>>) src(%arg15 : memref<125x16xf32, #tpu.memory_space<vmem>>) dst(%dma_wait3A_66 : memref<10000x16xf32, #tpu.memory_space<vmem_shared>>)
    }
    %scan3A_49 = arith.constant 80 : i32
    %barrier3A_50 = arith.constant 0 : index
    tpu.barrier barrier_id(%barrier3A_50)
    %scan3A_51 = arith.constant 0 : i32
    %scan3A_52 = arith.constant 6 : i32
    %scan3A_53 = arith.addi %scan3A_51, %scan3A_52 : i32
    %scan3A_54 = arith.constant 1 : i32
    scf.for %scan3A_61 = %scan3A_51 to %scan3A_53 step %scan3A_54  : i32 {
      %mul3A_62 = arith.constant 624 : i32
      %mul3A_63 = arith.muli %arg1, %mul3A_62 : i32
      %mul3A_64 = arith.constant 104 : i32
      %mul3A_65 = arith.muli %scan3A_61, %mul3A_64 : i32
      %add3A_66 = arith.addi %mul3A_63, %mul3A_65 : i32
      "tpu.region"() ({
        %run_scoped3A_70 = tpu.sem_alloc : memref<!tpu.dma_semaphore, #tpu.memory_space<semaphore_mem>>
        %dma_start3A_71 = arith.constant 0 : i32
        %dma_start3A_72 = arith.constant 0 : i32
        %dma_start3A_73 = tpu.memref_slice %arg11[%dma_start3A_71, %dma_start3A_72] : memref<104x128xf32, #tpu.memory_space<vmem>> -> memref<104x64xf32, #tpu.memory_space<vmem>>
        %dma_start3A_74 = arith.constant 0 : i32
        %dma_start3A_75 = tpu.memref_slice %arg16[%add3A_66, %dma_start3A_74] : memref<10000x64xf32, #tpu.memory_space<vmem_shared>> -> memref<104x64xf32, #tpu.memory_space<vmem_shared>>
        %dma_start3A_76 = arith.constant 0 : i32
        %dma_start3A_77 = arith.constant 0 : i32
        %dma_start3A_78 = tpu.memref_slice %arg11[%dma_start3A_76, %dma_start3A_77] : memref<104x128xf32, #tpu.memory_space<vmem>> -> memref<104x64xf32, #tpu.memory_space<vmem>>
        %dma_start3A_79 = arith.constant 0 : i32
        %dma_start3A_80 = tpu.memref_slice %arg16[%add3A_66, %dma_start3A_79] : memref<10000x64xf32, #tpu.memory_space<vmem_shared>> -> memref<104x64xf32, #tpu.memory_space<vmem_shared>>
        tpu.enqueue_dma source(%dma_start3A_80 : memref<104x64xf32, #tpu.memory_space<vmem_shared>>) target(%dma_start3A_78 : memref<104x64xf32, #tpu.memory_space<vmem>>) target_semaphore(%run_scoped3A_70 : memref<!tpu.dma_semaphore, #tpu.memory_space<semaphore_mem>>)
        %dma_wait3A = arith.constant 0 : i32
        %dma_wait3A_81 = arith.constant 0 : i32
        %dma_wait3A_82 = tpu.memref_slice %arg11[%dma_wait3A, %dma_wait3A_81] : memref<104x128xf32, #tpu.memory_space<vmem>> -> memref<104x64xf32, #tpu.memory_space<vmem>>
        %dma_wait3A_83 = arith.constant 0 : i32
        %dma_wait3A_84 = tpu.memref_slice %arg16[%add3A_66, %dma_wait3A_83] : memref<10000x64xf32, #tpu.memory_space<vmem_shared>> -> memref<104x64xf32, #tpu.memory_space<vmem_shared>>
        %dma_wait3A_85 = arith.constant 0 : i32
        %dma_wait3A_86 = arith.constant 0 : i32
        %dma_wait3A_87 = tpu.memref_slice %arg11[%dma_wait3A_85, %dma_wait3A_86] : memref<104x128xf32, #tpu.memory_space<vmem>> -> memref<104x64xf32, #tpu.memory_space<vmem>>
        %dma_wait3A_88 = arith.constant 0 : i32
        %dma_wait3A_89 = tpu.memref_slice %arg16[%add3A_66, %dma_wait3A_88] : memref<10000x64xf32, #tpu.memory_space<vmem_shared>> -> memref<104x64xf32, #tpu.memory_space<vmem_shared>>
        tpu.wait_dma2 semaphore(%run_scoped3A_70 : memref<!tpu.dma_semaphore, #tpu.memory_space<semaphore_mem>>) src(%dma_wait3A_89 : memref<104x64xf32, #tpu.memory_space<vmem_shared>>) dst(%dma_wait3A_87 : memref<104x64xf32, #tpu.memory_space<vmem>>)
        tpu.yield
      }) : () -> ()
      "tpu.region"() ({
        %run_scoped3A_70 = tpu.sem_alloc : memref<!tpu.dma_semaphore, #tpu.memory_space<semaphore_mem>>
        %dma_start3A_71 = arith.constant 0 : i32
        %dma_start3A_72 = arith.constant 64 : i32
        %dma_start3A_73 = tpu.memref_slice %arg11[%dma_start3A_71, %dma_start3A_72] : memref<104x128xf32, #tpu.memory_space<vmem>> -> memref<104x16xf32, #tpu.memory_space<vmem>>
        %dma_start3A_74 = arith.constant 0 : i32
        %dma_start3A_75 = tpu.memref_slice %arg17[%add3A_66, %dma_start3A_74] : memref<10000x16xf32, #tpu.memory_space<vmem_shared>> -> memref<104x16xf32, #tpu.memory_space<vmem_shared>>
        %dma_start3A_76 = arith.constant 0 : i32
        %dma_start3A_77 = arith.constant 64 : i32
        %dma_start3A_78 = tpu.memref_slice %arg11[%dma_start3A_76, %dma_start3A_77] : memref<104x128xf32, #tpu.memory_space<vmem>> -> memref<104x16xf32, #tpu.memory_space<vmem>>
        %dma_start3A_79 = arith.constant 0 : i32
        %dma_start3A_80 = tpu.memref_slice %arg17[%add3A_66, %dma_start3A_79] : memref<10000x16xf32, #tpu.memory_space<vmem_shared>> -> memref<104x16xf32, #tpu.memory_space<vmem_shared>>
        tpu.enqueue_dma source(%dma_start3A_80 : memref<104x16xf32, #tpu.memory_space<vmem_shared>>) target(%dma_start3A_78 : memref<104x16xf32, #tpu.memory_space<vmem>>) target_semaphore(%run_scoped3A_70 : memref<!tpu.dma_semaphore, #tpu.memory_space<semaphore_mem>>)
        %dma_wait3A = arith.constant 0 : i32
        %dma_wait3A_81 = arith.constant 64 : i32
        %dma_wait3A_82 = tpu.memref_slice %arg11[%dma_wait3A, %dma_wait3A_81] : memref<104x128xf32, #tpu.memory_space<vmem>> -> memref<104x16xf32, #tpu.memory_space<vmem>>
        %dma_wait3A_83 = arith.constant 0 : i32
        %dma_wait3A_84 = tpu.memref_slice %arg17[%add3A_66, %dma_wait3A_83] : memref<10000x16xf32, #tpu.memory_space<vmem_shared>> -> memref<104x16xf32, #tpu.memory_space<vmem_shared>>
        %dma_wait3A_85 = arith.constant 0 : i32
        %dma_wait3A_86 = arith.constant 64 : i32
        %dma_wait3A_87 = tpu.memref_slice %arg11[%dma_wait3A_85, %dma_wait3A_86] : memref<104x128xf32, #tpu.memory_space<vmem>> -> memref<104x16xf32, #tpu.memory_space<vmem>>
        %dma_wait3A_88 = arith.constant 0 : i32
        %dma_wait3A_89 = tpu.memref_slice %arg17[%add3A_66, %dma_wait3A_88] : memref<10000x16xf32, #tpu.memory_space<vmem_shared>> -> memref<104x16xf32, #tpu.memory_space<vmem_shared>>
        tpu.wait_dma2 semaphore(%run_scoped3A_70 : memref<!tpu.dma_semaphore, #tpu.memory_space<semaphore_mem>>) src(%dma_wait3A_89 : memref<104x16xf32, #tpu.memory_space<vmem_shared>>) dst(%dma_wait3A_87 : memref<104x16xf32, #tpu.memory_space<vmem>>)
        tpu.yield
      }) : () -> ()
      %mul3A_67 = arith.constant 10000 : i32
      %mul3A_68 = arith.muli %arg0, %mul3A_67 : i32
      %add3A_69 = arith.addi %mul3A_68, %add3A_66 : i32
      "tpu.region"() ({
        %run_scoped3A_70 = tpu.sem_alloc : memref<!tpu.dma_semaphore, #tpu.memory_space<semaphore_mem>>
        %dma_start3A_71 = arith.constant 0 : i32
        %dma_start3A_72 = tpu.memref_slice %arg4[%add3A_69, %dma_start3A_71] : memref<20000x128xf32, #tpu.memory_space<hbm>> -> memref<104x128xf32, #tpu.memory_space<hbm>>
        %dma_start3A_73 = arith.constant 0 : i32
        %dma_start3A_74 = tpu.memref_slice %arg4[%add3A_69, %dma_start3A_73] : memref<20000x128xf32, #tpu.memory_space<hbm>> -> memref<104x128xf32, #tpu.memory_space<hbm>>
        tpu.enqueue_dma source(%arg11 : memref<104x128xf32, #tpu.memory_space<vmem>>) target(%dma_start3A_74 : memref<104x128xf32, #tpu.memory_space<hbm>>) target_semaphore(%run_scoped3A_70 : memref<!tpu.dma_semaphore, #tpu.memory_space<semaphore_mem>>)
        %dma_wait3A = arith.constant 0 : i32
        %dma_wait3A_75 = tpu.memref_slice %arg4[%add3A_69, %dma_wait3A] : memref<20000x128xf32, #tpu.memory_space<hbm>> -> memref<104x128xf32, #tpu.memory_space<hbm>>
        %dma_wait3A_76 = arith.constant 0 : i32
        %dma_wait3A_77 = tpu.memref_slice %arg4[%add3A_69, %dma_wait3A_76] : memref<20000x128xf32, #tpu.memory_space<hbm>> -> memref<104x128xf32, #tpu.memory_space<hbm>>
        tpu.wait_dma2 semaphore(%run_scoped3A_70 : memref<!tpu.dma_semaphore, #tpu.memory_space<semaphore_mem>>) src(%arg11 : memref<104x128xf32, #tpu.memory_space<vmem>>) dst(%dma_wait3A_77 : memref<104x128xf32, #tpu.memory_space<hbm>>)
        tpu.yield
      }) : () -> ()
    }
    %scan3A_55 = arith.constant 6 : i32
    %eq3A_56 = arith.constant 15 : i32
    %eq3A_57 = arith.cmpi eq, %arg1, %eq3A_56 : i32
    %convert_element_type3A_58 = arith.extui %eq3A_57 : i1 to i32
    %cond3A_59 = arith.constant 0 : i32
    %cond3A_60 = arith.cmpi ne, %convert_element_type3A_58, %cond3A_59 : i32
    scf.if %cond3A_60 {
      "tpu.region"() ({
        %run_scoped3A_65 = tpu.sem_alloc : memref<!tpu.dma_semaphore, #tpu.memory_space<semaphore_mem>>
        %dma_start3A_66 = arith.constant 0 : i32
        %dma_start3A_67 = arith.constant 0 : i32
        %dma_start3A_68 = tpu.memref_slice %arg11[%dma_start3A_66, %dma_start3A_67] : memref<104x128xf32, #tpu.memory_space<vmem>> -> memref<16x64xf32, #tpu.memory_space<vmem>>
        %dma_start3A_69 = arith.constant 9984 : i32
        %dma_start3A_70 = arith.constant 0 : i32
        %dma_start3A_71 = tpu.memref_slice %arg16[%dma_start3A_69, %dma_start3A_70] : memref<10000x64xf32, #tpu.memory_space<vmem_shared>> -> memref<16x64xf32, #tpu.memory_space<vmem_shared>>
        %dma_start3A_72 = arith.constant 0 : i32
        %dma_start3A_73 = arith.constant 0 : i32
        %dma_start3A_74 = tpu.memref_slice %arg11[%dma_start3A_72, %dma_start3A_73] : memref<104x128xf32, #tpu.memory_space<vmem>> -> memref<16x64xf32, #tpu.memory_space<vmem>>
        %dma_start3A_75 = arith.constant 9984 : i32
        %dma_start3A_76 = arith.constant 0 : i32
        %dma_start3A_77 = tpu.memref_slice %arg16[%dma_start3A_75, %dma_start3A_76] : memref<10000x64xf32, #tpu.memory_space<vmem_shared>> -> memref<16x64xf32, #tpu.memory_space<vmem_shared>>
        tpu.enqueue_dma source(%dma_start3A_77 : memref<16x64xf32, #tpu.memory_space<vmem_shared>>) target(%dma_start3A_74 : memref<16x64xf32, #tpu.memory_space<vmem>>) target_semaphore(%run_scoped3A_65 : memref<!tpu.dma_semaphore, #tpu.memory_space<semaphore_mem>>)
        %dma_wait3A = arith.constant 0 : i32
        %dma_wait3A_78 = arith.constant 0 : i32
        %dma_wait3A_79 = tpu.memref_slice %arg11[%dma_wait3A, %dma_wait3A_78] : memref<104x128xf32, #tpu.memory_space<vmem>> -> memref<16x64xf32, #tpu.memory_space<vmem>>
        %dma_wait3A_80 = arith.constant 9984 : i32
        %dma_wait3A_81 = arith.constant 0 : i32
        %dma_wait3A_82 = tpu.memref_slice %arg16[%dma_wait3A_80, %dma_wait3A_81] : memref<10000x64xf32, #tpu.memory_space<vmem_shared>> -> memref<16x64xf32, #tpu.memory_space<vmem_shared>>
        %dma_wait3A_83 = arith.constant 0 : i32
        %dma_wait3A_84 = arith.constant 0 : i32
        %dma_wait3A_85 = tpu.memref_slice %arg11[%dma_wait3A_83, %dma_wait3A_84] : memref<104x128xf32, #tpu.memory_space<vmem>> -> memref<16x64xf32, #tpu.memory_space<vmem>>
        %dma_wait3A_86 = arith.constant 9984 : i32
        %dma_wait3A_87 = arith.constant 0 : i32
        %dma_wait3A_88 = tpu.memref_slice %arg16[%dma_wait3A_86, %dma_wait3A_87] : memref<10000x64xf32, #tpu.memory_space<vmem_shared>> -> memref<16x64xf32, #tpu.memory_space<vmem_shared>>
        tpu.wait_dma2 semaphore(%run_scoped3A_65 : memref<!tpu.dma_semaphore, #tpu.memory_space<semaphore_mem>>) src(%dma_wait3A_88 : memref<16x64xf32, #tpu.memory_space<vmem_shared>>) dst(%dma_wait3A_85 : memref<16x64xf32, #tpu.memory_space<vmem>>)
        tpu.yield
      }) : () -> ()
      "tpu.region"() ({
        %run_scoped3A_65 = tpu.sem_alloc : memref<!tpu.dma_semaphore, #tpu.memory_space<semaphore_mem>>
        %dma_start3A_66 = arith.constant 0 : i32
        %dma_start3A_67 = arith.constant 64 : i32
        %dma_start3A_68 = tpu.memref_slice %arg11[%dma_start3A_66, %dma_start3A_67] : memref<104x128xf32, #tpu.memory_space<vmem>> -> memref<16x16xf32, #tpu.memory_space<vmem>>
        %dma_start3A_69 = arith.constant 9984 : i32
        %dma_start3A_70 = arith.constant 0 : i32
        %dma_start3A_71 = tpu.memref_slice %arg17[%dma_start3A_69, %dma_start3A_70] : memref<10000x16xf32, #tpu.memory_space<vmem_shared>> -> memref<16x16xf32, #tpu.memory_space<vmem_shared>>
        %dma_start3A_72 = arith.constant 0 : i32
        %dma_start3A_73 = arith.constant 64 : i32
        %dma_start3A_74 = tpu.memref_slice %arg11[%dma_start3A_72, %dma_start3A_73] : memref<104x128xf32, #tpu.memory_space<vmem>> -> memref<16x16xf32, #tpu.memory_space<vmem>>
        %dma_start3A_75 = arith.constant 9984 : i32
        %dma_start3A_76 = arith.constant 0 : i32
        %dma_start3A_77 = tpu.memref_slice %arg17[%dma_start3A_75, %dma_start3A_76] : memref<10000x16xf32, #tpu.memory_space<vmem_shared>> -> memref<16x16xf32, #tpu.memory_space<vmem_shared>>
        tpu.enqueue_dma source(%dma_start3A_77 : memref<16x16xf32, #tpu.memory_space<vmem_shared>>) target(%dma_start3A_74 : memref<16x16xf32, #tpu.memory_space<vmem>>) target_semaphore(%run_scoped3A_65 : memref<!tpu.dma_semaphore, #tpu.memory_space<semaphore_mem>>)
        %dma_wait3A = arith.constant 0 : i32
        %dma_wait3A_78 = arith.constant 64 : i32
        %dma_wait3A_79 = tpu.memref_slice %arg11[%dma_wait3A, %dma_wait3A_78] : memref<104x128xf32, #tpu.memory_space<vmem>> -> memref<16x16xf32, #tpu.memory_space<vmem>>
        %dma_wait3A_80 = arith.constant 9984 : i32
        %dma_wait3A_81 = arith.constant 0 : i32
        %dma_wait3A_82 = tpu.memref_slice %arg17[%dma_wait3A_80, %dma_wait3A_81] : memref<10000x16xf32, #tpu.memory_space<vmem_shared>> -> memref<16x16xf32, #tpu.memory_space<vmem_shared>>
        %dma_wait3A_83 = arith.constant 0 : i32
        %dma_wait3A_84 = arith.constant 64 : i32
        %dma_wait3A_85 = tpu.memref_slice %arg11[%dma_wait3A_83, %dma_wait3A_84] : memref<104x128xf32, #tpu.memory_space<vmem>> -> memref<16x16xf32, #tpu.memory_space<vmem>>
        %dma_wait3A_86 = arith.constant 9984 : i32
        %dma_wait3A_87 = arith.constant 0 : i32
        %dma_wait3A_88 = tpu.memref_slice %arg17[%dma_wait3A_86, %dma_wait3A_87] : memref<10000x16xf32, #tpu.memory_space<vmem_shared>> -> memref<16x16xf32, #tpu.memory_space<vmem_shared>>
        tpu.wait_dma2 semaphore(%run_scoped3A_65 : memref<!tpu.dma_semaphore, #tpu.memory_space<semaphore_mem>>) src(%dma_wait3A_88 : memref<16x16xf32, #tpu.memory_space<vmem_shared>>) dst(%dma_wait3A_85 : memref<16x16xf32, #tpu.memory_space<vmem>>)
        tpu.yield
      }) : () -> ()
      %mul3A_61 = arith.constant 10000 : i32
      %mul3A_62 = arith.muli %arg0, %mul3A_61 : i32
      %add3A_63 = arith.constant 9984 : i32
      %add3A_64 = arith.addi %mul3A_62, %add3A_63 : i32
      "tpu.region"() ({
        %run_scoped3A_65 = tpu.sem_alloc : memref<!tpu.dma_semaphore, #tpu.memory_space<semaphore_mem>>
        %dma_start3A_66 = arith.constant 0 : i32
        %dma_start3A_67 = arith.constant 0 : i32
        %dma_start3A_68 = tpu.memref_slice %arg11[%dma_start3A_66, %dma_start3A_67] : memref<104x128xf32, #tpu.memory_space<vmem>> -> memref<16x128xf32, #tpu.memory_space<vmem>>
        %dma_start3A_69 = arith.constant 0 : i32
        %dma_start3A_70 = tpu.memref_slice %arg4[%add3A_64, %dma_start3A_69] : memref<20000x128xf32, #tpu.memory_space<hbm>> -> memref<16x128xf32, #tpu.memory_space<hbm>>
        %dma_start3A_71 = arith.constant 0 : i32
        %dma_start3A_72 = tpu.memref_slice %arg4[%add3A_64, %dma_start3A_71] : memref<20000x128xf32, #tpu.memory_space<hbm>> -> memref<16x128xf32, #tpu.memory_space<hbm>>
        %dma_start3A_73 = arith.constant 0 : i32
        %dma_start3A_74 = arith.constant 0 : i32
        %dma_start3A_75 = tpu.memref_slice %arg11[%dma_start3A_73, %dma_start3A_74] : memref<104x128xf32, #tpu.memory_space<vmem>> -> memref<16x128xf32, #tpu.memory_space<vmem>>
        tpu.enqueue_dma source(%dma_start3A_75 : memref<16x128xf32, #tpu.memory_space<vmem>>) target(%dma_start3A_72 : memref<16x128xf32, #tpu.memory_space<hbm>>) target_semaphore(%run_scoped3A_65 : memref<!tpu.dma_semaphore, #tpu.memory_space<semaphore_mem>>)
        %dma_wait3A = arith.constant 0 : i32
        %dma_wait3A_76 = arith.constant 0 : i32
        %dma_wait3A_77 = tpu.memref_slice %arg11[%dma_wait3A, %dma_wait3A_76] : memref<104x128xf32, #tpu.memory_space<vmem>> -> memref<16x128xf32, #tpu.memory_space<vmem>>
        %dma_wait3A_78 = arith.constant 0 : i32
        %dma_wait3A_79 = tpu.memref_slice %arg4[%add3A_64, %dma_wait3A_78] : memref<20000x128xf32, #tpu.memory_space<hbm>> -> memref<16x128xf32, #tpu.memory_space<hbm>>
        %dma_wait3A_80 = arith.constant 0 : i32
        %dma_wait3A_81 = tpu.memref_slice %arg4[%add3A_64, %dma_wait3A_80] : memref<20000x128xf32, #tpu.memory_space<hbm>> -> memref<16x128xf32, #tpu.memory_space<hbm>>
        %dma_wait3A_82 = arith.constant 0 : i32
        %dma_wait3A_83 = arith.constant 0 : i32
        %dma_wait3A_84 = tpu.memref_slice %arg11[%dma_wait3A_82, %dma_wait3A_83] : memref<104x128xf32, #tpu.memory_space<vmem>> -> memref<16x128xf32, #tpu.memory_space<vmem>>
        tpu.wait_dma2 semaphore(%run_scoped3A_65 : memref<!tpu.dma_semaphore, #tpu.memory_space<semaphore_mem>>) src(%dma_wait3A_84 : memref<16x128xf32, #tpu.memory_space<vmem>>) dst(%dma_wait3A_81 : memref<16x128xf32, #tpu.memory_space<hbm>>)
        tpu.yield
      }) : () -> ()
    } else {
    }
    return
  }
}

module attributes {stable_mosaic.version = 14 : i64} {
  func.func @_tc1_body(%arg0: i32, %arg1: memref<2000x128xf32, #tpu.memory_space<vmem>>, %arg2: memref<64x128xf32, #tpu.memory_space<vmem>>, %arg3: memref<64x128xf32, #tpu.memory_space<vmem>>, %arg4: memref<1x64xf32, #tpu.memory_space<vmem>>, %arg5: memref<2000x64xf32, #tpu.memory_space<vmem>>, %arg6: memref<2000x64xf32, #tpu.memory_space<vmem>>) attributes {dimension_semantics = [#tpu.dimension_semantics<arbitrary>], iteration_bounds = array<i64: 5>, scalar_prefetch = 0 : i64, scratch_operands = 0 : i64, tpu.core_type = #tpu.core_type<tc>, window_params = [{transform_indices = @transform_0, window_bounds = array<i64: 2000, 128>}, {pipeline_mode = #tpu.pipeline_mode<synchronous>, transform_indices = @transform_1, window_bounds = array<i64: 64, 128>}, {pipeline_mode = #tpu.pipeline_mode<synchronous>, transform_indices = @transform_2, window_bounds = array<i64: 64, 128>}, {pipeline_mode = #tpu.pipeline_mode<synchronous>, transform_indices = @transform_3, window_bounds = array<i64: 1, 64>}, {transform_indices = @transform_4, window_bounds = array<i64: 2000, 64>}, {transform_indices = @transform_5, window_bounds = array<i64: 2000, 64>}]} {
    %get3A = arith.constant 0 : index
    %get3A_0 = arith.constant 0 : index
    %get3A_1 = vector.load %arg1[%get3A, %get3A_0] : memref<2000x128xf32, #tpu.memory_space<vmem>>, vector<2000x128xf32>
    %get3A_2 = arith.constant 0 : index
    %get3A_3 = arith.constant 0 : index
    %get3A_4 = vector.load %arg2[%get3A_2, %get3A_3] : memref<64x128xf32, #tpu.memory_space<vmem>>, vector<64x128xf32>
    %dot_general3A = arith.constant dense<0.000000e+00> : vector<2000x64xf32>
    %dot_general3A_5 = tpu.matmul %get3A_1, %get3A_4, %dot_general3A {dimension_numbers = #tpu.dot_dimension_numbers<[1], [1], [0], [0], [0, 0, 1, 0], [], []>, transpose_lhs_hint = false} : vector<2000x128xf32>, vector<64x128xf32>, vector<2000x64xf32> -> vector<2000x64xf32>
    %swap3A = arith.constant 0 : index
    %swap3A_6 = arith.constant 0 : index
    %swap3A_7 = vector.load %arg5[%swap3A, %swap3A_6] : memref<2000x64xf32, #tpu.memory_space<vmem>>, vector<2000x64xf32>
    tpu.vector_store %arg5[%swap3A, %swap3A_6], %dot_general3A_5 {strides = array<i32>} : memref<2000x64xf32, #tpu.memory_space<vmem>>, vector<2000x64xf32>,
    %get3A_8 = arith.constant 0 : index
    %get3A_9 = arith.constant 0 : index
    %get3A_10 = vector.load %arg3[%get3A_8, %get3A_9] : memref<64x128xf32, #tpu.memory_space<vmem>>, vector<64x128xf32>
    %dot_general3A_11 = arith.constant dense<0.000000e+00> : vector<2000x64xf32>
    %dot_general3A_12 = tpu.matmul %get3A_1, %get3A_10, %dot_general3A_11 {dimension_numbers = #tpu.dot_dimension_numbers<[1], [1], [0], [0], [0, 0, 1, 0], [], []>, transpose_lhs_hint = false} : vector<2000x128xf32>, vector<64x128xf32>, vector<2000x64xf32> -> vector<2000x64xf32>
    %get3A_13 = arith.constant 0 : index
    %get3A_14 = arith.constant 0 : index
    %get3A_15 = vector.load %arg4[%get3A_13, %get3A_14] : memref<1x64xf32, #tpu.memory_space<vmem>>, vector<1x64xf32>
    %add3A = vector.broadcast %get3A_15 : vector<1x64xf32> to vector<2000x64xf32>
    %add3A_16 = arith.addf %dot_general3A_12, %add3A : vector<2000x64xf32>
    %swap3A_17 = arith.constant 0 : index
    %swap3A_18 = arith.constant 0 : index
    %swap3A_19 = vector.load %arg6[%swap3A_17, %swap3A_18] : memref<2000x64xf32, #tpu.memory_space<vmem>>, vector<2000x64xf32>
    tpu.vector_store %arg6[%swap3A_17, %swap3A_18], %add3A_16 {strides = array<i32>} : memref<2000x64xf32, #tpu.memory_space<vmem>>, vector<2000x64xf32>,
    return
  }
  func.func @transform_0(%arg0: i32) -> (i32, i32) {
    %c0_i32 = arith.constant 0 : i32
    %c0_i32_0 = arith.constant 0 : i32
    return %arg0, %c0_i32 : i32, i32
  }
  func.func @transform_1(%arg0: i32) -> (i32, i32) {
    %c0_i32 = arith.constant 0 : i32
    %c0_i32_0 = arith.constant 0 : i32
    %c0_i32_1 = arith.constant 0 : i32
    return %c0_i32, %c0_i32_0 : i32, i32
  }
  func.func @transform_2(%arg0: i32) -> (i32, i32) {
    %c0_i32 = arith.constant 0 : i32
    %c0_i32_0 = arith.constant 0 : i32
    %c0_i32_1 = arith.constant 0 : i32
    return %c0_i32, %c0_i32_0 : i32, i32
  }
  func.func @transform_3(%arg0: i32) -> (i32, i32) {
    %c0_i32 = arith.constant 0 : i32
    %c0_i32_0 = arith.constant 0 : i32
    %c0_i32_1 = arith.constant 0 : i32
    return %c0_i32, %c0_i32_0 : i32, i32
  }
  func.func @transform_4(%arg0: i32) -> (i32, i32) {
    %c0_i32 = arith.constant 0 : i32
    %c0_i32_0 = arith.constant 0 : i32
    return %arg0, %c0_i32 : i32, i32
  }
  func.func @transform_5(%arg0: i32) -> (i32, i32) {
    %c0_i32 = arith.constant 0 : i32
    %c0_i32_0 = arith.constant 0 : i32
    return %arg0, %c0_i32 : i32, i32
  }
}

module attributes {stable_mosaic.version = 14 : i64} {
  func.func @_tc2_body(%arg0: i32, %arg1: memref<2000x128xf32, #tpu.memory_space<vmem>>, %arg2: memref<2000x128xf32, #tpu.memory_space<vmem>>, %arg3: memref<2000x64xf32, #tpu.memory_space<vmem>>, %arg4: memref<64x64xf32, #tpu.memory_space<vmem>>, %arg5: memref<64x64xf32, #tpu.memory_space<vmem>>, %arg6: memref<1x64xf32, #tpu.memory_space<vmem>>, %arg7: memref<2000x64xf32, #tpu.memory_space<vmem>>, %arg8: memref<2000x64xf32, #tpu.memory_space<vmem>>, %arg9: memref<2000x64xf32, #tpu.memory_space<vmem>>) attributes {dimension_semantics = [#tpu.dimension_semantics<arbitrary>], iteration_bounds = array<i64: 5>, scalar_prefetch = 0 : i64, scratch_operands = 0 : i64, tpu.core_type = #tpu.core_type<tc>, window_params = [{transform_indices = @transform_0, window_bounds = array<i64: 2000, 128>}, {transform_indices = @transform_1, window_bounds = array<i64: 2000, 128>}, {transform_indices = @transform_2, window_bounds = array<i64: 2000, 64>}, {pipeline_mode = #tpu.pipeline_mode<synchronous>, transform_indices = @transform_3, window_bounds = array<i64: 64, 64>}, {pipeline_mode = #tpu.pipeline_mode<synchronous>, transform_indices = @transform_4, window_bounds = array<i64: 64, 64>}, {pipeline_mode = #tpu.pipeline_mode<synchronous>, transform_indices = @transform_5, window_bounds = array<i64: 1, 64>}, {transform_indices = @transform_6, window_bounds = array<i64: 2000, 64>}, {transform_indices = @transform_7, window_bounds = array<i64: 2000, 64>}, {transform_indices = @transform_8, window_bounds = array<i64: 2000, 64>}]} {
    %get3A = arith.constant 0 : index
    %get3A_0 = arith.constant 0 : index
    %get3A_1 = vector.load %arg1[%get3A, %get3A_0] : memref<2000x128xf32, #tpu.memory_space<vmem>>, vector<2000x128xf32>
    %get3A_2 = arith.constant 0 : index
    %get3A_3 = arith.constant 0 : index
    %get3A_4 = vector.load %arg2[%get3A_2, %get3A_3] : memref<2000x128xf32, #tpu.memory_space<vmem>>, vector<2000x128xf32>
    %add3A = arith.addf %get3A_1, %get3A_4 : vector<2000x128xf32>
    %slice3A = vector.extract_strided_slice %add3A {offsets = [0, 64], sizes = [2000, 1], strides = [1, 1]} : vector<2000x128xf32> to vector<2000x1xf32>
    %max3A = arith.constant 1.000000e+00 : f32
    %max3A_5 = vector.broadcast %max3A : f32 to vector<2000x1xf32>
    %max3A_6 = arith.maximumf %slice3A, %max3A_5 : vector<2000x1xf32>
    %div3A = arith.constant 1.000000e+00 : f32
    %div3A_7 = vector.broadcast %div3A : f32 to vector<2000x1xf32>
    %div3A_8 = arith.divf %div3A_7, %max3A_6 : vector<2000x1xf32>
    %slice3A_9 = vector.extract_strided_slice %add3A {offsets = [0, 0], sizes = [2000, 64], strides = [1, 1]} : vector<2000x128xf32> to vector<2000x64xf32>
    %mul3A = vector.broadcast %div3A_8 : vector<2000x1xf32> to vector<2000x64xf32>
    %mul3A_10 = arith.mulf %slice3A_9, %mul3A : vector<2000x64xf32>
    %get3A_11 = arith.constant 0 : index
    %get3A_12 = arith.constant 0 : index
    %get3A_13 = vector.load %arg3[%get3A_11, %get3A_12] : memref<2000x64xf32, #tpu.memory_space<vmem>>, vector<2000x64xf32>
    %add3A_14 = arith.addf %mul3A_10, %get3A_13 : vector<2000x64xf32>
    %max3A_15 = arith.constant 0.000000e+00 : f32
    %max3A_16 = vector.broadcast %max3A_15 : f32 to vector<2000x64xf32>
    %max3A_17 = arith.maximumf %add3A_14, %max3A_16 : vector<2000x64xf32>
    %get3A_18 = arith.constant 0 : index
    %get3A_19 = arith.constant 0 : index
    %get3A_20 = vector.load %arg4[%get3A_18, %get3A_19] : memref<64x64xf32, #tpu.memory_space<vmem>>, vector<64x64xf32>
    %dot_general3A = arith.constant dense<0.000000e+00> : vector<2000x64xf32>
    %dot_general3A_21 = tpu.matmul %max3A_17, %get3A_20, %dot_general3A {dimension_numbers = #tpu.dot_dimension_numbers<[1], [1], [0], [0], [0, 0, 1, 0], [], []>, transpose_lhs_hint = false} : vector<2000x64xf32>, vector<64x64xf32>, vector<2000x64xf32> -> vector<2000x64xf32>
    %swap3A = arith.constant 0 : index
    %swap3A_22 = arith.constant 0 : index
    %swap3A_23 = vector.load %arg7[%swap3A, %swap3A_22] : memref<2000x64xf32, #tpu.memory_space<vmem>>, vector<2000x64xf32>
    tpu.vector_store %arg7[%swap3A, %swap3A_22], %dot_general3A_21 {strides = array<i32>} : memref<2000x64xf32, #tpu.memory_space<vmem>>, vector<2000x64xf32>,
    %get3A_24 = arith.constant 0 : index
    %get3A_25 = arith.constant 0 : index
    %get3A_26 = vector.load %arg5[%get3A_24, %get3A_25] : memref<64x64xf32, #tpu.memory_space<vmem>>, vector<64x64xf32>
    %dot_general3A_27 = arith.constant dense<0.000000e+00> : vector<2000x64xf32>
    %dot_general3A_28 = tpu.matmul %max3A_17, %get3A_26, %dot_general3A_27 {dimension_numbers = #tpu.dot_dimension_numbers<[1], [1], [0], [0], [0, 0, 1, 0], [], []>, transpose_lhs_hint = false} : vector<2000x64xf32>, vector<64x64xf32>, vector<2000x64xf32> -> vector<2000x64xf32>
    %get3A_29 = arith.constant 0 : index
    %get3A_30 = arith.constant 0 : index
    %get3A_31 = vector.load %arg6[%get3A_29, %get3A_30] : memref<1x64xf32, #tpu.memory_space<vmem>>, vector<1x64xf32>
    %add3A_32 = vector.broadcast %get3A_31 : vector<1x64xf32> to vector<2000x64xf32>
    %add3A_33 = arith.addf %dot_general3A_28, %add3A_32 : vector<2000x64xf32>
    %swap3A_34 = arith.constant 0 : index
    %swap3A_35 = arith.constant 0 : index
    %swap3A_36 = vector.load %arg8[%swap3A_34, %swap3A_35] : memref<2000x64xf32, #tpu.memory_space<vmem>>, vector<2000x64xf32>
    tpu.vector_store %arg8[%swap3A_34, %swap3A_35], %add3A_33 {strides = array<i32>} : memref<2000x64xf32, #tpu.memory_space<vmem>>, vector<2000x64xf32>,
    %broadcast_in_dim3A = arith.constant 1.000000e+00 : f32
    %broadcast_in_dim3A_37 = vector.broadcast %broadcast_in_dim3A : f32 to vector<1x64xf32>
    %mul3A_38 = vector.broadcast %div3A_8 : vector<2000x1xf32> to vector<2000x64xf32>
    %mul3A_39 = vector.broadcast %broadcast_in_dim3A_37 : vector<1x64xf32> to vector<2000x64xf32>
    %mul3A_40 = arith.mulf %mul3A_38, %mul3A_39 : vector<2000x64xf32>
    %swap3A_41 = arith.constant 0 : index
    %swap3A_42 = arith.constant 0 : index
    %swap3A_43 = vector.load %arg9[%swap3A_41, %swap3A_42] : memref<2000x64xf32, #tpu.memory_space<vmem>>, vector<2000x64xf32>
    tpu.vector_store %arg9[%swap3A_41, %swap3A_42], %mul3A_40 {strides = array<i32>} : memref<2000x64xf32, #tpu.memory_space<vmem>>, vector<2000x64xf32>,
    return
  }
  func.func @transform_0(%arg0: i32) -> (i32, i32) {
    %c0_i32 = arith.constant 0 : i32
    %c0_i32_0 = arith.constant 0 : i32
    return %arg0, %c0_i32 : i32, i32
  }
  func.func @transform_1(%arg0: i32) -> (i32, i32) {
    %add3A = arith.constant 5 : i32
    %add3A_0 = arith.addi %arg0, %add3A : i32
    %c0_i32 = arith.constant 0 : i32
    %c0_i32_1 = arith.constant 0 : i32
    return %add3A_0, %c0_i32 : i32, i32
  }
  func.func @transform_2(%arg0: i32) -> (i32, i32) {
    %c0_i32 = arith.constant 0 : i32
    %c0_i32_0 = arith.constant 0 : i32
    return %arg0, %c0_i32 : i32, i32
  }
  func.func @transform_3(%arg0: i32) -> (i32, i32) {
    %c0_i32 = arith.constant 0 : i32
    %c0_i32_0 = arith.constant 0 : i32
    %c0_i32_1 = arith.constant 0 : i32
    return %c0_i32, %c0_i32_0 : i32, i32
  }
  func.func @transform_4(%arg0: i32) -> (i32, i32) {
    %c0_i32 = arith.constant 0 : i32
    %c0_i32_0 = arith.constant 0 : i32
    %c0_i32_1 = arith.constant 0 : i32
    return %c0_i32, %c0_i32_0 : i32, i32
  }
  func.func @transform_5(%arg0: i32) -> (i32, i32) {
    %c0_i32 = arith.constant 0 : i32
    %c0_i32_0 = arith.constant 0 : i32
    %c0_i32_1 = arith.constant 0 : i32
    return %c0_i32, %c0_i32_0 : i32, i32
  }
  func.func @transform_6(%arg0: i32) -> (i32, i32) {
    %c0_i32 = arith.constant 0 : i32
    %c0_i32_0 = arith.constant 0 : i32
    return %arg0, %c0_i32 : i32, i32
  }
  func.func @transform_7(%arg0: i32) -> (i32, i32) {
    %c0_i32 = arith.constant 0 : i32
    %c0_i32_0 = arith.constant 0 : i32
    return %arg0, %c0_i32 : i32, i32
  }
  func.func @transform_8(%arg0: i32) -> (i32, i32) {
    %c0_i32 = arith.constant 0 : i32
    %c0_i32_0 = arith.constant 0 : i32
    return %arg0, %c0_i32 : i32, i32
  }
}

module attributes {stable_mosaic.version = 14 : i64} {
  func.func @_tc3_body(%arg0: i32, %arg1: memref<5000x128xf32, #tpu.memory_space<vmem>>, %arg2: memref<5000x128xf32, #tpu.memory_space<vmem>>, %arg3: memref<5000x64xf32, #tpu.memory_space<vmem>>, %arg4: memref<5000x64xf32, #tpu.memory_space<vmem>>, %arg5: memref<1x1x5000xi32, #tpu.memory_space<vmem>>, %arg6: memref<10x64xf32, #tpu.memory_space<vmem>>, %arg7: memref<1x10xf32, #tpu.memory_space<vmem>>, %arg8: memref<128x10xf32, #tpu.memory_space<vmem>>, %arg9: memref<128x64xf32, #tpu.memory_space<vmem>>, %arg10: memref<128x1xf32, #tpu.memory_space<vmem>>) attributes {dimension_semantics = [#tpu.dimension_semantics<arbitrary>], iteration_bounds = array<i64: 2>, scalar_prefetch = 0 : i64, scratch_operands = 2 : i64, tpu.core_type = #tpu.core_type<tc>, window_params = [{transform_indices = @transform_0, window_bounds = array<i64: 5000, 128>}, {transform_indices = @transform_1, window_bounds = array<i64: 5000, 128>}, {transform_indices = @transform_2, window_bounds = array<i64: 5000, 64>}, {transform_indices = @transform_3, window_bounds = array<i64: 5000, 64>}, {transform_indices = @transform_4, window_bounds = array<i64: 1, 1, 5000>}, {pipeline_mode = #tpu.pipeline_mode<synchronous>, transform_indices = @transform_5, window_bounds = array<i64: 10, 64>}, {pipeline_mode = #tpu.pipeline_mode<synchronous>, transform_indices = @transform_6, window_bounds = array<i64: 1, 10>}, {pipeline_mode = #tpu.pipeline_mode<synchronous>, transform_indices = @transform_7, window_bounds = array<i64: 128, 10>}]} {
    %eq3A = arith.constant 0 : i32
    %eq3A_0 = arith.cmpi eq, %arg0, %eq3A : i32
    %convert_element_type3A = arith.extui %eq3A_0 : i1 to i32
    %cond3A = arith.constant 0 : i32
    %cond3A_1 = arith.cmpi ne, %convert_element_type3A, %cond3A : i32
    scf.if %cond3A_1 {
      %broadcast_in_dim3A_47 = arith.constant 0.000000e+00 : f32
      %broadcast_in_dim3A_48 = vector.broadcast %broadcast_in_dim3A_47 : f32 to vector<128x64xf32>
      %swap3A_49 = arith.constant 0 : index
      %swap3A_50 = arith.constant 0 : index
      %swap3A_51 = vector.load %arg9[%swap3A_49, %swap3A_50] : memref<128x64xf32, #tpu.memory_space<vmem>>, vector<128x64xf32>
      tpu.vector_store %arg9[%swap3A_49, %swap3A_50], %broadcast_in_dim3A_48 {strides = array<i32>} : memref<128x64xf32, #tpu.memory_space<vmem>>, vector<128x64xf32>,
      %broadcast_in_dim3A_52 = arith.constant 0.000000e+00 : f32
      %broadcast_in_dim3A_53 = vector.broadcast %broadcast_in_dim3A_52 : f32 to vector<128x1xf32>
      %swap3A_54 = arith.constant 0 : index
      %swap3A_55 = arith.constant 0 : index
      %swap3A_56 = vector.load %arg10[%swap3A_54, %swap3A_55] : memref<128x1xf32, #tpu.memory_space<vmem>>, vector<128x1xf32>
      tpu.vector_store %arg10[%swap3A_54, %swap3A_55], %broadcast_in_dim3A_53 {strides = array<i32>} : memref<128x1xf32, #tpu.memory_space<vmem>>, vector<128x1xf32>,
    } else {
    }
    %get3A = arith.constant 0 : index
    %get3A_2 = arith.constant 0 : index
    %get3A_3 = vector.load %arg1[%get3A, %get3A_2] : memref<5000x128xf32, #tpu.memory_space<vmem>>, vector<5000x128xf32>
    %get3A_4 = arith.constant 0 : index
    %get3A_5 = arith.constant 0 : index
    %get3A_6 = vector.load %arg2[%get3A_4, %get3A_5] : memref<5000x128xf32, #tpu.memory_space<vmem>>, vector<5000x128xf32>
    %add3A = arith.addf %get3A_3, %get3A_6 : vector<5000x128xf32>
    %slice3A = vector.extract_strided_slice %add3A {offsets = [0, 0], sizes = [5000, 64], strides = [1, 1]} : vector<5000x128xf32> to vector<5000x64xf32>
    %get3A_7 = arith.constant 0 : index
    %get3A_8 = arith.constant 0 : index
    %get3A_9 = vector.load %arg3[%get3A_7, %get3A_8] : memref<5000x64xf32, #tpu.memory_space<vmem>>, vector<5000x64xf32>
    %mul3A = arith.mulf %slice3A, %get3A_9 : vector<5000x64xf32>
    %get3A_10 = arith.constant 0 : index
    %get3A_11 = arith.constant 0 : index
    %get3A_12 = vector.load %arg4[%get3A_10, %get3A_11] : memref<5000x64xf32, #tpu.memory_space<vmem>>, vector<5000x64xf32>
    %add3A_13 = arith.addf %mul3A, %get3A_12 : vector<5000x64xf32>
    %max3A = arith.constant 0.000000e+00 : f32
    %max3A_14 = vector.broadcast %max3A : f32 to vector<5000x64xf32>
    %max3A_15 = arith.maximumf %add3A_13, %max3A_14 : vector<5000x64xf32>
    %get3A_16 = arith.constant 0 : index
    %get3A_17 = arith.constant 0 : index
    %get3A_18 = arith.constant 0 : index
    %get3A_19 = vector.load %arg5[%get3A_16, %get3A_17, %get3A_18] : memref<1x1x5000xi32, #tpu.memory_space<vmem>>, vector<1x1x5000xi32>
    %get3A_20 = vector.shape_cast %get3A_19 : vector<1x1x5000xi32> to vector<5000xi32>
    %reshape3A = vector.shape_cast %get3A_20 : vector<5000xi32> to vector<5000x1xi32>
    %iota3A = tpu.iota {dimensions = array<i32: 1>} : vector<5000x128xi32>
    %eq3A_21 = vector.broadcast %reshape3A : vector<5000x1xi32> to vector<5000x128xi32>
    %eq3A_22 = arith.cmpi eq, %eq3A_21, %iota3A : vector<5000x128xi32>
    %convert_element_type3A_23 = arith.extui %eq3A_22 : vector<5000x128xi1> to vector<5000x128xi32>
    %convert_element_type3A_24 = arith.sitofp %convert_element_type3A_23 : vector<5000x128xi32> to vector<5000x128xf32>
    %get3A_25 = arith.constant 0 : index
    %get3A_26 = arith.constant 0 : index
    %get3A_27 = vector.load %arg9[%get3A_25, %get3A_26] : memref<128x64xf32, #tpu.memory_space<vmem>>, vector<128x64xf32>
    %dot_general3A = arith.constant dense<0.000000e+00> : vector<128x64xf32>
    %dot_general3A_28 = tpu.matmul %convert_element_type3A_24, %max3A_15, %dot_general3A {dimension_numbers = #tpu.dot_dimension_numbers<[0], [0], [1], [1], [0, 1, 1, 1], [], []>, transpose_lhs_hint = false} : vector<5000x128xf32>, vector<5000x64xf32>, vector<128x64xf32> -> vector<128x64xf32>
    %add3A_29 = arith.addf %get3A_27, %dot_general3A_28 : vector<128x64xf32>
    %swap3A = arith.constant 0 : index
    %swap3A_30 = arith.constant 0 : index
    %swap3A_31 = vector.load %arg9[%swap3A, %swap3A_30] : memref<128x64xf32, #tpu.memory_space<vmem>>, vector<128x64xf32>
    tpu.vector_store %arg9[%swap3A, %swap3A_30], %add3A_29 {strides = array<i32>} : memref<128x64xf32, #tpu.memory_space<vmem>>, vector<128x64xf32>,
    %get3A_32 = arith.constant 0 : index
    %get3A_33 = arith.constant 0 : index
    %get3A_34 = vector.load %arg10[%get3A_32, %get3A_33] : memref<128x1xf32, #tpu.memory_space<vmem>>, vector<128x1xf32>
    %broadcast_in_dim3A = arith.constant 1.000000e+00 : f32
    %broadcast_in_dim3A_35 = vector.broadcast %broadcast_in_dim3A : f32 to vector<5000x1xf32>
    %dot_general3A_36 = arith.constant dense<0.000000e+00> : vector<128x1xf32>
    %dot_general3A_37 = tpu.matmul %convert_element_type3A_24, %broadcast_in_dim3A_35, %dot_general3A_36 {dimension_numbers = #tpu.dot_dimension_numbers<[0], [0], [1], [1], [0, 1, 1, 1], [], []>, transpose_lhs_hint = false} : vector<5000x128xf32>, vector<5000x1xf32>, vector<128x1xf32> -> vector<128x1xf32>
    %add3A_38 = arith.addf %get3A_34, %dot_general3A_37 : vector<128x1xf32>
    %swap3A_39 = arith.constant 0 : index
    %swap3A_40 = arith.constant 0 : index
    %swap3A_41 = vector.load %arg10[%swap3A_39, %swap3A_40] : memref<128x1xf32, #tpu.memory_space<vmem>>, vector<128x1xf32>
    tpu.vector_store %arg10[%swap3A_39, %swap3A_40], %add3A_38 {strides = array<i32>} : memref<128x1xf32, #tpu.memory_space<vmem>>, vector<128x1xf32>,
    %eq3A_42 = arith.constant 1 : i32
    %eq3A_43 = arith.cmpi eq, %arg0, %eq3A_42 : i32
    %convert_element_type3A_44 = arith.extui %eq3A_43 : i1 to i32
    %cond3A_45 = arith.constant 0 : i32
    %cond3A_46 = arith.cmpi ne, %convert_element_type3A_44, %cond3A_45 : i32
    scf.if %cond3A_46 {
      %get3A_47 = arith.constant 0 : index
      %get3A_48 = arith.constant 0 : index
      %get3A_49 = vector.load %arg9[%get3A_47, %get3A_48] : memref<128x64xf32, #tpu.memory_space<vmem>>, vector<128x64xf32>
      %get3A_50 = arith.constant 0 : index
      %get3A_51 = arith.constant 0 : index
      %get3A_52 = vector.load %arg10[%get3A_50, %get3A_51] : memref<128x1xf32, #tpu.memory_space<vmem>>, vector<128x1xf32>
      %max3A_53 = arith.constant 1.000000e+00 : f32
      %max3A_54 = vector.broadcast %max3A_53 : f32 to vector<128x1xf32>
      %max3A_55 = arith.maximumf %get3A_52, %max3A_54 : vector<128x1xf32>
      %div3A = arith.constant 1.000000e+00 : f32
      %div3A_56 = vector.broadcast %div3A : f32 to vector<128x1xf32>
      %div3A_57 = arith.divf %div3A_56, %max3A_55 : vector<128x1xf32>
      %mul3A_58 = vector.broadcast %div3A_57 : vector<128x1xf32> to vector<128x64xf32>
      %mul3A_59 = arith.mulf %get3A_49, %mul3A_58 : vector<128x64xf32>
      %get3A_60 = arith.constant 0 : index
      %get3A_61 = arith.constant 0 : index
      %get3A_62 = vector.load %arg6[%get3A_60, %get3A_61] : memref<10x64xf32, #tpu.memory_space<vmem>>, vector<10x64xf32>
      %dot_general3A_63 = arith.constant dense<0.000000e+00> : vector<128x10xf32>
      %dot_general3A_64 = tpu.matmul %mul3A_59, %get3A_62, %dot_general3A_63 {dimension_numbers = #tpu.dot_dimension_numbers<[1], [1], [0], [0], [0, 0, 1, 0], [], []>, transpose_lhs_hint = false} : vector<128x64xf32>, vector<10x64xf32>, vector<128x10xf32> -> vector<128x10xf32>
      %get3A_65 = arith.constant 0 : index
      %get3A_66 = arith.constant 0 : index
      %get3A_67 = vector.load %arg7[%get3A_65, %get3A_66] : memref<1x10xf32, #tpu.memory_space<vmem>>, vector<1x10xf32>
      %add3A_68 = vector.broadcast %get3A_67 : vector<1x10xf32> to vector<128x10xf32>
      %add3A_69 = arith.addf %dot_general3A_64, %add3A_68 : vector<128x10xf32>
      %reduce_max3A = arith.constant dense<0xFF800000> : vector<128xf32>
      %reduce_max3A_70 = vector.multi_reduction <maximumf>, %add3A_69, %reduce_max3A [1] : vector<128x10xf32> to vector<128xf32>
      %broadcast_in_dim3A_71 = vector.shape_cast %reduce_max3A_70 : vector<128xf32> to vector<128x1xf32>
      %sub3A = vector.broadcast %broadcast_in_dim3A_71 : vector<128x1xf32> to vector<128x10xf32>
      %sub3A_72 = arith.subf %add3A_69, %sub3A : vector<128x10xf32>
      %exp3A = math.exp %sub3A_72 : vector<128x10xf32>
      %reduce_sum3A = arith.constant dense<0.000000e+00> : vector<128xf32>
      %reduce_sum3A_73 = vector.multi_reduction <add>, %exp3A, %reduce_sum3A [1] : vector<128x10xf32> to vector<128xf32>
      %broadcast_in_dim3A_74 = vector.shape_cast %reduce_sum3A_73 : vector<128xf32> to vector<128x1xf32>
      %log3A = math.log %broadcast_in_dim3A_74 : vector<128x1xf32>
      %add3A_75 = arith.addf %log3A, %broadcast_in_dim3A_71 : vector<128x1xf32>
      %sub3A_76 = vector.broadcast %add3A_75 : vector<128x1xf32> to vector<128x10xf32>
      %sub3A_77 = arith.subf %add3A_69, %sub3A_76 : vector<128x10xf32>
      %swap3A_78 = arith.constant 0 : index
      %swap3A_79 = arith.constant 0 : index
      %swap3A_80 = vector.load %arg8[%swap3A_78, %swap3A_79] : memref<128x10xf32, #tpu.memory_space<vmem>>, vector<128x10xf32>
      tpu.vector_store %arg8[%swap3A_78, %swap3A_79], %sub3A_77 {strides = array<i32>} : memref<128x10xf32, #tpu.memory_space<vmem>>, vector<128x10xf32>,
    } else {
    }
    return
  }
  func.func @transform_0(%arg0: i32) -> (i32, i32) {
    %c0_i32 = arith.constant 0 : i32
    %c0_i32_0 = arith.constant 0 : i32
    return %arg0, %c0_i32 : i32, i32
  }
  func.func @transform_1(%arg0: i32) -> (i32, i32) {
    %c0_i32 = arith.constant 0 : i32
    %c0_i32_0 = arith.constant 0 : i32
    return %arg0, %c0_i32 : i32, i32
  }
  func.func @transform_2(%arg0: i32) -> (i32, i32) {
    %c0_i32 = arith.constant 0 : i32
    %c0_i32_0 = arith.constant 0 : i32
    return %arg0, %c0_i32 : i32, i32
  }
  func.func @transform_3(%arg0: i32) -> (i32, i32) {
    %c0_i32 = arith.constant 0 : i32
    %c0_i32_0 = arith.constant 0 : i32
    return %arg0, %c0_i32 : i32, i32
  }
  func.func @transform_4(%arg0: i32) -> (i32, i32, i32) {
    %c0_i32 = arith.constant 0 : i32
    %c0_i32_0 = arith.constant 0 : i32
    %c0_i32_1 = arith.constant 0 : i32
    return %arg0, %c0_i32, %c0_i32_0 : i32, i32, i32
  }
  func.func @transform_5(%arg0: i32) -> (i32, i32) {
    %c0_i32 = arith.constant 0 : i32
    %c0_i32_0 = arith.constant 0 : i32
    %c0_i32_1 = arith.constant 0 : i32
    return %c0_i32, %c0_i32_0 : i32, i32
  }
  func.func @transform_6(%arg0: i32) -> (i32, i32) {
    %c0_i32 = arith.constant 0 : i32
    %c0_i32_0 = arith.constant 0 : i32
    %c0_i32_1 = arith.constant 0 : i32
    return %c0_i32, %c0_i32_0 : i32, i32
  }
  func.func @transform_7(%arg0: i32) -> (i32, i32) {
    %c0_i32 = arith.constant 0 : i32
    %c0_i32_0 = arith.constant 0 : i32
    %c0_i32_1 = arith.constant 0 : i32
    return %c0_i32, %c0_i32_0 : i32, i32
  }
}

</mosaic_0001>

<sc_bundles>
// kernel: kernel.10.cloned.1.call-start
scs
__scs_entry_jumppad:
0x0: {  	(pc) =	sbr.rel $0x88, $3  }
0x1: {  	(tag) =	ssettag $0x0;
	lr =	simm.s32 $0x1  }
0x2: {  	[smem:$0x3F96] =	sst lr;
	_ =	strace $0xD0000000  }
0x3: {  	_ = 	snop  }
0x4: {  	_ = 	snop  }
0x5: {  	_ = 	snop  }
0x6: {  	_ = 	snop  }
0x7: {  	_ = 	snop  }
__scs_overlays_trampoline_lowered:
0x8: {  	[smem:$0x3FA5] =	sst s0  }
0x9: {  	[smem:$0x3FA6] =	sst s1  }
0xa: {  	[smem:$0x3FA7] =	sst s2  }
0xb: {  	[smem:$0x3FA8] =	sst s3  }
0xc: {  	[smem:$0x3FA9] =	sst s4  }
0xd: {  	[smem:$0x3FAA] =	sst s5  }
0xe: {  	[smem:$0x3FAB] =	sst s6  }
0xf: {  	[smem:$0x3FAC] =	sst s7  }
0x10: {  	[smem:$0x3FAD] =	sst s8  }
0x11: {  	[smem:$0x3FAE] =	sst s9;
	s0 =	simm.s32 @!p0 $0x0  }
0x12: {  	s1 =	sld [smem:$0x3F94];
	s0 =	simm.s32 @p0 $0x1  }
0x13: {  	[smem:$0x3FAF] =	sst s0;
	s0 =	simm.s32 @!p1 $0x0  }
0x14: {  	s2 =	sld [smem:$0x3F93];
	s0 =	simm.s32 @p1 $0x1  }
0x15: {  	[smem:$0x3FB0] =	sst s0;
	s0 =	simm.s32 @!p2 $0x0  }
0x16: {  	s3 =	sld [smem:$0x3FDB];
	s0 =	simm.s32 @p2 $0x1  }
0x17: {  	s4 =	simm.s32 $0x1BF5;
	[smem:$0x3FB2] =	sst s0  }
0x18: {  	s0 =	sld [smem:$0x3F95];
	_ =	swait.ge [sflag:s4], $0x0  }
0x19: {  	s7 =	sld [smem:$0x3F96]  }
0x1a: {  	s8 =	sadd.s32 $0xFFFFE003, lr  }
0x1b: {  	s9 =	sadd.s32 $0xFFFFFEF7, lr;
	s5 =	simm.s32 $0xFFFFFFFF;
	p2 =	slt.u32 s8, $0xFFFFF086  }
0x1c: {  	p1 =	slt.u32 s9, $0xF7A;
	s5 =	simm.s32 @!p2 $0x0  }
0x1d: {  	s5 =	simm.s32 @p1 $0x1;
	p0 =	seq.s32 s7, s2  }
0x1e: {  	s7 =	smul.u32 @!p0 $0xF7A, s2;
	p2 =	seq.s32 @!p0 s5, $0x0  }
0x1f: {  	s9 =	smul.u32 $0xF7A, s1;
	s8 =	simm.s32 @!p0 $0x1BF5;
	p2 =	por !p2, p0  }
0x20: {  	[sflag:s8] =	ssyncset.s32 @!p0 $0xFFFFF086;
	s6 =	sadd.s32 @!p0 s3, s7;
	s7 =	simm.s32 @!p0 $0x108  }
0x21: {  	s3 =	sadd.s32 s3, s9;
	s6 =	sadd.s32 @!p0 $0x88, s6;
	s7 =	simm.s32 @p2 $0x1082  }
0x22: {  	[simem:s7], [sflag:s8] =	dma.local @!p0 [hbm:s6], $0xF7A  }
0x23: {  	s9 =	sor.u32 $0xD0000000, s2;
	s6 =	simm.s32 $0x108;
	_ =	swait.ge @!p0 [sflag:s8], $0x0  }
0x24: {  	s3 =	sadd.s32 $0x88, s3;
	s6 =	simm.s32 @!p1 $0x1082;
	[sflag:s4] =	ssyncset.s32 $0xFFFFF086  }
0x25: {  	[simem:s6], [sflag:s4] =	dma.local [hbm:s3], $0xF7A  }
0x26: {  	[smem:$0x3F96] =	sst s1;
	(tag) =	ssettag s2;
	_ =	strace s9  }
0x27: {  	s1 =	sld [smem:$0x3FA6]  }
0x28: {  	s2 =	sld [smem:$0x3FA7]  }
0x29: {  	s4 =	sld [smem:$0x3FA9]  }
0x2a: {  	p0 =	seq.s32 s5, $0x0;
	s5 =	sld [smem:$0x3FAA]  }
0x2b: {  	s6 =	sld [smem:$0x3FAB]  }
0x2c: {  	s7 =	sld [smem:$0x3FAC]  }
0x2d: {  	s3 =	simm.s32 $0x108;
	s8 =	sld [smem:$0x3FAD]  }
0x2e: {  	s3 =	simm.s32 @!p0 $0x1082;
	s9 =	sld [smem:$0x3FAE]  }
0x2f: {  	lr =	sadd.s32 s0, s3;
	s0 =	sld [smem:$0x3FA5]  }
0x30: {  	s3 =	sld [smem:$0x3FA8]  }
0x31: {  	[smem:$0x3FB1] =	sst s10  }
0x32: {  	s10 =	sld [smem:$0x3FAF];
	_ =	sdelay $0x3  }
0x33: {  	p0 =	seq.s32 s10, $0x1;
	s10 =	sld [smem:$0x3FB1];
	_ =	sdelay $0x3  }
0x34: {  	[smem:$0x3FB1] =	sst s10  }
0x35: {  	s10 =	sld [smem:$0x3FB0];
	_ =	sdelay $0x3  }
0x36: {  	p1 =	seq.s32 s10, $0x1;
	s10 =	sld [smem:$0x3FB1];
	_ =	sdelay $0x3  }
0x37: {  	[smem:$0x3FB1] =	sst s10  }
0x38: {  	s10 =	sld [smem:$0x3FB2]  }
0x39: {  	_ = 	snop;
	(pc) =	sbr.ind lr, $3  }
0x3a: {  	_ = 	snop  }
0x3b: {  	_ = 	snop  }
0x3c: {  	p2 =	seq.s32 s10, $0x1;
	s10 =	sld [smem:$0x3FB1]  }
0x3d: {  	_ =	shalt  }
0x3e: {  	_ =	shalt  }
0x3f: {  	_ =	shalt  }
0x40: {  	_ =	shalt  }
0x41: {  	_ =	shalt  }
0x42: {  	_ =	shalt  }
0x43: {  	_ =	shalt  }
0x44: {  	_ =	shalt  }
0x45: {  	_ =	shalt  }
0x46: {  	_ =	shalt  }
0x47: {  	_ =	shalt  }
0x48: {  	_ =	shalt  }
0x49: {  	_ =	shalt  }
0x4a: {  	_ =	shalt  }
0x4b: {  	_ =	shalt  }
0x4c: {  	_ =	shalt  }
0x4d: {  	_ =	shalt  }
0x4e: {  	_ =	shalt  }
0x4f: {  	_ =	shalt  }
0x50: {  	_ =	shalt  }
0x51: {  	_ =	shalt  }
0x52: {  	_ =	shalt  }
0x53: {  	_ =	shalt  }
0x54: {  	_ =	shalt  }
0x55: {  	_ =	shalt  }
0x56: {  	_ =	shalt  }
0x57: {  	_ =	shalt  }
0x58: {  	_ =	shalt  }
0x59: {  	_ =	shalt  }
0x5a: {  	_ =	shalt  }
0x5b: {  	_ =	shalt  }
0x5c: {  	_ =	shalt  }
0x5d: {  	_ =	shalt  }
0x5e: {  	_ =	shalt  }
0x5f: {  	_ =	shalt  }
0x60: {  	_ =	shalt  }
0x61: {  	_ =	shalt  }
0x62: {  	_ =	shalt  }
0x63: {  	_ =	shalt  }
0x64: {  	_ =	shalt  }
0x65: {  	_ =	shalt  }
0x66: {  	_ =	shalt  }
0x67: {  	_ =	shalt  }
0x68: {  	_ =	shalt  }
0x69: {  	_ =	shalt  }
0x6a: {  	_ =	shalt  }
0x6b: {  	_ =	shalt  }
0x6c: {  	_ =	shalt  }
0x6d: {  	_ =	shalt  }
0x6e: {  	_ =	shalt  }
0x6f: {  	_ =	shalt  }
0x70: {  	_ =	shalt  }
0x71: {  	_ =	shalt  }
0x72: {  	_ =	shalt  }
0x73: {  	_ =	shalt  }
0x74: {  	_ =	shalt  }
0x75: {  	_ =	shalt  }
0x76: {  	_ =	shalt  }
0x77: {  	_ =	shalt  }
0x78: {  	_ =	shalt  }
0x79: {  	_ =	shalt  }
0x7a: {  	_ =	shalt  }
0x7b: {  	_ =	shalt  }
0x7c: {  	_ =	shalt  }
0x7d: {  	_ =	shalt  }
0x7e: {  	_ =	shalt  }
0x7f: {  	_ =	shalt  }
0x80: {  	_ =	shalt  }
0x81: {  	_ =	shalt  }
0x82: {  	_ =	shalt  }
0x83: {  	_ =	shalt  }
0x84: {  	_ =	shalt  }
0x85: {  	_ =	shalt  }
0x86: {  	_ =	shalt  }
0x87: {  	_ =	shalt  }
.Lfunc_end0:
.L_simem_size_0:
called_computation.1_lowered:
.L_overlay_start_0:
0x88: {  	s2 =	sld [smem:$0x3FD9]  }
0x89: {  	s3 =	sld [smem:$0x3FFE];
	_ =	sdelay $0x1  }
0x8a: {  	s1 =	srdreg.scid  }
0x8b: {  	s0 =	sand.u32 $0x1, s1  }
0x8c: {  	s16 =	sshll.u32 s0, $0xA;
	s2 =	sadd.s32 s3, s2  }
0x8d: {  	s2 =	sadd.s32 s2, s16  }
0x8e: {  	[smem:$0x3FBD] =	sst s2  }
0x8f: {  	_ = 	snop  }
0x90: {  	(tm) =	ssettm $0x1  }
0x91: {  	s17 =	sld [smem:$0x3FFB];
	_ =	sdelay $0x3  }
0x92: {  	_ =	strace s17  }
0x93: {  	s2 =	sld [smem:$0x3FFC];
	_ =	sdelay $0x3  }
0x94: {  	_ =	strace s2  }
0x95: {  	s2 =	sld [smem:$0x3FFD];
	_ =	sdelay $0x3  }
0x96: {  	_ =	strace s2  }
0x97: {  	_ =	strace $0x8FFFFFFF  }
0x98: {  	s18 =	sld [smem:$0x3FDB];
	_ =	sdelay $0x1  }
0x99: {  	s19 =	simm.s32 $_scs_section_size  }
0x9a: {  	s4 =	simm.s32 $_size__tile_overlayer_lowered;
	s5 =	simm.s32 $_tile_overlayer_lowered  }
0x9b: {  	s22 =	simm.s32 $0x1BFF;
	s21 =	sshll.u32 s5, $0x1;
	s2 =	sadd.s32 s19, s18  }
0x9c: {  	s6 =	simm.s32 $0x0;
	s20 =	sshll.u32 s4, $0x1;
	s4 =	sadd.s32 s21, s2  }
0x9d: {  	[timem:s6], [sflag:s22] =	dma.local [hbm:s4], s20  }
0x9e: {  	_ =	swait.ge [sflag:s22], s20  }
0x9f: {  	s3 =	ssub.s32 $0x0, s20;
	[sflag:s22] =	ssyncset.done $0x0  }
0xa0: {  	[sflag:s22] =	ssyncadd.s32 s3;
	_ =	sdelay $0x1  }
0xa1: {  	s23 =	simm.s32 $0x1B8B  }
0xa2: {  	_ =	swait.ge [sflag:s23], $0x1  }
0xa3: {  	[sflag:s23] =	ssyncset.done $0x0  }
0xa4: {  	s25 =	simm.s32 $0x1B8E;
	s24 =	sld [smem:$0x3FFE];
	[sflag:s23] =	ssyncadd.s32 $0xFFFFFFFF  }
0xa5: {  	s26 =	simm.s32 $execute0_lowered;
	[smem:$0x3FD2] =	sst s25  }
0xa6: {  	s4 =	sshll.u32 s26, $0x1;
	_ =	strace $0x80000049;
	[dreg:$0x1] =	wrdreg $0xFFFFFFFF  }
0xa7: {  	s28 =	simm.s32 $_size_execute0_lowered;
	s2 =	sadd.s32 s2, s4;
	[dreg:$0x0] =	wrdreg $0x0  }
0xa8: {  	s4 =	sshll.u32 s28, $0x1;
	[dreg:$0x2] =	wrdreg s2  }
0xa9: {  	[dreg:$0x3] =	wrdreg s4  }
0xaa: {  	[dreg:$0x4] =	wrdreg $0xC0  }
0xab: {  	_ =	task [dreg:s6], $0x5FFFF  }
0xac: {  	[dreg:$0x1] =	wrdreg $0xFFFFFFFF  }
0xad: {  	[dreg:$0x0] =	wrdreg $0x60  }
0xae: {  	[dreg:$0x2] =	wrdreg s24  }
0xaf: {  	[dreg:$0x3] =	wrdreg $0x101000  }
0xb0: {  	[dreg:$0x4] =	wrdreg $0x9  }
0xb1: {  	_ =	task.clear_ibuf [dreg:s6], $0x5FFFF;
	_ =	strace $0x90000049  }
0xb2: {  	s29 =	simm.s32 $0x9;
	_ =	strace $0x8000004B  }
0xb3: {  	_ =	swait.ge [sflag:s29], $0x1  }
0xb4: {  	[sflag:s29] =	ssyncadd.s32 $0xFFFFFFFF  }
0xb5: {  	_ =	strace $0x9000004B  }
0xb6: {  	_ =	sfence  }
0xb7: {  	s30 =	sld [smem:$0x0];
	_ =	sdelay $0x2  }
0xb8: {  	s31 =	sshll.u32 s1, $0xD;
	s1 =	sshrl.u32 s1, $0x2  }
0xb9: {  	s3 =	sand.u32 $0x4000, s31;
	s1 =	sadd.s32 s1, s30  }
0xba: {  	s0 =	sor.u32 s3, s0;
	s1 =	sshll.u32 s1, $0x11  }
0xbb: {  	s0 =	sor.u32 s1, s0  }
0xbc: {  	s0 =	sadd.s32 $0x8F2B, s0  }
0xbd: {  	[sflag:s0] =	ssyncadd.remote.s32 $0x1  }
0xbe: {  	_ =	sfence.sel $0xFFFF  }
0xbf: {  	[dreg:$0x0] =	wrdreg $0xFFFFFFFF;
	(pc) =	sbr.abs _section_cstart, $3  }
0xc0: {  	[dreg:$0x1] =	wrdreg $0xFFFFFFFF  }
0xc1: {  	_ =	task.clear_ibuf [dreg:s6], $0x2FFFF;
	_ =	strace $0x9FFFFFFF  }
0xc2: {  	(tm) =	ssettm $0x7FFFFFFF  }
0xc3: {  	_ =	shalt  }
tec
execute0_lowered:
.L_overlay_start_1:
0x0: {  	(tag) =	ssettag $0x1  }
0x1: {  	s0 =	rddreg [dreg:$0x0];
	s1 =	srdreg.scid  }
0x2: {  	s16 =	stileid.u32;
	s2 =	rddreg [dreg:$0x1]  }
0x3: {  	s3 =	simm.s32 $0x0;
	s24 =	simm.s32 $0x4;
	s1 =	sand.u32 $0x1, s1  }
0x4: {  	s4 =	sshll.u32 s16, $0x1;
	[smem:$0x7FF] =	sst s3;
	s8 =	sadd.s32 $0x2A400, s0  }
0x5: {  	s9 =	smul.u32 $0x27000, s16;
	s30 =	sadd.s32 $0x9C000, s2;
	s29 =	sadd.s32 $0x9C080, s2  }
0x6: {  	s17 =	sadd.s32 $0x9C180, s2;
	_ =	strace $0x8000004A;
	[dreg:$0x6] =	wrdreg s29  }
0x7: {  	s31 =	sadd.s32 $0x9C040, s2;
	s18 =	sadd.s32 $0x9C1C0, s2;
	[dreg:$0xa] =	wrdreg s17  }
0x8: {  	s19 =	sadd.s32 $0x9C200, s2;
	s21 =	sadd.s32 $0x9C240, s2;
	[dreg:$0xb] =	wrdreg s18  }
0x9: {  	s22 =	sadd.s32 $0x9C280, s2;
	s23 =	sadd.s32 $0x9C2C0, s2;
	[dreg:$0xd] =	wrdreg s19  }
0xa: {  	s4 =	sor.u32 s1, s4;
	s6 =	ssub.s32 $0x2, s1;
	[dreg:$0xe] =	wrdreg s21  }
0xb: {  	p1 =	seq.s32 s1, $0x0;
	p0 =	seq.s32 s1, $0x1;
	[dreg:$0xf] =	wrdreg s22  }
0xc: {  	[dreg:$0x10] =	wrdreg s23;
	s29 =	sadd.s32 $0x9C3C0, s2;
	s17 =	simm.s32 $0xADC0  }
0xd: {  	s18 =	simm.s32 $0x1;
	s19 =	simm.s32 $0x2;
	s21 =	simm.s32 $0x4  }
0xe: {  	s22 =	simm.s32 $0xCD00;
	s23 =	simm.s32 $0x0;
	s5 =	smul.u32 $0x2800, s4  }
0xf: {  	s4 =	sadd.s32 $0x2A00, s0;
	s25 =	sshrl.u32 s6, $0x1;
	s26 =	sshrl.u32 s9, $0x2  }
0x10: {  	s9 =	sadd.s32 $0x9C140, s2;
	s24 =	simm.s32 @!p1 $0x3;
	[dreg:$0x14] =	wrdreg s29  }
0x11: {  	s6 =	ssub.s32 s6, s25;
	[dreg:$0x9] =	wrdreg s9;
	s25 =	sadd.s32 $0x9C300, s2  }
0x12: {  	s9 =	simm.s32 $0x7D;
	s5 =	sshrl.u32 s5, $0x3;
	s28 =	smax.u32 s6, $0x1  }
0x13: {  	s6 =	sadd.s32 $0x9C0C0, s2;
	[dreg:$0x11] =	wrdreg s25;
	s25 =	simm.s32 $0x5000  }
0x14: {  	s7 =	sadd.s32 s5, s0;
	s0 =	sadd.s32 $0x51600, s0;
	[dreg:$0x5] =	wrdreg s28  }
0x15: {  	s5 =	smul.u32 $0x270, s16;
	[dreg:$0x7] =	wrdreg s6;
	s28 =	sadd.s32 $0x9C380, s2  }
0x16: {  	s6 =	simm.s32 $0x6F40;
	s10 =	sadd.s32 $0x16400, s7;
	[dreg:$0x13] =	wrdreg s28  }
0x17: {  	s7 =	sadd.s32 $0x20400, s7;
	s20 =	smov.u32 s0;
	[dreg:$0x3] =	wrdreg s10  }
0x18: {  	[dreg:$0x4] =	wrdreg s7;
	s10 =	sadd.s32 s26, s2;
	s7 =	sadd.s32 $0x9C100, s2  }
0x19: {  	s20 =	smov.u32 @p1 s8;
	s8 =	smov.u32 @p0 s0;
	p0 =	sne.s32 s16, $0xF  }
0x1a: {  	s26 =	sadd.s32 $0x9C340, s2;
	s16 =	simm.s32 $0x8E80;
	s11 =	sadd.s32 $0x1A00, s10  }
0x1b: {  	s12 =	sadd.s32 $0x3400, s10;
	s13 =	sadd.s32 $0x4E00, s10;
	[dreg:$0x8] =	wrdreg s7  }
0x1c: {  	s14 =	sadd.s32 $0x6800, s10;
	s0 =	sadd.s32 $0x27000, s8;
	[dreg:$0x12] =	wrdreg s26  }
0x1d: {  	v0 =	vimm.f32 $0.0e+00;
	s15 =	sadd.s32 $0x8200, s10;
	s8 =	simm.s32 $0x3;
	[dreg:$0xc] =	wrdreg s0  }
.LBB2_1:
0x1e: {  	s26 =	simm.s32 $0x0;
	s28 =	simm.s32 $0x200  }
.LBB2_2:
0x1f: {  	p1 =	sne.s32 s28, $0xCE00;
	[tilespmem:s26+$0xCD70] =	vst v0  }
0x20: {  	[tilespmem:s26+$0xCD00] =	vst v0  }
0x21: {  	[tilespmem:s26+$0xCD10] =	vst v0  }
.Ltmp0:
0x22: {  	[tilespmem:s26+$0xCD20] =	vst v0;
	(pc) =	sbr.rel @p1 .LBB2_2-.Ltmp0, $4  }
0x23: {  	[tilespmem:s26+$0xCD30] =	vst v0  }
0x24: {  	[tilespmem:s26+$0xCD40] =	vst v0  }
0x25: {  	[tilespmem:s26+$0xCD50] =	vst v0  }
0x26: {  	[tilespmem:s26+$0xCD60] =	vst v0;
	s26 =	sshra.s32 s28, $0x2;
	s28 =	sadd.s32 $0x200, s28  }
0x27: {  	[tilespmem:s26+$0xCD70] =	vst v0  }
0x28: {  	[tilespmem:s26+$0xCD00] =	vst v0  }
0x29: {  	[tilespmem:s26+$0xCD10] =	vst v0  }
0x2a: {  	[tilespmem:s26+$0xCD20] =	vst v0  }
0x2b: {  	[tilespmem:s26+$0xCD30] =	vst v0  }
0x2c: {  	[tilespmem:s26+$0xCD40] =	vst v0  }
0x2d: {  	[tilespmem:s26+$0xCD50] =	vst v0  }
0x2e: {  	[tilespmem:s26+$0xCD60] =	vst v0;
	s26 =	simm.s32 $0xCD00;
	s28 =	sadd.s32 $0x0, s10  }
0x2f: {  	[spmem:s28] =	stream.linear.scatter [tilespmem:s26], [sflag:$0x3], $0x40, $0x38;
	[tilespmem:$0x19D40] =	vst v63  }
0x30: {  	s28 =	simm.s32 $0x100  }
.LBB2_4:
0x31: {  	p1 =	sne.s32 s28, $0x6700  }
.Ltmp1:
0x32: {  	_ = 	snop;
	(pc) =	sbr.rel @p1 .LBB2_4-.Ltmp1, $4  }
0x33: {  	_ = 	snop  }
0x34: {  	s29 =	sshra.s32 s28, $0x2;
	s28 =	sadd.s32 $0x100, s28  }
0x35: {  	s26 =	sadd.s32 $0x80, s26;
	s29 =	sadd.s32 s29, s10  }
0x36: {  	[spmem:s29] =	stream.linear.scatter [tilespmem:s26], [sflag:$0x3], $0x40, $0x38;
	[tilespmem:$0x19D40] =	vst v63  }
0x37: {  	_ =	swait.ge [sflag:s8], $0x1A00  }
0x38: {  	[sflag:s8] =	ssyncset.done $0x0  }
0x39: {  	s26 =	simm.s32 $0xCD00;
	s28 =	sadd.s32 $0x0, s11;
	[sflag:s8] =	ssyncadd.s32 $0xFFFFE600  }
0x3a: {  	[spmem:s28] =	stream.linear.scatter [tilespmem:s26], [sflag:$0x3], $0x40, $0x38;
	[tilespmem:$0x19D40] =	vst v63  }
0x3b: {  	s28 =	simm.s32 $0x100  }
.LBB2_6:
0x3c: {  	p1 =	sne.s32 s28, $0x6700  }
.Ltmp2:
0x3d: {  	_ = 	snop;
	(pc) =	sbr.rel @p1 .LBB2_6-.Ltmp2, $4  }
0x3e: {  	_ = 	snop  }
0x3f: {  	s29 =	sshra.s32 s28, $0x2;
	s28 =	sadd.s32 $0x100, s28  }
0x40: {  	s26 =	sadd.s32 $0x80, s26;
	s29 =	sadd.s32 s29, s11  }
0x41: {  	[spmem:s29] =	stream.linear.scatter [tilespmem:s26], [sflag:$0x3], $0x40, $0x38;
	[tilespmem:$0x19D40] =	vst v63  }
0x42: {  	_ =	swait.ge [sflag:s8], $0x1A00  }
0x43: {  	[sflag:s8] =	ssyncset.done $0x0  }
0x44: {  	s26 =	simm.s32 $0xCD00;
	s28 =	sadd.s32 $0x0, s12;
	[sflag:s8] =	ssyncadd.s32 $0xFFFFE600  }
0x45: {  	[spmem:s28] =	stream.linear.scatter [tilespmem:s26], [sflag:$0x3], $0x40, $0x38;
	[tilespmem:$0x19D40] =	vst v63  }
0x46: {  	s28 =	simm.s32 $0x100  }
.LBB2_8:
0x47: {  	p1 =	sne.s32 s28, $0x6700  }
.Ltmp3:
0x48: {  	_ = 	snop;
	(pc) =	sbr.rel @p1 .LBB2_8-.Ltmp3, $4  }
0x49: {  	_ = 	snop  }
0x4a: {  	s29 =	sshra.s32 s28, $0x2;
	s28 =	sadd.s32 $0x100, s28  }
0x4b: {  	s26 =	sadd.s32 $0x80, s26;
	s29 =	sadd.s32 s29, s12  }
0x4c: {  	[spmem:s29] =	stream.linear.scatter [tilespmem:s26], [sflag:$0x3], $0x40, $0x38;
	[tilespmem:$0x19D40] =	vst v63  }
0x4d: {  	_ =	swait.ge [sflag:s8], $0x1A00  }
0x4e: {  	[sflag:s8] =	ssyncset.done $0x0  }
0x4f: {  	s26 =	simm.s32 $0xCD00;
	s28 =	sadd.s32 $0x0, s13;
	[sflag:s8] =	ssyncadd.s32 $0xFFFFE600  }
0x50: {  	[spmem:s28] =	stream.linear.scatter [tilespmem:s26], [sflag:$0x3], $0x40, $0x38;
	[tilespmem:$0x19D40] =	vst v63  }
0x51: {  	s28 =	simm.s32 $0x100  }
.LBB2_10:
0x52: {  	p1 =	sne.s32 s28, $0x6700  }
.Ltmp4:
0x53: {  	_ = 	snop;
	(pc) =	sbr.rel @p1 .LBB2_10-.Ltmp4, $4  }
0x54: {  	_ = 	snop  }
0x55: {  	s29 =	sshra.s32 s28, $0x2;
	s28 =	sadd.s32 $0x100, s28  }
0x56: {  	s26 =	sadd.s32 $0x80, s26;
	s29 =	sadd.s32 s29, s13  }
0x57: {  	[spmem:s29] =	stream.linear.scatter [tilespmem:s26], [sflag:$0x3], $0x40, $0x38;
	[tilespmem:$0x19D40] =	vst v63  }
0x58: {  	_ =	swait.ge [sflag:s8], $0x1A00  }
0x59: {  	[sflag:s8] =	ssyncset.done $0x0  }
0x5a: {  	s26 =	simm.s32 $0xCD00;
	s28 =	sadd.s32 $0x0, s14;
	[sflag:s8] =	ssyncadd.s32 $0xFFFFE600  }
0x5b: {  	[spmem:s28] =	stream.linear.scatter [tilespmem:s26], [sflag:$0x3], $0x40, $0x38;
	[tilespmem:$0x19D40] =	vst v63  }
0x5c: {  	s28 =	simm.s32 $0x100  }
.LBB2_12:
0x5d: {  	p1 =	sne.s32 s28, $0x6700  }
.Ltmp5:
0x5e: {  	_ = 	snop;
	(pc) =	sbr.rel @p1 .LBB2_12-.Ltmp5, $4  }
0x5f: {  	_ = 	snop  }
0x60: {  	s29 =	sshra.s32 s28, $0x2;
	s28 =	sadd.s32 $0x100, s28  }
0x61: {  	s26 =	sadd.s32 $0x80, s26;
	s29 =	sadd.s32 s29, s14  }
0x62: {  	[spmem:s29] =	stream.linear.scatter [tilespmem:s26], [sflag:$0x3], $0x40, $0x38;
	[tilespmem:$0x19D40] =	vst v63  }
0x63: {  	_ =	swait.ge [sflag:s8], $0x1A00  }
0x64: {  	[sflag:s8] =	ssyncset.done $0x0  }
0x65: {  	s26 =	simm.s32 $0xCD00;
	s28 =	sadd.s32 $0x0, s15;
	[sflag:s8] =	ssyncadd.s32 $0xFFFFE600  }
0x66: {  	[spmem:s28] =	stream.linear.scatter [tilespmem:s26], [sflag:$0x3], $0x40, $0x38;
	[tilespmem:$0x19D40] =	vst v63  }
0x67: {  	s28 =	simm.s32 $0x100  }
.LBB2_14:
0x68: {  	p1 =	sne.s32 s28, $0x6700  }
.Ltmp6:
0x69: {  	_ = 	snop;
	(pc) =	sbr.rel @p1 .LBB2_14-.Ltmp6, $4  }
0x6a: {  	_ = 	snop  }
0x6b: {  	s29 =	sshra.s32 s28, $0x2;
	s28 =	sadd.s32 $0x100, s28  }
0x6c: {  	s26 =	sadd.s32 $0x80, s26;
	s29 =	sadd.s32 s29, s15  }
0x6d: {  	[spmem:s29] =	stream.linear.scatter [tilespmem:s26], [sflag:$0x3], $0x40, $0x38;
	[tilespmem:$0x19D40] =	vst v63  }
0x6e: {  	_ =	swait.ge [sflag:s8], $0x1A00  }
0x6f: {  	[sflag:s8] =	ssyncset.done $0x0  }
0x70: {  	s26 =	simm.s32 @!p0 $0xCD00;
	[sflag:s8] =	ssyncadd.s32 $0xFFFFE600  }
0x71: {  	[spmem:s30] =	stream.linear.scatter @!p0 [tilespmem:s26], [sflag:$0x3], $0x40, $0x38;
	[tilespmem:$0x19D40] =	vst v63  }
0x72: {  	s26 =	simm.s32 @!p0 $0xCD80  }
0x73: {  	[spmem:s31] =	stream.linear.scatter @!p0 [tilespmem:s26], [sflag:$0x3], $0x40, $0x38;
	[tilespmem:$0x19D40] =	vst v63  }
0x74: {  	s1 =	rddreg [dreg:$0x6];
	s26 =	simm.s32 @!p0 $0xCE00  }
0x75: {  	[spmem:s1] =	stream.linear.scatter @!p0 [tilespmem:s26], [sflag:$0x3], $0x40, $0x38;
	[tilespmem:$0x19D40] =	vst v63  }
0x76: {  	s26 =	simm.s32 @!p0 $0xCE80;
	s1 =	rddreg [dreg:$0x7]  }
0x77: {  	[spmem:s1] =	stream.linear.scatter @!p0 [tilespmem:s26], [sflag:$0x3], $0x40, $0x38;
	[tilespmem:$0x19D40] =	vst v63  }
0x78: {  	s26 =	simm.s32 @!p0 $0xCF00;
	s1 =	rddreg [dreg:$0x8]  }
0x79: {  	[spmem:s1] =	stream.linear.scatter @!p0 [tilespmem:s26], [sflag:$0x3], $0x40, $0x38;
	[tilespmem:$0x19D40] =	vst v63  }
0x7a: {  	s26 =	simm.s32 @!p0 $0xCF80;
	s1 =	rddreg [dreg:$0x9]  }
0x7b: {  	[spmem:s1] =	stream.linear.scatter @!p0 [tilespmem:s26], [sflag:$0x3], $0x40, $0x38;
	[tilespmem:$0x19D40] =	vst v63  }
0x7c: {  	s26 =	simm.s32 @!p0 $0xD000;
	s1 =	rddreg [dreg:$0xa]  }
0x7d: {  	[spmem:s1] =	stream.linear.scatter @!p0 [tilespmem:s26], [sflag:$0x3], $0x40, $0x38;
	[tilespmem:$0x19D40] =	vst v63  }
0x7e: {  	s26 =	simm.s32 @!p0 $0xD080;
	s1 =	rddreg [dreg:$0xb]  }
0x7f: {  	[spmem:s1] =	stream.linear.scatter @!p0 [tilespmem:s26], [sflag:$0x3], $0x40, $0x38;
	[tilespmem:$0x19D40] =	vst v63  }
0x80: {  	s26 =	simm.s32 @!p0 $0xD100;
	s1 =	rddreg [dreg:$0xd]  }
0x81: {  	[spmem:s1] =	stream.linear.scatter @!p0 [tilespmem:s26], [sflag:$0x3], $0x40, $0x38;
	[tilespmem:$0x19D40] =	vst v63  }
0x82: {  	s26 =	simm.s32 @!p0 $0xD180;
	s1 =	rddreg [dreg:$0xe]  }
0x83: {  	[spmem:s1] =	stream.linear.scatter @!p0 [tilespmem:s26], [sflag:$0x3], $0x40, $0x38;
	[tilespmem:$0x19D40] =	vst v63  }
0x84: {  	s26 =	simm.s32 @!p0 $0xD200;
	s1 =	rddreg [dreg:$0xf]  }
0x85: {  	[spmem:s1] =	stream.linear.scatter @!p0 [tilespmem:s26], [sflag:$0x3], $0x40, $0x38;
	[tilespmem:$0x19D40] =	vst v63  }
0x86: {  	s26 =	simm.s32 @!p0 $0xD280;
	s1 =	rddreg [dreg:$0x10]  }
0x87: {  	[spmem:s1] =	stream.linear.scatter @!p0 [tilespmem:s26], [sflag:$0x3], $0x40, $0x38;
	[tilespmem:$0x19D40] =	vst v63  }
0x88: {  	s26 =	simm.s32 @!p0 $0xD300;
	s1 =	rddreg [dreg:$0x11]  }
0x89: {  	[spmem:s1] =	stream.linear.scatter @!p0 [tilespmem:s26], [sflag:$0x3], $0x40, $0x38;
	[tilespmem:$0x19D40] =	vst v63  }
0x8a: {  	s26 =	simm.s32 @!p0 $0xD380;
	s1 =	rddreg [dreg:$0x12]  }
0x8b: {  	[spmem:s1] =	stream.linear.scatter @!p0 [tilespmem:s26], [sflag:$0x3], $0x40, $0x38;
	[tilespmem:$0x19D40] =	vst v63  }
0x8c: {  	s26 =	simm.s32 @!p0 $0xD400;
	s1 =	rddreg [dreg:$0x13]  }
0x8d: {  	[spmem:s1] =	stream.linear.scatter @!p0 [tilespmem:s26], [sflag:$0x3], $0x40, $0x38;
	[tilespmem:$0x19D40] =	vst v63  }
0x8e: {  	s26 =	simm.s32 @!p0 $0xD480;
	s1 =	rddreg [dreg:$0x14]  }
0x8f: {  	[spmem:s1] =	stream.linear.scatter @!p0 [tilespmem:s26], [sflag:$0x3], $0x40, $0x38;
	[tilespmem:$0x19D40] =	vst v63  }
0x90: {  	s26 =	simm.s32 @!p0 $0x3  }
0x91: {  	_ =	swait.ge @!p0 [sflag:s26], $0x400  }
0x92: {  	[sflag:s26] =	ssyncset.done @!p0 $0x0  }
0x93: {  	[sflag:s26] =	ssyncadd.s32 @!p0 $0xFFFFFC00  }
0x94: {  	[bflag:$0x0] =	sbarrier.arrive $0xFFFF  }
0x95: {  	s7 =	smov.u32 s31;
	s31 =	simm.s32 $0x0;
	s28 =	rddreg [dreg:$0x3]  }
0x96: {  	[tilespmem:s31], [sflag:$0x3] =	stream.linear.gather [hbm4b:s28+s31], $0x2800, $0x38;
	[tilespmem:$0x19D40] =	vst v63  }
0x97: {  	_ =	swait.ge [sflag:s8], $0x2800  }
0x98: {  	[sflag:s8] =	ssyncset.done $0x0  }
0x99: {  	s28 =	simm.s32 $0x2800;
	s29 =	rddreg [dreg:$0x4];
	[sflag:s8] =	ssyncadd.s32 $0xFFFFD800  }
0x9a: {  	[tilespmem:s28], [sflag:$0x3] =	stream.linear.gather [hbm4b:s29+s31], $0x2800, $0x38;
	[tilespmem:$0x19D40] =	vst v63  }
0x9b: {  	_ =	swait.ge [sflag:s8], $0x2800  }
0x9c: {  	[sflag:s8] =	ssyncset.done $0x0  }
0x9d: {  	[sflag:s8] =	ssyncadd.s32 $0xFFFFD800  }
0x9e: {  	[tilespmem:s25], [sflag:$0x1] =	stream.indirect.gather [hbm4b:s4+s9], $0x40, s31, s9, $0xb8;
	[tilespmem:$0x19D40] =	vst v63  }
0x9f: {  	s31 =	simm.s32 $0x80  }
0xa0: {  	[tilespmem:s6], [sflag:$0x1] =	stream.indirect.gather [hbm4b:s4+s9], $0x40, s31, s9, $0xb8;
	[tilespmem:$0x19D40] =	vst v63  }
0xa1: {  	s1 =	simm.s32 $0x100  }
0xa2: {  	[tilespmem:s16], [sflag:$0x2] =	stream.indirect.gather [hbm4b:s4+s9], $0x40, s1, s9, $0xb8;
	[tilespmem:$0x19D40] =	vst v63  }
0xa3: {  	s28 =	simm.s32 $0x180  }
0xa4: {  	[tilespmem:s17], [sflag:$0x2] =	stream.indirect.gather [hbm4b:s4+s9], $0x40, s28, s9, $0xb8;
	[tilespmem:$0x19D40] =	vst v63  }
0xa5: {  	_ =	swait.ge [sflag:s18], $0x1F40  }
0xa6: {  	[sflag:s18] =	ssyncset.done $0x0  }
0xa7: {  	s29 =	simm.s32 $0x2800;
	[sflag:s18] =	ssyncadd.s32 $0xFFFFE0C0  }
0xa8: {  	[spmem:s2] =	stream.indirect.scatter.add.f32 [tilespmem:s25], [sflag:$0x3], $0x40, s29, s9, $0xb8;
	[tilespmem:$0x19D40] =	vst v63  }
0xa9: {  	_ =	swait.ge [sflag:s8], $0x1F40  }
0xaa: {  	[sflag:s8] =	ssyncset.done $0x0  }
0xab: {  	[sflag:s8] =	ssyncadd.s32 $0xFFFFE0C0  }
0xac: {  	_ =	swait.ge [sflag:s18], $0x1F40  }
0xad: {  	[sflag:s18] =	ssyncset.done $0x0  }
0xae: {  	s31 =	simm.s32 $0x2880;
	[sflag:s18] =	ssyncadd.s32 $0xFFFFE0C0  }
0xaf: {  	[spmem:s2] =	stream.indirect.scatter.add.f32 [tilespmem:s6], [sflag:$0x3], $0x40, s31, s9, $0xb8;
	[tilespmem:$0x19D40] =	vst v63  }
0xb0: {  	_ =	swait.ge [sflag:s8], $0x1F40  }
0xb1: {  	[sflag:s8] =	ssyncset.done $0x0  }
0xb2: {  	s1 =	simm.s32 $0x200;
	[sflag:s8] =	ssyncadd.s32 $0xFFFFE0C0  }
0xb3: {  	[tilespmem:s25], [sflag:$0x1] =	stream.indirect.gather [hbm4b:s4+s9], $0x40, s1, s9, $0xb8;
	[tilespmem:$0x19D40] =	vst v63  }
0xb4: {  	s28 =	simm.s32 $0x280  }
0xb5: {  	[tilespmem:s6], [sflag:$0x1] =	stream.indirect.gather [hbm4b:s4+s9], $0x40, s28, s9, $0xb8;
	[tilespmem:$0x19D40] =	vst v63  }
0xb6: {  	_ =	swait.ge [sflag:s19], $0x1F40  }
0xb7: {  	[sflag:s19] =	ssyncset.done $0x0  }
0xb8: {  	s29 =	simm.s32 $0x2900;
	[sflag:s19] =	ssyncadd.s32 $0xFFFFE0C0  }
0xb9: {  	[spmem:s2] =	stream.indirect.scatter.add.f32 [tilespmem:s16], [sflag:$0x3], $0x40, s29, s9, $0xb8;
	[tilespmem:$0x19D40] =	vst v63  }
0xba: {  	_ =	swait.ge [sflag:s8], $0x1F40  }
0xbb: {  	[sflag:s8] =	ssyncset.done $0x0  }
0xbc: {  	[sflag:s8] =	ssyncadd.s32 $0xFFFFE0C0  }
0xbd: {  	_ =	swait.ge [sflag:s19], $0x1F40  }
0xbe: {  	[sflag:s19] =	ssyncset.done $0x0  }
0xbf: {  	s31 =	simm.s32 $0x2980;
	[sflag:s19] =	ssyncadd.s32 $0xFFFFE0C0  }
0xc0: {  	[spmem:s2] =	stream.indirect.scatter.add.f32 [tilespmem:s17], [sflag:$0x3], $0x40, s31, s9, $0xb8;
	[tilespmem:$0x19D40] =	vst v63  }
0xc1: {  	s0 =	smov.u32 s30;
	_ =	swait.ge [sflag:s8], $0x1F40  }
0xc2: {  	s30 =	simm.s32 $0x1000;
	s26 =	simm.s32 $0x200;
	[sflag:s8] =	ssyncset.done $0x0  }
.LBB2_16:
0xc3: {  	s31 =	sadd.s32 $0x100, s26  }
0xc4: {  	[sflag:s8] =	ssyncadd.s32 $0xFFFFE0C0;
	s29 =	smov.u32 s30;
	s28 =	sadd.s32 $0x800, s30  }
0xc5: {  	[tilespmem:s16], [sflag:$0x2] =	stream.indirect.gather [hbm4b:s4+s9], $0x40, s31, s9, $0xb8;
	[tilespmem:$0x19D40] =	vst v63  }
0xc6: {  	p1 =	sne.s32 s30, $0x9000;
	s30 =	sadd.s32 $0x180, s26  }
0xc7: {  	[tilespmem:s17], [sflag:$0x2] =	stream.indirect.gather [hbm4b:s4+s9], $0x40, s30, s9, $0xb8;
	[tilespmem:$0x19D40] =	vst v63  }
0xc8: {  	_ =	swait.ge [sflag:s18], $0x1F40  }
0xc9: {  	[sflag:s18] =	ssyncset.done $0x0  }
0xca: {  	s30 =	sadd.s32 $0x2800, s26;
	[sflag:s18] =	ssyncadd.s32 $0xFFFFE0C0  }
0xcb: {  	[spmem:s2] =	stream.indirect.scatter.add.f32 [tilespmem:s25], [sflag:$0x3], $0x40, s30, s9, $0xb8;
	[tilespmem:$0x19D40] =	vst v63  }
0xcc: {  	_ =	swait.ge [sflag:s8], $0x1F40  }
0xcd: {  	[sflag:s8] =	ssyncset.done $0x0  }
0xce: {  	[sflag:s8] =	ssyncadd.s32 $0xFFFFE0C0  }
0xcf: {  	_ =	swait.ge [sflag:s18], $0x1F40  }
0xd0: {  	[sflag:s18] =	ssyncset.done $0x0  }
0xd1: {  	s30 =	sadd.s32 $0x2880, s26;
	[sflag:s18] =	ssyncadd.s32 $0xFFFFE0C0  }
0xd2: {  	[spmem:s2] =	stream.indirect.scatter.add.f32 [tilespmem:s6], [sflag:$0x3], $0x40, s30, s9, $0xb8;
	[tilespmem:$0x19D40] =	vst v63  }
0xd3: {  	_ =	swait.ge [sflag:s8], $0x1F40  }
0xd4: {  	[sflag:s8] =	ssyncset.done $0x0  }
0xd5: {  	s30 =	sadd.s32 $0x200, s26;
	[sflag:s8] =	ssyncadd.s32 $0xFFFFE0C0  }
0xd6: {  	[tilespmem:s25], [sflag:$0x1] =	stream.indirect.gather [hbm4b:s4+s9], $0x40, s30, s9, $0xb8;
	[tilespmem:$0x19D40] =	vst v63  }
0xd7: {  	s30 =	sadd.s32 $0x280, s26  }
0xd8: {  	[tilespmem:s6], [sflag:$0x1] =	stream.indirect.gather [hbm4b:s4+s9], $0x40, s30, s9, $0xb8;
	[tilespmem:$0x19D40] =	vst v63  }
0xd9: {  	_ =	swait.ge [sflag:s19], $0x1F40  }
0xda: {  	[sflag:s19] =	ssyncset.done $0x0  }
0xdb: {  	s30 =	sadd.s32 $0x2900, s26;
	[sflag:s19] =	ssyncadd.s32 $0xFFFFE0C0  }
0xdc: {  	[spmem:s2] =	stream.indirect.scatter.add.f32 [tilespmem:s16], [sflag:$0x3], $0x40, s30, s9, $0xb8;
	[tilespmem:$0x19D40] =	vst v63  }
0xdd: {  	_ =	swait.ge [sflag:s8], $0x1F40  }
0xde: {  	[sflag:s8] =	ssyncset.done $0x0  }
0xdf: {  	[sflag:s8] =	ssyncadd.s32 $0xFFFFE0C0  }
0xe0: {  	_ =	swait.ge [sflag:s19], $0x1F40  }
.Ltmp7:
0xe1: {  	[sflag:s19] =	ssyncset.done $0x0;
	(pc) =	sbr.rel @p1 .LBB2_16-.Ltmp7, $4  }
0xe2: {  	s26 =	sadd.s32 $0x2980, s26;
	[sflag:s19] =	ssyncadd.s32 $0xFFFFE0C0  }
0xe3: {  	[spmem:s2] =	stream.indirect.scatter.add.f32 [tilespmem:s17], [sflag:$0x3], $0x40, s26, s9, $0xb8;
	[tilespmem:$0x19D40] =	vst v63  }
0xe4: {  	_ =	swait.ge [sflag:s8], $0x1F40  }
0xe5: {  	s30 =	smov.u32 s28;
	s26 =	sshra.s32 s29, $0x2;
	[sflag:s8] =	ssyncset.done $0x0  }
0xe6: {  	s28 =	sadd.s32 $0x100, s26;
	[sflag:s8] =	ssyncadd.s32 $0xFFFFE0C0  }
0xe7: {  	[tilespmem:s16], [sflag:$0x2] =	stream.indirect.gather [hbm4b:s4+s9], $0x40, s28, s9, $0xb8;
	[tilespmem:$0x19D40] =	vst v63  }
0xe8: {  	s28 =	sadd.s32 $0x180, s26  }
0xe9: {  	[tilespmem:s17], [sflag:$0x2] =	stream.indirect.gather [hbm4b:s4+s9], $0x40, s28, s9, $0xb8;
	[tilespmem:$0x19D40] =	vst v63  }
0xea: {  	_ =	swait.ge [sflag:s18], $0x1F40  }
0xeb: {  	[sflag:s18] =	ssyncset.done $0x0  }
0xec: {  	s28 =	sadd.s32 $0x2800, s26;
	[sflag:s18] =	ssyncadd.s32 $0xFFFFE0C0  }
0xed: {  	[spmem:s2] =	stream.indirect.scatter.add.f32 [tilespmem:s25], [sflag:$0x3], $0x40, s28, s9, $0xb8;
	[tilespmem:$0x19D40] =	vst v63  }
0xee: {  	_ =	swait.ge [sflag:s8], $0x1F40  }
0xef: {  	[sflag:s8] =	ssyncset.done $0x0  }
0xf0: {  	[sflag:s8] =	ssyncadd.s32 $0xFFFFE0C0  }
0xf1: {  	_ =	swait.ge [sflag:s18], $0x1F40  }
0xf2: {  	[sflag:s18] =	ssyncset.done $0x0  }
0xf3: {  	s28 =	sadd.s32 $0x2880, s26;
	[sflag:s18] =	ssyncadd.s32 $0xFFFFE0C0  }
0xf4: {  	[spmem:s2] =	stream.indirect.scatter.add.f32 [tilespmem:s6], [sflag:$0x3], $0x40, s28, s9, $0xb8;
	[tilespmem:$0x19D40] =	vst v63  }
0xf5: {  	_ =	swait.ge [sflag:s8], $0x1F40  }
0xf6: {  	[sflag:s8] =	ssyncset.done $0x0  }
0xf7: {  	s28 =	sadd.s32 $0x200, s26;
	[sflag:s8] =	ssyncadd.s32 $0xFFFFE0C0  }
0xf8: {  	[tilespmem:s25], [sflag:$0x1] =	stream.indirect.gather [hbm4b:s4+s9], $0x40, s28, s9, $0xb8;
	[tilespmem:$0x19D40] =	vst v63  }
0xf9: {  	s28 =	sadd.s32 $0x280, s26  }
0xfa: {  	[tilespmem:s6], [sflag:$0x1] =	stream.indirect.gather [hbm4b:s4+s9], $0x40, s28, s9, $0xb8;
	[tilespmem:$0x19D40] =	vst v63  }
0xfb: {  	_ =	swait.ge [sflag:s19], $0x1F40  }
0xfc: {  	[sflag:s19] =	ssyncset.done $0x0  }
0xfd: {  	s28 =	sadd.s32 $0x2900, s26;
	[sflag:s19] =	ssyncadd.s32 $0xFFFFE0C0  }
0xfe: {  	[spmem:s2] =	stream.indirect.scatter.add.f32 [tilespmem:s16], [sflag:$0x3], $0x40, s28, s9, $0xb8;
	[tilespmem:$0x19D40] =	vst v63  }
0xff: {  	_ =	swait.ge [sflag:s8], $0x1F40  }
0x100: {  	[sflag:s8] =	ssyncset.done $0x0  }
0x101: {  	[sflag:s8] =	ssyncadd.s32 $0xFFFFE0C0  }
0x102: {  	_ =	swait.ge [sflag:s19], $0x1F40  }
0x103: {  	[sflag:s19] =	ssyncset.done $0x0  }
0x104: {  	s30 =	sadd.s32 $0x2980, s26;
	[sflag:s19] =	ssyncadd.s32 $0xFFFFE0C0  }
0x105: {  	[spmem:s2] =	stream.indirect.scatter.add.f32 [tilespmem:s17], [sflag:$0x3], $0x40, s30, s9, $0xb8;
	[tilespmem:$0x19D40] =	vst v63  }
0x106: {  	_ =	swait.ge [sflag:s8], $0x1F40  }
0x107: {  	[sflag:s8] =	ssyncset.done $0x0  }
0x108: {  	s1 =	simm.s32 $0x2700;
	[sflag:s8] =	ssyncadd.s32 $0xFFFFE0C0  }
0x109: {  	[tilespmem:s16], [sflag:$0x2] =	stream.indirect.gather [hbm4b:s4+s9], $0x40, s1, s9, $0xb8;
	[tilespmem:$0x19D40] =	vst v63  }
0x10a: {  	s31 =	simm.s32 $0x2780  }
0x10b: {  	[tilespmem:s17], [sflag:$0x2] =	stream.indirect.gather [hbm4b:s4+s9], $0x40, s31, s9, $0xb8;
	[tilespmem:$0x19D40] =	vst v63  }
0x10c: {  	_ =	swait.ge [sflag:s18], $0x1F40  }
0x10d: {  	[sflag:s18] =	ssyncset.done $0x0  }
0x10e: {  	s26 =	simm.s32 $0x4E00;
	[sflag:s18] =	ssyncadd.s32 $0xFFFFE0C0  }
0x10f: {  	[spmem:s2] =	stream.indirect.scatter.add.f32 [tilespmem:s25], [sflag:$0x3], $0x40, s26, s9, $0xb8;
	[tilespmem:$0x19D40] =	vst v63  }
0x110: {  	_ =	swait.ge [sflag:s8], $0x1F40  }
0x111: {  	[sflag:s8] =	ssyncset.done $0x0  }
0x112: {  	[sflag:s8] =	ssyncadd.s32 $0xFFFFE0C0  }
0x113: {  	_ =	swait.ge [sflag:s18], $0x1F40  }
0x114: {  	[sflag:s18] =	ssyncset.done $0x0  }
0x115: {  	s29 =	simm.s32 $0x4E80;
	[sflag:s18] =	ssyncadd.s32 $0xFFFFE0C0  }
0x116: {  	[spmem:s2] =	stream.indirect.scatter.add.f32 [tilespmem:s6], [sflag:$0x3], $0x40, s29, s9, $0xb8;
	[tilespmem:$0x19D40] =	vst v63  }
0x117: {  	_ =	swait.ge [sflag:s8], $0x1F40  }
0x118: {  	[sflag:s8] =	ssyncset.done $0x0  }
0x119: {  	[sflag:s8] =	ssyncadd.s32 $0xFFFFE0C0  }
0x11a: {  	_ =	swait.ge [sflag:s19], $0x1F40  }
0x11b: {  	[sflag:s19] =	ssyncset.done $0x0  }
0x11c: {  	s30 =	simm.s32 $0x4F00;
	[sflag:s19] =	ssyncadd.s32 $0xFFFFE0C0  }
0x11d: {  	[spmem:s2] =	stream.indirect.scatter.add.f32 [tilespmem:s16], [sflag:$0x3], $0x40, s30, s9, $0xb8;
	[tilespmem:$0x19D40] =	vst v63  }
0x11e: {  	_ =	swait.ge [sflag:s8], $0x1F40  }
0x11f: {  	[sflag:s8] =	ssyncset.done $0x0  }
0x120: {  	[sflag:s8] =	ssyncadd.s32 $0xFFFFE0C0  }
0x121: {  	_ =	swait.ge [sflag:s19], $0x1F40  }
0x122: {  	[sflag:s19] =	ssyncset.done $0x0  }
0x123: {  	s31 =	simm.s32 $0x4F80;
	[sflag:s19] =	ssyncadd.s32 $0xFFFFE0C0  }
0x124: {  	[spmem:s2] =	stream.indirect.scatter.add.f32 [tilespmem:s17], [sflag:$0x3], $0x40, s31, s9, $0xb8;
	[tilespmem:$0x19D40] =	vst v63  }
0x125: {  	_ =	swait.ge [sflag:s8], $0x1F40  }
0x126: {  	[sflag:s8] =	ssyncset.done $0x0  }
0x127: {  	[sflag:s8] =	ssyncadd.s32 $0xFFFFE0C0  }
0x128: {  	s28 =	smov.u32 s10;
	s26 =	simm.s32 $0x0;
	[bflag:$0x0] =	sbarrier.arrive $0xFFFF  }
.LBB2_18:
0x129: {  	s29 =	smul.u32 $0x68, s26;
	s30 =	simm.s32 $0xCD00;
	s31 =	sadd.s32 $0x0, s28  }
0x12a: {  	[tilespmem:s30], [sflag:$0x4] =	stream.linear.gather [spmem:s31], $0x40, $0x38;
	[tilespmem:$0x19D40] =	vst v63  }
0x12b: {  	s31 =	simm.s32 $0x100;
	s29 =	sadd.s32 s5, s29  }
.LBB2_19:
0x12c: {  	p1 =	sne.s32 s31, $0x6700  }
.Ltmp8:
0x12d: {  	_ = 	snop;
	(pc) =	sbr.rel @p1 .LBB2_19-.Ltmp8, $4  }
0x12e: {  	_ = 	snop  }
0x12f: {  	s1 =	sshra.s32 s31, $0x2;
	s31 =	sadd.s32 $0x100, s31  }
0x130: {  	s30 =	sadd.s32 $0x80, s30;
	s1 =	sadd.s32 s1, s28  }
0x131: {  	[tilespmem:s30], [sflag:$0x4] =	stream.linear.gather [spmem:s1], $0x40, $0x38;
	[tilespmem:$0x19D40] =	vst v63  }
0x132: {  	_ =	swait.ge [sflag:s21], $0x1A00;
	s26 =	sadd.s32 $0x1, s26  }
0x133: {  	s1 =	sshll.u32 s29, $0x4;
	[sflag:s21] =	ssyncset.done $0x0;
	p1 =	sne.s32 s26, $0x6  }
.Ltmp9:
0x134: {  	s1 =	sadd.s32 s20, s1;
	[sflag:s21] =	ssyncadd.s32 $0xFFFFE600;
	(pc) =	sbr.rel @p1 .LBB2_18-.Ltmp9, $4  }
0x135: {  	[hbm4b:s1+s3] =	stream.linear.scatter [tilespmem:s22], [sflag:s24], $0x3400, $0x38;
	[tilespmem:$0x19D40] =	vst v63  }
0x136: {  	_ =	swait.ge [sflag:s24], $0x3400  }
0x137: {  	[sflag:s24] =	ssyncset.done $0x0  }
0x138: {  	s28 =	sadd.s32 $0x1A00, s28;
	[sflag:s24] =	ssyncadd.s32 $0xFFFFCC00  }
0x139: {  	s1 =	simm.s32 @!p0 $0xCD00  }
0x13a: {  	[tilespmem:s1], [sflag:$0x3] =	stream.linear.gather @!p0 [spmem:s0], $0x40, $0x38;
	[tilespmem:$0x19D40] =	vst v63  }
0x13b: {  	s26 =	simm.s32 @!p0 $0xCD80  }
0x13c: {  	[tilespmem:s26], [sflag:$0x3] =	stream.linear.gather @!p0 [spmem:s7], $0x40, $0x38;
	[tilespmem:$0x19D40] =	vst v63  }
0x13d: {  	s30 =	smov.u32 s0;
	s0 =	rddreg [dreg:$0x6];
	s26 =	simm.s32 @!p0 $0xCE00  }
0x13e: {  	[tilespmem:s26], [sflag:$0x3] =	stream.linear.gather @!p0 [spmem:s0], $0x40, $0x38;
	[tilespmem:$0x19D40] =	vst v63  }
0x13f: {  	s26 =	simm.s32 @!p0 $0xCE80;
	s0 =	rddreg [dreg:$0x7]  }
0x140: {  	[tilespmem:s26], [sflag:$0x3] =	stream.linear.gather @!p0 [spmem:s0], $0x40, $0x38;
	[tilespmem:$0x19D40] =	vst v63  }
0x141: {  	s26 =	simm.s32 @!p0 $0xCF00;
	s0 =	rddreg [dreg:$0x8]  }
0x142: {  	[tilespmem:s26], [sflag:$0x3] =	stream.linear.gather @!p0 [spmem:s0], $0x40, $0x38;
	[tilespmem:$0x19D40] =	vst v63  }
0x143: {  	s26 =	simm.s32 @!p0 $0xCF80;
	s0 =	rddreg [dreg:$0x9]  }
0x144: {  	[tilespmem:s26], [sflag:$0x3] =	stream.linear.gather @!p0 [spmem:s0], $0x40, $0x38;
	[tilespmem:$0x19D40] =	vst v63  }
0x145: {  	s26 =	simm.s32 @!p0 $0xD000;
	s0 =	rddreg [dreg:$0xa]  }
0x146: {  	[tilespmem:s26], [sflag:$0x3] =	stream.linear.gather @!p0 [spmem:s0], $0x40, $0x38;
	[tilespmem:$0x19D40] =	vst v63  }
0x147: {  	s26 =	simm.s32 @!p0 $0xD080;
	s0 =	rddreg [dreg:$0xb]  }
0x148: {  	[tilespmem:s26], [sflag:$0x3] =	stream.linear.gather @!p0 [spmem:s0], $0x40, $0x38;
	[tilespmem:$0x19D40] =	vst v63  }
0x149: {  	s26 =	simm.s32 @!p0 $0xD100;
	s0 =	rddreg [dreg:$0xd]  }
0x14a: {  	[tilespmem:s26], [sflag:$0x3] =	stream.linear.gather @!p0 [spmem:s0], $0x40, $0x38;
	[tilespmem:$0x19D40] =	vst v63  }
0x14b: {  	s26 =	simm.s32 @!p0 $0xD180;
	s0 =	rddreg [dreg:$0xe]  }
0x14c: {  	[tilespmem:s26], [sflag:$0x3] =	stream.linear.gather @!p0 [spmem:s0], $0x40, $0x38;
	[tilespmem:$0x19D40] =	vst v63  }
0x14d: {  	s26 =	simm.s32 @!p0 $0xD200;
	s0 =	rddreg [dreg:$0xf]  }
0x14e: {  	[tilespmem:s26], [sflag:$0x3] =	stream.linear.gather @!p0 [spmem:s0], $0x40, $0x38;
	[tilespmem:$0x19D40] =	vst v63  }
0x14f: {  	s26 =	simm.s32 @!p0 $0xD280;
	s0 =	rddreg [dreg:$0x10]  }
0x150: {  	[tilespmem:s26], [sflag:$0x3] =	stream.linear.gather @!p0 [spmem:s0], $0x40, $0x38;
	[tilespmem:$0x19D40] =	vst v63  }
0x151: {  	s26 =	simm.s32 @!p0 $0xD300;
	s0 =	rddreg [dreg:$0x11]  }
0x152: {  	[tilespmem:s26], [sflag:$0x3] =	stream.linear.gather @!p0 [spmem:s0], $0x40, $0x38;
	[tilespmem:$0x19D40] =	vst v63  }
0x153: {  	s26 =	simm.s32 @!p0 $0xD380;
	s0 =	rddreg [dreg:$0x12]  }
0x154: {  	[tilespmem:s26], [sflag:$0x3] =	stream.linear.gather @!p0 [spmem:s0], $0x40, $0x38;
	[tilespmem:$0x19D40] =	vst v63  }
0x155: {  	s26 =	simm.s32 @!p0 $0xD400;
	s0 =	rddreg [dreg:$0x13]  }
0x156: {  	[tilespmem:s26], [sflag:$0x3] =	stream.linear.gather @!p0 [spmem:s0], $0x40, $0x38;
	[tilespmem:$0x19D40] =	vst v63  }
0x157: {  	s26 =	simm.s32 @!p0 $0xD480;
	s0 =	rddreg [dreg:$0x14]  }
0x158: {  	[tilespmem:s26], [sflag:$0x3] =	stream.linear.gather @!p0 [spmem:s0], $0x40, $0x38;
	[tilespmem:$0x19D40] =	vst v63  }
0x159: {  	s26 =	simm.s32 @!p0 $0x3  }
0x15a: {  	_ =	swait.ge @!p0 [sflag:s26], $0x400  }
0x15b: {  	[sflag:s26] =	ssyncset.done @!p0 $0x0  }
0x15c: {  	s28 =	simm.s32 @!p0 $0x0;
	s0 =	rddreg [dreg:$0xc];
	[sflag:s26] =	ssyncadd.s32 @!p0 $0xFFFFFC00  }
0x15d: {  	[hbm4b:s0+s28] =	stream.linear.scatter @!p0 [tilespmem:s1], [sflag:$0x3], $0x800, $0x38;
	[tilespmem:$0x19D40] =	vst v63  }
0x15e: {  	_ =	swait.ge @!p0 [sflag:s26], $0x800  }
0x15f: {  	s23 =	sadd.s32 $0x1, s23;
	s29 =	rddreg [dreg:$0x5]  }
0x160: {  	p1 =	sne.s32 s23, s29  }
.Ltmp10:
0x161: {  	_ = 	snop;
	(pc) =	sbr.rel @p1 .LBB2_1-.Ltmp10, $3  }
0x162: {  	_ =	sdelay $0x1  }
0x163: {  	[sflag:s26] =	ssyncset.done @!p0 $0x0  }
0x164: {  	s31 =	smov.u32 s7;
	[sflag:s26] =	ssyncadd.s32 @!p0 $0xFFFFF800  }
0x165: {  	_ =	sfence.sel $0x180000  }
0x166: {  	[bflag:$0x0] =	sbarrier.arrive $0xFFFF  }
0x167: {  	_ =	strace $0x9000004A  }
0x168: {  	s0 =	stileid.u32;
	[bflag:$0x2] =	sbarrier.arrive $0xFFFF  }
0x169: {  	p0 =	sne.s32 s0, $0x0;
	s0 =	rddreg [dreg:$0x2]  }
0x16a: {  	s0 =	sadd.s32 @!p0 $0x100000, s0  }
0x16b: {  	[sflag:s0] =	ssyncadd.tile.s32 @!p0 $0x1;
	_ =	shalt  }
.Lfunc_end2:
_tile_overlayer_lowered:
.L_overlay_start_2:
0x16c: {  	(tag) =	ssettag $0x2  }
0x16d: {  	s0 =	rddreg [dreg:$0x0];
	s2 =	stileid.u32  }
0x16e: {  	s1 =	rddreg [dreg:$0x1];
	p0 =	sne.s32 s2, $0x0  }
0x16f: {  	s3 =	rddreg [dreg:$0x2];
	[bflag:$0x3] =	sbarrier.arrive $0xFFFF;
	s2 =	simm.s32 @!p0 $0x1C03  }
0x170: {  	[timem:s3], [sflag:s2] =	dma.local @!p0 [hbm:s0], s1  }
0x171: {  	s0 =	simm.s32 @!p0 $0x3  }
0x172: {  	_ =	swait.ge @!p0 [sflag:s0], s1  }
0x173: {  	s1 =	ssub.s32 @!p0 $0x0, s1;
	[sflag:s0] =	ssyncset.done @!p0 $0x0  }
0x174: {  	[sflag:s0] =	ssyncadd.s32 @!p0 s1  }
0x175: {  	[bflag:$0x3] =	sbarrier.arrive $0xFFFF  }
0x176: {  	_ =	shalt  }

// kernel: kernel.7.cloned.1.call-start
scs
__scs_entry_jumppad:
0x0: {  	(pc) =	sbr.rel $0x88, $3  }
0x1: {  	(tag) =	ssettag $0x0;
	lr =	simm.s32 $0x1  }
0x2: {  	[smem:$0x3F96] =	sst lr;
	_ =	strace $0xD0000000  }
0x3: {  	_ = 	snop  }
0x4: {  	_ = 	snop  }
0x5: {  	_ = 	snop  }
0x6: {  	_ = 	snop  }
0x7: {  	_ = 	snop  }
__scs_overlays_trampoline_lowered:
0x8: {  	[smem:$0x3FA5] =	sst s0  }
0x9: {  	[smem:$0x3FA6] =	sst s1  }
0xa: {  	[smem:$0x3FA7] =	sst s2  }
0xb: {  	[smem:$0x3FA8] =	sst s3  }
0xc: {  	[smem:$0x3FA9] =	sst s4  }
0xd: {  	[smem:$0x3FAA] =	sst s5  }
0xe: {  	[smem:$0x3FAB] =	sst s6  }
0xf: {  	[smem:$0x3FAC] =	sst s7  }
0x10: {  	[smem:$0x3FAD] =	sst s8  }
0x11: {  	[smem:$0x3FAE] =	sst s9;
	s0 =	simm.s32 @!p0 $0x0  }
0x12: {  	s1 =	sld [smem:$0x3F94];
	s0 =	simm.s32 @p0 $0x1  }
0x13: {  	[smem:$0x3FAF] =	sst s0;
	s0 =	simm.s32 @!p1 $0x0  }
0x14: {  	s2 =	sld [smem:$0x3F93];
	s0 =	simm.s32 @p1 $0x1  }
0x15: {  	[smem:$0x3FB0] =	sst s0;
	s0 =	simm.s32 @!p2 $0x0  }
0x16: {  	s3 =	sld [smem:$0x3FDB];
	s0 =	simm.s32 @p2 $0x1  }
0x17: {  	s4 =	simm.s32 $0x1BF5;
	[smem:$0x3FB2] =	sst s0  }
0x18: {  	s0 =	sld [smem:$0x3F95];
	_ =	swait.ge [sflag:s4], $0x0  }
0x19: {  	s7 =	sld [smem:$0x3F96]  }
0x1a: {  	s8 =	sadd.s32 $0xFFFFE003, lr  }
0x1b: {  	s9 =	sadd.s32 $0xFFFFFEF7, lr;
	s5 =	simm.s32 $0xFFFFFFFF;
	p2 =	slt.u32 s8, $0xFFFFF086  }
0x1c: {  	p1 =	slt.u32 s9, $0xF7A;
	s5 =	simm.s32 @!p2 $0x0  }
0x1d: {  	s5 =	simm.s32 @p1 $0x1;
	p0 =	seq.s32 s7, s2  }
0x1e: {  	s7 =	smul.u32 @!p0 $0xF7A, s2;
	p2 =	seq.s32 @!p0 s5, $0x0  }
0x1f: {  	s9 =	smul.u32 $0xF7A, s1;
	s8 =	simm.s32 @!p0 $0x1BF5;
	p2 =	por !p2, p0  }
0x20: {  	[sflag:s8] =	ssyncset.s32 @!p0 $0xFFFFF086;
	s6 =	sadd.s32 @!p0 s3, s7;
	s7 =	simm.s32 @!p0 $0x108  }
0x21: {  	s3 =	sadd.s32 s3, s9;
	s6 =	sadd.s32 @!p0 $0x88, s6;
	s7 =	simm.s32 @p2 $0x1082  }
0x22: {  	[simem:s7], [sflag:s8] =	dma.local @!p0 [hbm:s6], $0xF7A  }
0x23: {  	s9 =	sor.u32 $0xD0000000, s2;
	s6 =	simm.s32 $0x108;
	_ =	swait.ge @!p0 [sflag:s8], $0x0  }
0x24: {  	s3 =	sadd.s32 $0x88, s3;
	s6 =	simm.s32 @!p1 $0x1082;
	[sflag:s4] =	ssyncset.s32 $0xFFFFF086  }
0x25: {  	[simem:s6], [sflag:s4] =	dma.local [hbm:s3], $0xF7A  }
0x26: {  	[smem:$0x3F96] =	sst s1;
	(tag) =	ssettag s2;
	_ =	strace s9  }
0x27: {  	s1 =	sld [smem:$0x3FA6]  }
0x28: {  	s2 =	sld [smem:$0x3FA7]  }
0x29: {  	s4 =	sld [smem:$0x3FA9]  }
0x2a: {  	p0 =	seq.s32 s5, $0x0;
	s5 =	sld [smem:$0x3FAA]  }
0x2b: {  	s6 =	sld [smem:$0x3FAB]  }
0x2c: {  	s7 =	sld [smem:$0x3FAC]  }
0x2d: {  	s3 =	simm.s32 $0x108;
	s8 =	sld [smem:$0x3FAD]  }
0x2e: {  	s3 =	simm.s32 @!p0 $0x1082;
	s9 =	sld [smem:$0x3FAE]  }
0x2f: {  	lr =	sadd.s32 s0, s3;
	s0 =	sld [smem:$0x3FA5]  }
0x30: {  	s3 =	sld [smem:$0x3FA8]  }
0x31: {  	[smem:$0x3FB1] =	sst s10  }
0x32: {  	s10 =	sld [smem:$0x3FAF];
	_ =	sdelay $0x3  }
0x33: {  	p0 =	seq.s32 s10, $0x1;
	s10 =	sld [smem:$0x3FB1];
	_ =	sdelay $0x3  }
0x34: {  	[smem:$0x3FB1] =	sst s10  }
0x35: {  	s10 =	sld [smem:$0x3FB0];
	_ =	sdelay $0x3  }
0x36: {  	p1 =	seq.s32 s10, $0x1;
	s10 =	sld [smem:$0x3FB1];
	_ =	sdelay $0x3  }
0x37: {  	[smem:$0x3FB1] =	sst s10  }
0x38: {  	s10 =	sld [smem:$0x3FB2]  }
0x39: {  	_ = 	snop;
	(pc) =	sbr.ind lr, $3  }
0x3a: {  	_ = 	snop  }
0x3b: {  	_ = 	snop  }
0x3c: {  	p2 =	seq.s32 s10, $0x1;
	s10 =	sld [smem:$0x3FB1]  }
0x3d: {  	_ =	shalt  }
0x3e: {  	_ =	shalt  }
0x3f: {  	_ =	shalt  }
0x40: {  	_ =	shalt  }
0x41: {  	_ =	shalt  }
0x42: {  	_ =	shalt  }
0x43: {  	_ =	shalt  }
0x44: {  	_ =	shalt  }
0x45: {  	_ =	shalt  }
0x46: {  	_ =	shalt  }
0x47: {  	_ =	shalt  }
0x48: {  	_ =	shalt  }
0x49: {  	_ =	shalt  }
0x4a: {  	_ =	shalt  }
0x4b: {  	_ =	shalt  }
0x4c: {  	_ =	shalt  }
0x4d: {  	_ =	shalt  }
0x4e: {  	_ =	shalt  }
0x4f: {  	_ =	shalt  }
0x50: {  	_ =	shalt  }
0x51: {  	_ =	shalt  }
0x52: {  	_ =	shalt  }
0x53: {  	_ =	shalt  }
0x54: {  	_ =	shalt  }
0x55: {  	_ =	shalt  }
0x56: {  	_ =	shalt  }
0x57: {  	_ =	shalt  }
0x58: {  	_ =	shalt  }
0x59: {  	_ =	shalt  }
0x5a: {  	_ =	shalt  }
0x5b: {  	_ =	shalt  }
0x5c: {  	_ =	shalt  }
0x5d: {  	_ =	shalt  }
0x5e: {  	_ =	shalt  }
0x5f: {  	_ =	shalt  }
0x60: {  	_ =	shalt  }
0x61: {  	_ =	shalt  }
0x62: {  	_ =	shalt  }
0x63: {  	_ =	shalt  }
0x64: {  	_ =	shalt  }
0x65: {  	_ =	shalt  }
0x66: {  	_ =	shalt  }
0x67: {  	_ =	shalt  }
0x68: {  	_ =	shalt  }
0x69: {  	_ =	shalt  }
0x6a: {  	_ =	shalt  }
0x6b: {  	_ =	shalt  }
0x6c: {  	_ =	shalt  }
0x6d: {  	_ =	shalt  }
0x6e: {  	_ =	shalt  }
0x6f: {  	_ =	shalt  }
0x70: {  	_ =	shalt  }
0x71: {  	_ =	shalt  }
0x72: {  	_ =	shalt  }
0x73: {  	_ =	shalt  }
0x74: {  	_ =	shalt  }
0x75: {  	_ =	shalt  }
0x76: {  	_ =	shalt  }
0x77: {  	_ =	shalt  }
0x78: {  	_ =	shalt  }
0x79: {  	_ =	shalt  }
0x7a: {  	_ =	shalt  }
0x7b: {  	_ =	shalt  }
0x7c: {  	_ =	shalt  }
0x7d: {  	_ =	shalt  }
0x7e: {  	_ =	shalt  }
0x7f: {  	_ =	shalt  }
0x80: {  	_ =	shalt  }
0x81: {  	_ =	shalt  }
0x82: {  	_ =	shalt  }
0x83: {  	_ =	shalt  }
0x84: {  	_ =	shalt  }
0x85: {  	_ =	shalt  }
0x86: {  	_ =	shalt  }
0x87: {  	_ =	shalt  }
.Lfunc_end0:
.L_simem_size_0:
called_computation_lowered:
.L_overlay_start_0:
0x88: {  	s2 =	sld [smem:$0x3FD9]  }
0x89: {  	s3 =	sld [smem:$0x3FFE];
	_ =	sdelay $0x1  }
0x8a: {  	s1 =	srdreg.scid  }
0x8b: {  	s0 =	sand.u32 $0x1, s1  }
0x8c: {  	s16 =	sshll.u32 s0, $0xA;
	s2 =	sadd.s32 s3, s2  }
0x8d: {  	s2 =	sadd.s32 s2, s16  }
0x8e: {  	[smem:$0x3FBD] =	sst s2  }
0x8f: {  	_ = 	snop  }
0x90: {  	(tm) =	ssettm $0x1  }
0x91: {  	s17 =	sld [smem:$0x3FFB];
	_ =	sdelay $0x3  }
0x92: {  	_ =	strace s17  }
0x93: {  	s2 =	sld [smem:$0x3FFC];
	_ =	sdelay $0x3  }
0x94: {  	_ =	strace s2  }
0x95: {  	s2 =	sld [smem:$0x3FFD];
	_ =	sdelay $0x3  }
0x96: {  	_ =	strace s2  }
0x97: {  	_ =	strace $0x8FFFFFFF  }
0x98: {  	s18 =	sld [smem:$0x3FDB];
	_ =	sdelay $0x1  }
0x99: {  	s19 =	simm.s32 $_scs_section_size  }
0x9a: {  	s4 =	simm.s32 $_size__tile_overlayer_lowered;
	s5 =	simm.s32 $_tile_overlayer_lowered  }
0x9b: {  	s22 =	simm.s32 $0x1BFF;
	s21 =	sshll.u32 s5, $0x1;
	s2 =	sadd.s32 s19, s18  }
0x9c: {  	s6 =	simm.s32 $0x0;
	s20 =	sshll.u32 s4, $0x1;
	s4 =	sadd.s32 s21, s2  }
0x9d: {  	[timem:s6], [sflag:s22] =	dma.local [hbm:s4], s20  }
0x9e: {  	_ =	swait.ge [sflag:s22], s20  }
0x9f: {  	s3 =	ssub.s32 $0x0, s20;
	[sflag:s22] =	ssyncset.done $0x0  }
0xa0: {  	[sflag:s22] =	ssyncadd.s32 s3;
	_ =	sdelay $0x1  }
0xa1: {  	s23 =	simm.s32 $0x1B8B  }
0xa2: {  	_ =	swait.ge [sflag:s23], $0x1  }
0xa3: {  	[sflag:s23] =	ssyncset.done $0x0  }
0xa4: {  	s25 =	simm.s32 $0x1B8E;
	s24 =	sld [smem:$0x3FFE];
	[sflag:s23] =	ssyncadd.s32 $0xFFFFFFFF  }
0xa5: {  	s26 =	simm.s32 $execute0_lowered;
	[smem:$0x3FD2] =	sst s25  }
0xa6: {  	s4 =	sshll.u32 s26, $0x1;
	_ =	strace $0x80000046;
	[dreg:$0x1] =	wrdreg $0xFFFFFFFF  }
0xa7: {  	s28 =	simm.s32 $_size_execute0_lowered;
	s2 =	sadd.s32 s2, s4;
	[dreg:$0x0] =	wrdreg $0x0  }
0xa8: {  	s4 =	sshll.u32 s28, $0x1;
	[dreg:$0x2] =	wrdreg s2  }
0xa9: {  	[dreg:$0x3] =	wrdreg s4  }
0xaa: {  	[dreg:$0x4] =	wrdreg $0xC0  }
0xab: {  	_ =	task [dreg:s6], $0x5FFFF  }
0xac: {  	[dreg:$0x1] =	wrdreg $0xFFFFFFFF  }
0xad: {  	[dreg:$0x0] =	wrdreg $0x60  }
0xae: {  	[dreg:$0x2] =	wrdreg s24  }
0xaf: {  	[dreg:$0x3] =	wrdreg $0x108D00  }
0xb0: {  	[dreg:$0x4] =	wrdreg $0x1A5100  }
0xb1: {  	[dreg:$0x5] =	wrdreg $0x9  }
0xb2: {  	_ =	task.clear_ibuf [dreg:s6], $0x6FFFF;
	_ =	strace $0x90000046  }
0xb3: {  	s29 =	simm.s32 $0x9;
	_ =	strace $0x80000048  }
0xb4: {  	_ =	swait.ge [sflag:s29], $0x1  }
0xb5: {  	[sflag:s29] =	ssyncadd.s32 $0xFFFFFFFF  }
0xb6: {  	_ =	strace $0x90000048  }
0xb7: {  	_ =	sfence  }
0xb8: {  	s30 =	sld [smem:$0x0];
	_ =	sdelay $0x2  }
0xb9: {  	s31 =	sshll.u32 s1, $0xD;
	s1 =	sshrl.u32 s1, $0x2  }
0xba: {  	s3 =	sand.u32 $0x4000, s31;
	s1 =	sadd.s32 s1, s30  }
0xbb: {  	s0 =	sor.u32 s3, s0;
	s1 =	sshll.u32 s1, $0x11  }
0xbc: {  	s0 =	sor.u32 s1, s0  }
0xbd: {  	s0 =	sadd.s32 $0x8F2B, s0  }
0xbe: {  	[sflag:s0] =	ssyncadd.remote.s32 $0x1  }
0xbf: {  	_ =	sfence.sel $0xFFFF  }
0xc0: {  	[dreg:$0x0] =	wrdreg $0xFFFFFFFF;
	(pc) =	sbr.abs _section_cstart, $3  }
0xc1: {  	[dreg:$0x1] =	wrdreg $0xFFFFFFFF  }
0xc2: {  	_ =	task.clear_ibuf [dreg:s6], $0x2FFFF;
	_ =	strace $0x9FFFFFFF  }
0xc3: {  	(tm) =	ssettm $0x7FFFFFFF  }
tec
execute0_lowered:
.L_overlay_start_1:
0x0: {  	(tag) =	ssettag $0x1  }
0x1: {  	s0 =	rddreg [dreg:$0x0]  }
0x2: {  	s1 =	srdreg.scid;
	s10 =	stileid.u32  }
0x3: {  	s2 =	rddreg [dreg:$0x1];
	s1 =	sand.u32 $0x1, s1;
	s4 =	sshll.u32 s10, $0x1  }
0x4: {  	s3 =	rddreg [dreg:$0x2];
	s5 =	sor.u32 s1, s4;
	s4 =	simm.s32 $0x0  }
0x5: {  	s11 =	sadd.s32 $0x9C000, s2;
	[smem:$0x7FF] =	sst s4  }
0x6: {  	s24 =	sadd.s32 $0x27000, s3;
	_ =	strace $0x80000047;
	[dreg:$0x4] =	wrdreg s11  }
0x7: {  	s14 =	sadd.s32 $0x9C100, s2;
	[dreg:$0x5] =	wrdreg s24  }
0x8: {  	s15 =	sadd.s32 $0x9C140, s2;
	[dreg:$0xd] =	wrdreg s14  }
0x9: {  	s17 =	sadd.s32 $0x9C180, s2;
	[dreg:$0xe] =	wrdreg s15  }
0xa: {  	s28 =	simm.s32 $0x7D;
	s18 =	sadd.s32 $0x9C1C0, s2;
	[dreg:$0xf] =	wrdreg s17  }
0xb: {  	s29 =	simm.s32 $0x5000;
	s19 =	sadd.s32 $0x9C200, s2;
	[dreg:$0x10] =	wrdreg s18  }
0xc: {  	s30 =	simm.s32 $0x6F40;
	s20 =	sadd.s32 $0x9C240, s2;
	[dreg:$0x11] =	wrdreg s19  }
0xd: {  	s31 =	simm.s32 $0x8E80;
	s21 =	sadd.s32 $0x9C280, s2;
	[dreg:$0x12] =	wrdreg s20  }
0xe: {  	s13 =	smul.u32 $0x27000, s10;
	s22 =	sadd.s32 $0x9C2C0, s2;
	[dreg:$0x13] =	wrdreg s21  }
0xf: {  	s16 =	smul.u32 $0x9C00, s10;
	s11 =	sadd.s32 $0x9C0C0, s2;
	[dreg:$0x14] =	wrdreg s22  }
0x10: {  	p0 =	sne.s32 s10, $0xF;
	s14 =	sadd.s32 $0x27050, s3;
	[dreg:$0xc] =	wrdreg s11  }
0x11: {  	s7 =	ssub.s32 $0x2, s1;
	s15 =	sadd.s32 $0x27060, s3;
	[dreg:$0x1d] =	wrdreg s14  }
0x12: {  	s9 =	smul.u32 $0x138800, s1;
	s17 =	sadd.s32 $0x27080, s3;
	[dreg:$0x1e] =	wrdreg s15  }
0x13: {  	s5 =	smul.u32 $0x2800, s5;
	s18 =	sadd.s32 $0x27090, s3;
	[smem:$0x7F6] =	sst s17  }
0x14: {  	s23 =	sshrl.u32 s7, $0x1;
	s19 =	sadd.s32 $0x270A0, s3;
	[smem:$0x7F7] =	sst s18  }
0x15: {  	s20 =	sadd.s32 $0x270B0, s3;
	s21 =	sadd.s32 $0x270C0, s3;
	[smem:$0x7F8] =	sst s19  }
0x16: {  	s22 =	sadd.s32 $0x270D0, s3;
	s6 =	sshrl.u32 s5, $0x3;
	[smem:$0x7F9] =	sst s20  }
0x17: {  	s5 =	sadd.s32 $0x2A00, s0;
	s11 =	sadd.s32 $0x27030, s3;
	[smem:$0x7FA] =	sst s21  }
0x18: {  	[smem:$0x7FB] =	sst s22;
	s8 =	sadd.s32 s6, s0;
	s6 =	sadd.s32 $0x2A400, s0  }
0x19: {  	s0 =	ssub.s32 s7, s23;
	s23 =	sadd.s32 $0x9C300, s2;
	[dreg:$0x1b] =	wrdreg s11  }
0x1a: {  	s7 =	smul.u32 $0x270, s10;
	s10 =	sadd.s32 $0x27020, s3;
	[dreg:$0x15] =	wrdreg s23  }
0x1b: {  	s12 =	smul.u32 $0x2710, s1;
	s25 =	sadd.s32 $0x16400, s8;
	[dreg:$0x1a] =	wrdreg s10  }
0x1c: {  	s9 =	sshrl.u32 s9, $0x3;
	s8 =	sadd.s32 $0x20400, s8;
	[dreg:$0x6] =	wrdreg s25  }
0x1d: {  	s14 =	simm.s32 $0x4F80;
	s0 =	smax.u32 s0, $0x1;
	[dreg:$0x7] =	wrdreg s8  }
0x1e: {  	s26 =	sadd.s32 s6, s9;
	s9 =	sadd.s32 $0x9C080, s2;
	[dreg:$0x9] =	wrdreg s0  }
0x1f: {  	s15 =	simm.s32 $0x3;
	s23 =	sadd.s32 $0x270E0, s3;
	[dreg:$0xb] =	wrdreg s9  }
0x20: {  	s11 =	simm.s32 $0x4F00;
	s1 =	sadd.s32 $0x27000, s26;
	[smem:$0x7FC] =	sst s23  }
0x21: {  	s10 =	simm.s32 $0x4E80;
	s8 =	sadd.s32 $0x9C040, s2;
	[dreg:$0x8] =	wrdreg s1  }
0x22: {  	s0 =	sshrl.u32 s13, $0x2;
	s26 =	sadd.s32 $0x9C340, s2;
	[dreg:$0xa] =	wrdreg s8  }
0x23: {  	s9 =	sadd.s32 $0x27010, s3;
	s13 =	sadd.s32 $0x27040, s3;
	[dreg:$0x16] =	wrdreg s26  }
0x24: {  	s23 =	simm.s32 $0x4;
	s1 =	sshrl.u32 s16, $0x2;
	[dreg:$0x19] =	wrdreg s9  }
0x25: {  	s24 =	sadd.s32 s0, s2;
	s8 =	sadd.s32 $0x9C3C0, s2;
	[dreg:$0x1c] =	wrdreg s13  }
.Ltmp0:
0x26: {  	s16 =	sadd.s32 $0x27070, s3;
	s26 =	sadd.s32 $0x270F0, s3;
	(pc) =	sbr.rel .LBB2_1-.Ltmp0, $4  }
0x27: {  	s0 =	simm.s32 $0x1;
	s13 =	simm.s32 $0x10100;
	[dreg:$0x18] =	wrdreg s8  }
0x28: {  	s25 =	sadd.s32 s1, s3;
	s1 =	sadd.s32 $0x9C380, s2;
	[dreg:$0x1f] =	wrdreg s16  }
0x29: {  	v0 =	vimm.f32 $0.0e+00;
	vm0 =	vcmask $0x300;
	[smem:$0x7FD] =	sst s26;
	s26 =	simm.s32 $0xCD00;
	s8 =	simm.s32 $0x2  }
0x2a: {  	v1 =	vsel vm0, $0x3F800000, v0;
	s16 =	simm.s32 $0x0;
	[dreg:$0x17] =	wrdreg s1;
	s1 =	simm.s32 $0xADC0  }
.LBB2_25:
0x2b: {  	s16 =	sadd.s32 $0x1, s16;
	s9 =	rddreg [dreg:$0x9]  }
0x2c: {  	p1 =	sne.s32 s16, s9  }
.Ltmp1:
0x2d: {  	_ = 	snop;
	(pc) =	sbr.rel @!p1 .LBB2_26-.Ltmp1, $1  }
0x2e: {  	_ =	sdelay $0x3  }
.LBB2_1:
0x2f: {  	s18 =	simm.s32 $0x0;
	s17 =	simm.s32 $0x200  }
.LBB2_2:
0x30: {  	p1 =	sne.s32 s17, $0xCE00;
	[tilespmem:s18+$0xCD70] =	vst v0  }
0x31: {  	[tilespmem:s18+$0xCD00] =	vst v0  }
0x32: {  	[tilespmem:s18+$0xCD10] =	vst v0  }
.Ltmp2:
0x33: {  	[tilespmem:s18+$0xCD20] =	vst v0;
	(pc) =	sbr.rel @p1 .LBB2_2-.Ltmp2, $4  }
0x34: {  	[tilespmem:s18+$0xCD30] =	vst v0  }
0x35: {  	[tilespmem:s18+$0xCD40] =	vst v0  }
0x36: {  	[tilespmem:s18+$0xCD50] =	vst v0  }
0x37: {  	[tilespmem:s18+$0xCD60] =	vst v0;
	s18 =	sshra.s32 s17, $0x2;
	s17 =	sadd.s32 $0x200, s17  }
0x38: {  	[tilespmem:s18+$0xCD70] =	vst v0  }
0x39: {  	[tilespmem:s18+$0xCD00] =	vst v0  }
0x3a: {  	[tilespmem:s18+$0xCD10] =	vst v0  }
0x3b: {  	[tilespmem:s18+$0xCD20] =	vst v0  }
0x3c: {  	[tilespmem:s18+$0xCD30] =	vst v0  }
0x3d: {  	[tilespmem:s18+$0xCD40] =	vst v0  }
0x3e: {  	[tilespmem:s18+$0xCD50] =	vst v0  }
0x3f: {  	s17 =	simm.s32 $0x0;
	[tilespmem:s18+$0xCD60] =	vst v0;
	s18 =	simm.s32 $0x40;
	s19 =	simm.s32 $0x0  }
.LBB2_4:
0x40: {  	p1 =	sne.s32 s18, $0x1F00;
	[tilespmem:s19+$0x10100] =	vst v1;
	s19 =	smov.u32 s18;
	s18 =	sadd.s32 $0x40, s18  }
.Ltmp3:
0x41: {  	(pc) =	sbr.rel @p1 .LBB2_4-.Ltmp3, $2  }
0x42: {  	_ =	sdelay $0x2  }
0x43: {  	s19 =	sshra.s32 s19, $0x2  }
0x44: {  	[tilespmem:s19+$0x10100] =	vst v1;
	s18 =	smov.u32 s25;
	s19 =	smov.u32 s24  }
.LBB2_6:
0x45: {  	s20 =	simm.s32 $0xCD00;
	s21 =	sadd.s32 $0x0, s19  }
0x46: {  	[spmem:s21] =	stream.linear.scatter [tilespmem:s20], [sflag:$0x4], $0x40, $0x38;
	[tilespmem:$0x1CC20] =	vst v63  }
0x47: {  	s21 =	simm.s32 $0x100  }
.LBB2_7:
0x48: {  	p1 =	sne.s32 s21, $0x6700  }
.Ltmp4:
0x49: {  	_ = 	snop;
	(pc) =	sbr.rel @p1 .LBB2_7-.Ltmp4, $4  }
0x4a: {  	_ = 	snop  }
0x4b: {  	s22 =	sshra.s32 s21, $0x2;
	s21 =	sadd.s32 $0x100, s21  }
0x4c: {  	s20 =	sadd.s32 $0x80, s20;
	s22 =	sadd.s32 s22, s19  }
0x4d: {  	[spmem:s22] =	stream.linear.scatter [tilespmem:s20], [sflag:$0x4], $0x40, $0x38;
	[tilespmem:$0x1CC20] =	vst v63  }
0x4e: {  	_ =	swait.ge [sflag:s23], $0x1A00  }
0x4f: {  	[sflag:s23] =	ssyncset.done $0x0  }
0x50: {  	s20 =	simm.s32 $0xCD40;
	s21 =	sadd.s32 $0x0, s18;
	[sflag:s23] =	ssyncadd.s32 $0xFFFFE600  }
0x51: {  	[spmem:s21] =	stream.linear.scatter [tilespmem:s20], [sflag:$0x4], $0x10, $0x38;
	[tilespmem:$0x1CC20] =	vst v63  }
0x52: {  	s21 =	simm.s32 $0x40  }
.LBB2_9:
0x53: {  	p1 =	sne.s32 s21, $0x19C0  }
.Ltmp5:
0x54: {  	_ = 	snop;
	(pc) =	sbr.rel @p1 .LBB2_9-.Ltmp5, $4  }
0x55: {  	_ = 	snop  }
0x56: {  	s22 =	sshra.s32 s21, $0x2;
	s21 =	sadd.s32 $0x40, s21  }
0x57: {  	s20 =	sadd.s32 $0x80, s20;
	s22 =	sadd.s32 s22, s18  }
0x58: {  	[spmem:s22] =	stream.linear.scatter [tilespmem:s20], [sflag:$0x4], $0x10, $0x38;
	[tilespmem:$0x1CC20] =	vst v63  }
0x59: {  	s17 =	sadd.s32 $0x1, s17  }
0x5a: {  	p1 =	sne.s32 s17, $0x6  }
.Ltmp6:
0x5b: {  	_ = 	snop;
	(pc) =	sbr.rel @p1 .LBB2_6-.Ltmp6, $4  }
0x5c: {  	_ = 	snop  }
0x5d: {  	_ =	swait.ge [sflag:s23], $0x680  }
0x5e: {  	[sflag:s23] =	ssyncset.done $0x0  }
0x5f: {  	s19 =	sadd.s32 $0x1A00, s19;
	s18 =	sadd.s32 $0x680, s18;
	[sflag:s23] =	ssyncadd.s32 $0xFFFFF980  }
.Ltmp7:
0x60: {  	(pc) =	sbr.rel @p0 .LBB2_13-.Ltmp7, $1  }
0x61: {  	_ =	sdelay $0x3  }
0x62: {  	s9 =	rddreg [dreg:$0x4]  }
0x63: {  	[spmem:s9] =	stream.linear.scatter [tilespmem:s26], [sflag:$0x4], $0x40, $0x38;
	[tilespmem:$0x1CC20] =	vst v63  }
0x64: {  	s22 =	rddreg [dreg:$0xa];
	s17 =	simm.s32 $0xCD80  }
0x65: {  	[spmem:s22] =	stream.linear.scatter [tilespmem:s17], [sflag:$0x4], $0x40, $0x38;
	[tilespmem:$0x1CC20] =	vst v63  }
0x66: {  	s18 =	simm.s32 $0xCE00;
	s17 =	rddreg [dreg:$0xb]  }
0x67: {  	[spmem:s17] =	stream.linear.scatter [tilespmem:s18], [sflag:$0x4], $0x40, $0x38;
	[tilespmem:$0x1CC20] =	vst v63  }
0x68: {  	s19 =	rddreg [dreg:$0xc];
	s20 =	simm.s32 $0xCE80  }
0x69: {  	[spmem:s19] =	stream.linear.scatter [tilespmem:s20], [sflag:$0x4], $0x40, $0x38;
	[tilespmem:$0x1CC20] =	vst v63  }
0x6a: {  	s21 =	rddreg [dreg:$0xd];
	s22 =	simm.s32 $0xCF00  }
0x6b: {  	[spmem:s21] =	stream.linear.scatter [tilespmem:s22], [sflag:$0x4], $0x40, $0x38;
	[tilespmem:$0x1CC20] =	vst v63  }
0x6c: {  	s17 =	rddreg [dreg:$0xe];
	s18 =	simm.s32 $0xCF80  }
0x6d: {  	[spmem:s17] =	stream.linear.scatter [tilespmem:s18], [sflag:$0x4], $0x40, $0x38;
	[tilespmem:$0x1CC20] =	vst v63  }
0x6e: {  	s19 =	rddreg [dreg:$0xf];
	s20 =	simm.s32 $0xD000  }
0x6f: {  	[spmem:s19] =	stream.linear.scatter [tilespmem:s20], [sflag:$0x4], $0x40, $0x38;
	[tilespmem:$0x1CC20] =	vst v63  }
0x70: {  	s21 =	rddreg [dreg:$0x10];
	s22 =	simm.s32 $0xD080  }
0x71: {  	[spmem:s21] =	stream.linear.scatter [tilespmem:s22], [sflag:$0x4], $0x40, $0x38;
	[tilespmem:$0x1CC20] =	vst v63  }
0x72: {  	s17 =	rddreg [dreg:$0x11];
	s18 =	simm.s32 $0xD100  }
0x73: {  	[spmem:s17] =	stream.linear.scatter [tilespmem:s18], [sflag:$0x4], $0x40, $0x38;
	[tilespmem:$0x1CC20] =	vst v63  }
0x74: {  	s19 =	rddreg [dreg:$0x12];
	s20 =	simm.s32 $0xD180  }
0x75: {  	[spmem:s19] =	stream.linear.scatter [tilespmem:s20], [sflag:$0x4], $0x40, $0x38;
	[tilespmem:$0x1CC20] =	vst v63  }
0x76: {  	s21 =	rddreg [dreg:$0x13];
	s22 =	simm.s32 $0xD200  }
0x77: {  	[spmem:s21] =	stream.linear.scatter [tilespmem:s22], [sflag:$0x4], $0x40, $0x38;
	[tilespmem:$0x1CC20] =	vst v63  }
0x78: {  	s17 =	rddreg [dreg:$0x14];
	s18 =	simm.s32 $0xD280  }
0x79: {  	[spmem:s17] =	stream.linear.scatter [tilespmem:s18], [sflag:$0x4], $0x40, $0x38;
	[tilespmem:$0x1CC20] =	vst v63  }
0x7a: {  	s19 =	rddreg [dreg:$0x15];
	s20 =	simm.s32 $0xD300  }
0x7b: {  	[spmem:s19] =	stream.linear.scatter [tilespmem:s20], [sflag:$0x4], $0x40, $0x38;
	[tilespmem:$0x1CC20] =	vst v63  }
0x7c: {  	s21 =	rddreg [dreg:$0x16];
	s22 =	simm.s32 $0xD380  }
0x7d: {  	[spmem:s21] =	stream.linear.scatter [tilespmem:s22], [sflag:$0x4], $0x40, $0x38;
	[tilespmem:$0x1CC20] =	vst v63  }
0x7e: {  	s17 =	rddreg [dreg:$0x17];
	s18 =	simm.s32 $0xD400  }
0x7f: {  	[spmem:s17] =	stream.linear.scatter [tilespmem:s18], [sflag:$0x4], $0x40, $0x38;
	[tilespmem:$0x1CC20] =	vst v63  }
0x80: {  	s19 =	rddreg [dreg:$0x18];
	s20 =	simm.s32 $0xD480  }
0x81: {  	[spmem:s19] =	stream.linear.scatter [tilespmem:s20], [sflag:$0x4], $0x40, $0x38;
	[tilespmem:$0x1CC20] =	vst v63  }
0x82: {  	_ =	swait.ge [sflag:s23], $0x400  }
0x83: {  	[sflag:s23] =	ssyncset.done $0x0;
	s21 =	rddreg [dreg:$0x5]  }
0x84: {  	s22 =	simm.s32 $0xCD40;
	s17 =	rddreg [dreg:$0x19];
	[sflag:s23] =	ssyncadd.s32 $0xFFFFFC00  }
0x85: {  	[spmem:s21] =	stream.linear.scatter [tilespmem:s22], [sflag:$0x4], $0x10, $0x38;
	[tilespmem:$0x1CC20] =	vst v63  }
0x86: {  	s18 =	simm.s32 $0xCDC0;
	s19 =	rddreg [dreg:$0x1a]  }
0x87: {  	[spmem:s17] =	stream.linear.scatter [tilespmem:s18], [sflag:$0x4], $0x10, $0x38;
	[tilespmem:$0x1CC20] =	vst v63  }
0x88: {  	s20 =	simm.s32 $0xCE40;
	s21 =	rddreg [dreg:$0x1b]  }
0x89: {  	[spmem:s19] =	stream.linear.scatter [tilespmem:s20], [sflag:$0x4], $0x10, $0x38;
	[tilespmem:$0x1CC20] =	vst v63  }
0x8a: {  	s22 =	simm.s32 $0xCEC0;
	s17 =	rddreg [dreg:$0x1c]  }
0x8b: {  	[spmem:s21] =	stream.linear.scatter [tilespmem:s22], [sflag:$0x4], $0x10, $0x38;
	[tilespmem:$0x1CC20] =	vst v63  }
0x8c: {  	s18 =	simm.s32 $0xCF40;
	s19 =	rddreg [dreg:$0x1d]  }
0x8d: {  	[spmem:s17] =	stream.linear.scatter [tilespmem:s18], [sflag:$0x4], $0x10, $0x38;
	[tilespmem:$0x1CC20] =	vst v63  }
0x8e: {  	s20 =	simm.s32 $0xCFC0;
	s21 =	rddreg [dreg:$0x1e]  }
0x8f: {  	[spmem:s19] =	stream.linear.scatter [tilespmem:s20], [sflag:$0x4], $0x10, $0x38;
	[tilespmem:$0x1CC20] =	vst v63  }
0x90: {  	s22 =	simm.s32 $0xD040;
	s17 =	rddreg [dreg:$0x1f]  }
0x91: {  	[spmem:s21] =	stream.linear.scatter [tilespmem:s22], [sflag:$0x4], $0x10, $0x38;
	[tilespmem:$0x1CC20] =	vst v63  }
0x92: {  	s18 =	simm.s32 $0xD0C0;
	s19 =	sld [smem:$0x7F6]  }
0x93: {  	[spmem:s17] =	stream.linear.scatter [tilespmem:s18], [sflag:$0x4], $0x10, $0x38;
	[tilespmem:$0x1CC20] =	vst v63  }
0x94: {  	s20 =	simm.s32 $0xD140;
	s21 =	sld [smem:$0x7F7]  }
0x95: {  	[spmem:s19] =	stream.linear.scatter [tilespmem:s20], [sflag:$0x4], $0x10, $0x38;
	[tilespmem:$0x1CC20] =	vst v63  }
0x96: {  	s22 =	simm.s32 $0xD1C0;
	s17 =	sld [smem:$0x7F8]  }
0x97: {  	[spmem:s21] =	stream.linear.scatter [tilespmem:s22], [sflag:$0x4], $0x10, $0x38;
	[tilespmem:$0x1CC20] =	vst v63  }
0x98: {  	s18 =	simm.s32 $0xD240;
	s19 =	sld [smem:$0x7F9]  }
0x99: {  	[spmem:s17] =	stream.linear.scatter [tilespmem:s18], [sflag:$0x4], $0x10, $0x38;
	[tilespmem:$0x1CC20] =	vst v63  }
0x9a: {  	s20 =	simm.s32 $0xD2C0;
	s21 =	sld [smem:$0x7FA]  }
0x9b: {  	[spmem:s19] =	stream.linear.scatter [tilespmem:s20], [sflag:$0x4], $0x10, $0x38;
	[tilespmem:$0x1CC20] =	vst v63  }
0x9c: {  	s22 =	simm.s32 $0xD340;
	s17 =	sld [smem:$0x7FB]  }
0x9d: {  	[spmem:s21] =	stream.linear.scatter [tilespmem:s22], [sflag:$0x4], $0x10, $0x38;
	[tilespmem:$0x1CC20] =	vst v63  }
0x9e: {  	s18 =	simm.s32 $0xD3C0;
	s19 =	sld [smem:$0x7FC]  }
0x9f: {  	[spmem:s17] =	stream.linear.scatter [tilespmem:s18], [sflag:$0x4], $0x10, $0x38;
	[tilespmem:$0x1CC20] =	vst v63  }
0xa0: {  	s20 =	simm.s32 $0xD440;
	s21 =	sld [smem:$0x7FD]  }
0xa1: {  	[spmem:s19] =	stream.linear.scatter [tilespmem:s20], [sflag:$0x4], $0x10, $0x38;
	[tilespmem:$0x1CC20] =	vst v63  }
0xa2: {  	s22 =	simm.s32 $0xD4C0  }
0xa3: {  	[spmem:s21] =	stream.linear.scatter [tilespmem:s22], [sflag:$0x4], $0x10, $0x38;
	[tilespmem:$0x1CC20] =	vst v63  }
0xa4: {  	_ =	swait.ge [sflag:s23], $0x100  }
0xa5: {  	[sflag:s23] =	ssyncset.done $0x0  }
0xa6: {  	[sflag:s23] =	ssyncadd.s32 $0xFFFFFF00  }
.LBB2_13:
0xa7: {  	[bflag:$0x0] =	sbarrier.arrive $0xFFFF  }
0xa8: {  	s17 =	simm.s32 $0x0;
	s9 =	rddreg [dreg:$0x6]  }
0xa9: {  	[tilespmem:s17], [sflag:$0x4] =	stream.linear.gather [hbm4b:s9+s17], $0x2800, $0x38;
	[tilespmem:$0x1CC20] =	vst v63  }
0xaa: {  	_ =	swait.ge [sflag:s23], $0x2800  }
0xab: {  	[sflag:s23] =	ssyncset.done $0x0  }
0xac: {  	s18 =	simm.s32 $0x2800;
	s20 =	rddreg [dreg:$0x7];
	[sflag:s23] =	ssyncadd.s32 $0xFFFFD800  }
0xad: {  	[tilespmem:s18], [sflag:$0x4] =	stream.linear.gather [hbm4b:s20+s17], $0x2800, $0x38;
	[tilespmem:$0x1CC20] =	vst v63  }
0xae: {  	_ =	swait.ge [sflag:s23], $0x2800  }
0xaf: {  	[sflag:s23] =	ssyncset.done $0x0  }
0xb0: {  	[sflag:s23] =	ssyncadd.s32 $0xFFFFD800  }
0xb1: {  	[tilespmem:s29], [sflag:$0x1] =	stream.indirect.gather [hbm4b:s5+s28], $0x40, s17, s28, $0xb8;
	[tilespmem:$0x1CC20] =	vst v63  }
0xb2: {  	s21 =	simm.s32 $0x80  }
0xb3: {  	[tilespmem:s30], [sflag:$0x1] =	stream.indirect.gather [hbm4b:s5+s28], $0x40, s21, s28, $0xb8;
	[tilespmem:$0x1CC20] =	vst v63  }
0xb4: {  	s22 =	simm.s32 $0x100  }
0xb5: {  	[tilespmem:s31], [sflag:$0x2] =	stream.indirect.gather [hbm4b:s5+s28], $0x40, s22, s28, $0xb8;
	[tilespmem:$0x1CC20] =	vst v63  }
0xb6: {  	s9 =	simm.s32 $0x180  }
0xb7: {  	[tilespmem:s1], [sflag:$0x2] =	stream.indirect.gather [hbm4b:s5+s28], $0x40, s9, s28, $0xb8;
	[tilespmem:$0x1CC20] =	vst v63  }
0xb8: {  	_ =	swait.ge [sflag:s0], $0x1F40  }
0xb9: {  	[sflag:s0] =	ssyncset.done $0x0  }
0xba: {  	s18 =	simm.s32 $0x2800;
	[sflag:s0] =	ssyncadd.s32 $0xFFFFE0C0  }
0xbb: {  	[spmem:s2] =	stream.indirect.scatter.add.f32 [tilespmem:s29], [sflag:$0x4], $0x40, s18, s28, $0xb8;
	[tilespmem:$0x1CC20] =	vst v63  }
0xbc: {  	_ =	swait.ge [sflag:s23], $0x1F40  }
0xbd: {  	[sflag:s23] =	ssyncset.done $0x0  }
0xbe: {  	[sflag:s23] =	ssyncadd.s32 $0xFFFFE0C0  }
0xbf: {  	[spmem:s3] =	stream.indirect.scatter.add.f32 [tilespmem:s13], [sflag:$0x3], $0x10, s18, s28, $0xb8;
	[tilespmem:$0x1CC20] =	vst v63  }
0xc0: {  	_ =	swait.ge [sflag:s0], $0x1F40  }
0xc1: {  	[sflag:s0] =	ssyncset.done $0x0  }
0xc2: {  	s19 =	simm.s32 $0x2880;
	[sflag:s0] =	ssyncadd.s32 $0xFFFFE0C0  }
0xc3: {  	[spmem:s2] =	stream.indirect.scatter.add.f32 [tilespmem:s30], [sflag:$0x4], $0x40, s19, s28, $0xb8;
	[tilespmem:$0x1CC20] =	vst v63  }
0xc4: {  	_ =	swait.ge [sflag:s23], $0x1F40  }
0xc5: {  	[sflag:s23] =	ssyncset.done $0x0  }
0xc6: {  	[sflag:s23] =	ssyncadd.s32 $0xFFFFE0C0  }
0xc7: {  	[spmem:s3] =	stream.indirect.scatter.add.f32 [tilespmem:s13], [sflag:$0x3], $0x10, s19, s28, $0xb8;
	[tilespmem:$0x1CC20] =	vst v63  }
0xc8: {  	s20 =	simm.s32 $0x200  }
0xc9: {  	[tilespmem:s29], [sflag:$0x1] =	stream.indirect.gather [hbm4b:s5+s28], $0x40, s20, s28, $0xb8;
	[tilespmem:$0x1CC20] =	vst v63  }
0xca: {  	s21 =	simm.s32 $0x280  }
0xcb: {  	[tilespmem:s30], [sflag:$0x1] =	stream.indirect.gather [hbm4b:s5+s28], $0x40, s21, s28, $0xb8;
	[tilespmem:$0x1CC20] =	vst v63  }
0xcc: {  	_ =	swait.ge [sflag:s8], $0x1F40  }
0xcd: {  	[sflag:s8] =	ssyncset.done $0x0  }
0xce: {  	s22 =	simm.s32 $0x2900;
	[sflag:s8] =	ssyncadd.s32 $0xFFFFE0C0  }
0xcf: {  	[spmem:s2] =	stream.indirect.scatter.add.f32 [tilespmem:s31], [sflag:$0x4], $0x40, s22, s28, $0xb8;
	[tilespmem:$0x1CC20] =	vst v63  }
0xd0: {  	_ =	swait.ge [sflag:s23], $0x1F40  }
0xd1: {  	[sflag:s23] =	ssyncset.done $0x0  }
0xd2: {  	[sflag:s23] =	ssyncadd.s32 $0xFFFFE0C0  }
0xd3: {  	[spmem:s3] =	stream.indirect.scatter.add.f32 [tilespmem:s13], [sflag:$0x3], $0x10, s22, s28, $0xb8;
	[tilespmem:$0x1CC20] =	vst v63  }
0xd4: {  	_ =	swait.ge [sflag:s8], $0x1F40  }
0xd5: {  	[sflag:s8] =	ssyncset.done $0x0  }
0xd6: {  	s20 =	simm.s32 $0x2980;
	[sflag:s8] =	ssyncadd.s32 $0xFFFFE0C0  }
0xd7: {  	[spmem:s2] =	stream.indirect.scatter.add.f32 [tilespmem:s1], [sflag:$0x4], $0x40, s20, s28, $0xb8;
	[tilespmem:$0x1CC20] =	vst v63  }
0xd8: {  	_ =	swait.ge [sflag:s23], $0x1F40  }
0xd9: {  	[sflag:s23] =	ssyncset.done $0x0  }
0xda: {  	s17 =	simm.s32 $0x200;
	s21 =	simm.s32 $0x1000;
	[sflag:s23] =	ssyncadd.s32 $0xFFFFE0C0  }
.LBB2_14:
0xdb: {  	[spmem:s3] =	stream.indirect.scatter.add.f32 [tilespmem:s13], [sflag:$0x3], $0x10, s20, s28, $0xb8;
	[tilespmem:$0x1CC20] =	vst v63  }
0xdc: {  	s18 =	smov.u32 s21  }
0xdd: {  	s20 =	sadd.s32 $0x100, s17;
	s19 =	sshra.s32 s18, $0x2;
	s18 =	sadd.s32 $0x800, s21  }
0xde: {  	[tilespmem:s31], [sflag:$0x2] =	stream.indirect.gather [hbm4b:s5+s28], $0x40, s20, s28, $0xb8;
	[tilespmem:$0x1CC20] =	vst v63  }
0xdf: {  	p1 =	sne.s32 s21, $0x9000;
	s20 =	sadd.s32 $0x180, s17  }
0xe0: {  	[tilespmem:s1], [sflag:$0x2] =	stream.indirect.gather [hbm4b:s5+s28], $0x40, s20, s28, $0xb8;
	[tilespmem:$0x1CC20] =	vst v63  }
0xe1: {  	_ =	swait.ge [sflag:s0], $0x1F40  }
0xe2: {  	[sflag:s0] =	ssyncset.done $0x0  }
0xe3: {  	s20 =	sadd.s32 $0x2800, s17;
	[sflag:s0] =	ssyncadd.s32 $0xFFFFE0C0  }
0xe4: {  	[spmem:s2] =	stream.indirect.scatter.add.f32 [tilespmem:s29], [sflag:$0x4], $0x40, s20, s28, $0xb8;
	[tilespmem:$0x1CC20] =	vst v63  }
0xe5: {  	_ =	swait.ge [sflag:s23], $0x1F40  }
0xe6: {  	[sflag:s23] =	ssyncset.done $0x0  }
0xe7: {  	[sflag:s23] =	ssyncadd.s32 $0xFFFFE0C0  }
0xe8: {  	[spmem:s3] =	stream.indirect.scatter.add.f32 [tilespmem:s13], [sflag:$0x3], $0x10, s20, s28, $0xb8;
	[tilespmem:$0x1CC20] =	vst v63  }
0xe9: {  	_ =	swait.ge [sflag:s0], $0x1F40  }
0xea: {  	[sflag:s0] =	ssyncset.done $0x0  }
0xeb: {  	s20 =	sadd.s32 $0x2880, s17;
	[sflag:s0] =	ssyncadd.s32 $0xFFFFE0C0  }
0xec: {  	[spmem:s2] =	stream.indirect.scatter.add.f32 [tilespmem:s30], [sflag:$0x4], $0x40, s20, s28, $0xb8;
	[tilespmem:$0x1CC20] =	vst v63  }
0xed: {  	_ =	swait.ge [sflag:s23], $0x1F40  }
0xee: {  	[sflag:s23] =	ssyncset.done $0x0  }
0xef: {  	[sflag:s23] =	ssyncadd.s32 $0xFFFFE0C0  }
0xf0: {  	[spmem:s3] =	stream.indirect.scatter.add.f32 [tilespmem:s13], [sflag:$0x3], $0x10, s20, s28, $0xb8;
	[tilespmem:$0x1CC20] =	vst v63  }
0xf1: {  	s20 =	sadd.s32 $0x200, s17  }
0xf2: {  	[tilespmem:s29], [sflag:$0x1] =	stream.indirect.gather [hbm4b:s5+s28], $0x40, s20, s28, $0xb8;
	[tilespmem:$0x1CC20] =	vst v63  }
0xf3: {  	s20 =	sadd.s32 $0x280, s17  }
0xf4: {  	[tilespmem:s30], [sflag:$0x1] =	stream.indirect.gather [hbm4b:s5+s28], $0x40, s20, s28, $0xb8;
	[tilespmem:$0x1CC20] =	vst v63  }
0xf5: {  	_ =	swait.ge [sflag:s8], $0x1F40  }
0xf6: {  	[sflag:s8] =	ssyncset.done $0x0  }
0xf7: {  	s20 =	sadd.s32 $0x2900, s17;
	[sflag:s8] =	ssyncadd.s32 $0xFFFFE0C0  }
0xf8: {  	[spmem:s2] =	stream.indirect.scatter.add.f32 [tilespmem:s31], [sflag:$0x4], $0x40, s20, s28, $0xb8;
	[tilespmem:$0x1CC20] =	vst v63  }
0xf9: {  	_ =	swait.ge [sflag:s23], $0x1F40  }
0xfa: {  	[sflag:s23] =	ssyncset.done $0x0  }
0xfb: {  	[sflag:s23] =	ssyncadd.s32 $0xFFFFE0C0  }
0xfc: {  	[spmem:s3] =	stream.indirect.scatter.add.f32 [tilespmem:s13], [sflag:$0x3], $0x10, s20, s28, $0xb8;
	[tilespmem:$0x1CC20] =	vst v63  }
0xfd: {  	_ =	swait.ge [sflag:s8], $0x1F40  }
0xfe: {  	[sflag:s8] =	ssyncset.done $0x0  }
.Ltmp8:
0xff: {  	s20 =	sadd.s32 $0x2980, s17;
	[sflag:s8] =	ssyncadd.s32 $0xFFFFE0C0;
	(pc) =	sbr.rel @p1 .LBB2_14-.Ltmp8, $4  }
0x100: {  	[spmem:s2] =	stream.indirect.scatter.add.f32 [tilespmem:s1], [sflag:$0x4], $0x40, s20, s28, $0xb8;
	[tilespmem:$0x1CC20] =	vst v63  }
0x101: {  	s17 =	smov.u32 s19;
	_ =	swait.ge [sflag:s23], $0x1F40  }
0x102: {  	[sflag:s23] =	ssyncset.done $0x0  }
0x103: {  	s21 =	smov.u32 s18;
	[sflag:s23] =	ssyncadd.s32 $0xFFFFE0C0  }
0x104: {  	[spmem:s3] =	stream.indirect.scatter.add.f32 [tilespmem:s13], [sflag:$0x3], $0x10, s20, s28, $0xb8;
	[tilespmem:$0x1CC20] =	vst v63  }
0x105: {  	s18 =	sadd.s32 $0x100, s17  }
0x106: {  	[tilespmem:s31], [sflag:$0x2] =	stream.indirect.gather [hbm4b:s5+s28], $0x40, s18, s28, $0xb8;
	[tilespmem:$0x1CC20] =	vst v63  }
0x107: {  	s19 =	sadd.s32 $0x180, s17  }
0x108: {  	[tilespmem:s1], [sflag:$0x2] =	stream.indirect.gather [hbm4b:s5+s28], $0x40, s19, s28, $0xb8;
	[tilespmem:$0x1CC20] =	vst v63  }
0x109: {  	_ =	swait.ge [sflag:s0], $0x1F40  }
0x10a: {  	[sflag:s0] =	ssyncset.done $0x0  }
0x10b: {  	s20 =	sadd.s32 $0x2800, s17;
	[sflag:s0] =	ssyncadd.s32 $0xFFFFE0C0  }
0x10c: {  	[spmem:s2] =	stream.indirect.scatter.add.f32 [tilespmem:s29], [sflag:$0x4], $0x40, s20, s28, $0xb8;
	[tilespmem:$0x1CC20] =	vst v63  }
0x10d: {  	_ =	swait.ge [sflag:s23], $0x1F40  }
0x10e: {  	[sflag:s23] =	ssyncset.done $0x0  }
0x10f: {  	[sflag:s23] =	ssyncadd.s32 $0xFFFFE0C0  }
0x110: {  	[spmem:s3] =	stream.indirect.scatter.add.f32 [tilespmem:s13], [sflag:$0x3], $0x10, s20, s28, $0xb8;
	[tilespmem:$0x1CC20] =	vst v63  }
0x111: {  	_ =	swait.ge [sflag:s0], $0x1F40  }
0x112: {  	[sflag:s0] =	ssyncset.done $0x0  }
0x113: {  	s21 =	sadd.s32 $0x2880, s17;
	[sflag:s0] =	ssyncadd.s32 $0xFFFFE0C0  }
0x114: {  	[spmem:s2] =	stream.indirect.scatter.add.f32 [tilespmem:s30], [sflag:$0x4], $0x40, s21, s28, $0xb8;
	[tilespmem:$0x1CC20] =	vst v63  }
0x115: {  	_ =	swait.ge [sflag:s23], $0x1F40  }
0x116: {  	[sflag:s23] =	ssyncset.done $0x0  }
0x117: {  	[sflag:s23] =	ssyncadd.s32 $0xFFFFE0C0  }
0x118: {  	[spmem:s3] =	stream.indirect.scatter.add.f32 [tilespmem:s13], [sflag:$0x3], $0x10, s21, s28, $0xb8;
	[tilespmem:$0x1CC20] =	vst v63  }
0x119: {  	s22 =	sadd.s32 $0x200, s17  }
0x11a: {  	[tilespmem:s29], [sflag:$0x1] =	stream.indirect.gather [hbm4b:s5+s28], $0x40, s22, s28, $0xb8;
	[tilespmem:$0x1CC20] =	vst v63  }
0x11b: {  	s9 =	sadd.s32 $0x280, s17  }
0x11c: {  	[tilespmem:s30], [sflag:$0x1] =	stream.indirect.gather [hbm4b:s5+s28], $0x40, s9, s28, $0xb8;
	[tilespmem:$0x1CC20] =	vst v63  }
0x11d: {  	_ =	swait.ge [sflag:s8], $0x1F40  }
0x11e: {  	[sflag:s8] =	ssyncset.done $0x0  }
0x11f: {  	s19 =	sadd.s32 $0x2900, s17;
	[sflag:s8] =	ssyncadd.s32 $0xFFFFE0C0  }
0x120: {  	[spmem:s2] =	stream.indirect.scatter.add.f32 [tilespmem:s31], [sflag:$0x4], $0x40, s19, s28, $0xb8;
	[tilespmem:$0x1CC20] =	vst v63  }
0x121: {  	_ =	swait.ge [sflag:s23], $0x1F40  }
0x122: {  	[sflag:s23] =	ssyncset.done $0x0  }
0x123: {  	[sflag:s23] =	ssyncadd.s32 $0xFFFFE0C0  }
0x124: {  	[spmem:s3] =	stream.indirect.scatter.add.f32 [tilespmem:s13], [sflag:$0x3], $0x10, s19, s28, $0xb8;
	[tilespmem:$0x1CC20] =	vst v63  }
0x125: {  	_ =	swait.ge [sflag:s8], $0x1F40  }
0x126: {  	[sflag:s8] =	ssyncset.done $0x0  }
0x127: {  	s20 =	sadd.s32 $0x2980, s17;
	[sflag:s8] =	ssyncadd.s32 $0xFFFFE0C0  }
0x128: {  	[spmem:s2] =	stream.indirect.scatter.add.f32 [tilespmem:s1], [sflag:$0x4], $0x40, s20, s28, $0xb8;
	[tilespmem:$0x1CC20] =	vst v63  }
0x129: {  	_ =	swait.ge [sflag:s23], $0x1F40  }
0x12a: {  	[sflag:s23] =	ssyncset.done $0x0  }
0x12b: {  	[sflag:s23] =	ssyncadd.s32 $0xFFFFE0C0  }
0x12c: {  	[spmem:s3] =	stream.indirect.scatter.add.f32 [tilespmem:s13], [sflag:$0x3], $0x10, s20, s28, $0xb8;
	[tilespmem:$0x1CC20] =	vst v63  }
0x12d: {  	s9 =	simm.s32 $0x2700  }
0x12e: {  	[tilespmem:s31], [sflag:$0x2] =	stream.indirect.gather [hbm4b:s5+s28], $0x40, s9, s28, $0xb8;
	[tilespmem:$0x1CC20] =	vst v63  }
0x12f: {  	s21 =	simm.s32 $0x2780  }
0x130: {  	[tilespmem:s1], [sflag:$0x2] =	stream.indirect.gather [hbm4b:s5+s28], $0x40, s21, s28, $0xb8;
	[tilespmem:$0x1CC20] =	vst v63  }
0x131: {  	_ =	swait.ge [sflag:s0], $0x1F40  }
0x132: {  	[sflag:s0] =	ssyncset.done $0x0  }
0x133: {  	s22 =	simm.s32 $0x4E00;
	[sflag:s0] =	ssyncadd.s32 $0xFFFFE0C0  }
0x134: {  	[spmem:s2] =	stream.indirect.scatter.add.f32 [tilespmem:s29], [sflag:$0x4], $0x40, s22, s28, $0xb8;
	[tilespmem:$0x1CC20] =	vst v63  }
0x135: {  	_ =	swait.ge [sflag:s23], $0x1F40  }
0x136: {  	[sflag:s23] =	ssyncset.done $0x0  }
0x137: {  	[sflag:s23] =	ssyncadd.s32 $0xFFFFE0C0  }
0x138: {  	[spmem:s3] =	stream.indirect.scatter.add.f32 [tilespmem:s13], [sflag:$0x3], $0x10, s22, s28, $0xb8;
	[tilespmem:$0x1CC20] =	vst v63  }
0x139: {  	_ =	swait.ge [sflag:s0], $0x1F40  }
0x13a: {  	[sflag:s0] =	ssyncset.done $0x0  }
0x13b: {  	[sflag:s0] =	ssyncadd.s32 $0xFFFFE0C0  }
0x13c: {  	[spmem:s2] =	stream.indirect.scatter.add.f32 [tilespmem:s30], [sflag:$0x4], $0x40, s10, s28, $0xb8;
	[tilespmem:$0x1CC20] =	vst v63  }
0x13d: {  	_ =	swait.ge [sflag:s23], $0x1F40  }
0x13e: {  	[sflag:s23] =	ssyncset.done $0x0  }
0x13f: {  	[sflag:s23] =	ssyncadd.s32 $0xFFFFE0C0  }
0x140: {  	[spmem:s3] =	stream.indirect.scatter.add.f32 [tilespmem:s13], [sflag:$0x3], $0x10, s10, s28, $0xb8;
	[tilespmem:$0x1CC20] =	vst v63  }
0x141: {  	_ =	swait.ge [sflag:s8], $0x1F40  }
0x142: {  	[sflag:s8] =	ssyncset.done $0x0  }
0x143: {  	[sflag:s8] =	ssyncadd.s32 $0xFFFFE0C0  }
0x144: {  	[spmem:s2] =	stream.indirect.scatter.add.f32 [tilespmem:s31], [sflag:$0x4], $0x40, s11, s28, $0xb8;
	[tilespmem:$0x1CC20] =	vst v63  }
0x145: {  	_ =	swait.ge [sflag:s23], $0x1F40  }
0x146: {  	[sflag:s23] =	ssyncset.done $0x0  }
0x147: {  	[sflag:s23] =	ssyncadd.s32 $0xFFFFE0C0  }
0x148: {  	[spmem:s3] =	stream.indirect.scatter.add.f32 [tilespmem:s13], [sflag:$0x3], $0x10, s11, s28, $0xb8;
	[tilespmem:$0x1CC20] =	vst v63  }
0x149: {  	_ =	swait.ge [sflag:s8], $0x1F40  }
0x14a: {  	[sflag:s8] =	ssyncset.done $0x0  }
0x14b: {  	[sflag:s8] =	ssyncadd.s32 $0xFFFFE0C0  }
0x14c: {  	[spmem:s2] =	stream.indirect.scatter.add.f32 [tilespmem:s1], [sflag:$0x4], $0x40, s14, s28, $0xb8;
	[tilespmem:$0x1CC20] =	vst v63  }
0x14d: {  	_ =	swait.ge [sflag:s23], $0x1F40  }
0x14e: {  	[sflag:s23] =	ssyncset.done $0x0  }
0x14f: {  	[sflag:s23] =	ssyncadd.s32 $0xFFFFE0C0  }
0x150: {  	[spmem:s3] =	stream.indirect.scatter.add.f32 [tilespmem:s13], [sflag:$0x3], $0x10, s14, s28, $0xb8;
	[tilespmem:$0x1CC20] =	vst v63  }
0x151: {  	_ =	swait.ge [sflag:s15], $0x7D0  }
0x152: {  	s17 =	simm.s32 $0x4F;
	[sflag:s15] =	ssyncset.done $0x0  }
.LBB2_16:
0x153: {  	p1 =	sne.s32 s17, $0x1;
	s17 =	sadd.s32 $0xFFFFFFFF, s17;
	[sflag:s15] =	ssyncadd.s32 $0xFFFFF830  }
.Ltmp9:
0x154: {  	(pc) =	sbr.rel @p1 .LBB2_16-.Ltmp9, $3  }
0x155: {  	_ =	sdelay $0x1  }
0x156: {  	_ =	swait.ge [sflag:s15], $0x7D0  }
0x157: {  	[sflag:s15] =	ssyncset.done $0x0  }
0x158: {  	[sflag:s15] =	ssyncadd.s32 $0xFFFFF830;
	s17 =	simm.s32 $0x0  }
0x159: {  	s18 =	smov.u32 s25;
	s19 =	smov.u32 s24;
	[bflag:$0x0] =	sbarrier.arrive $0xFFFF  }
.LBB2_18:
0x15a: {  	s20 =	smul.u32 $0x68, s17;
	s21 =	simm.s32 $0xCD00;
	s22 =	sadd.s32 $0x0, s19  }
0x15b: {  	[tilespmem:s21], [sflag:$0x4] =	stream.linear.gather [spmem:s22], $0x40, $0x38;
	[tilespmem:$0x1CC20] =	vst v63  }
0x15c: {  	s22 =	simm.s32 $0x100;
	s20 =	sadd.s32 s7, s20  }
.LBB2_19:
0x15d: {  	p1 =	sne.s32 s22, $0x6700  }
.Ltmp10:
0x15e: {  	_ = 	snop;
	(pc) =	sbr.rel @p1 .LBB2_19-.Ltmp10, $4  }
0x15f: {  	_ = 	snop  }
0x160: {  	s9 =	sshra.s32 s22, $0x2;
	s22 =	sadd.s32 $0x100, s22  }
0x161: {  	s21 =	sadd.s32 $0x80, s21;
	s9 =	sadd.s32 s9, s19  }
0x162: {  	[tilespmem:s21], [sflag:$0x4] =	stream.linear.gather [spmem:s9], $0x40, $0x38;
	[tilespmem:$0x1CC20] =	vst v63  }
0x163: {  	_ =	swait.ge [sflag:s23], $0x1A00  }
0x164: {  	s21 =	simm.s32 $0xCD40;
	[sflag:s23] =	ssyncset.done $0x0  }
0x165: {  	s9 =	sadd.s32 $0x0, s18;
	s22 =	simm.s32 $0x40;
	[sflag:s23] =	ssyncadd.s32 $0xFFFFE600  }
0x166: {  	[tilespmem:s21], [sflag:$0x4] =	stream.linear.gather [spmem:s9], $0x10, $0x38;
	[tilespmem:$0x1CC20] =	vst v63  }
.LBB2_21:
0x167: {  	p1 =	sne.s32 s22, $0x19C0  }
.Ltmp11:
0x168: {  	_ = 	snop;
	(pc) =	sbr.rel @p1 .LBB2_21-.Ltmp11, $4  }
0x169: {  	_ = 	snop  }
0x16a: {  	s9 =	sshra.s32 s22, $0x2;
	s22 =	sadd.s32 $0x40, s22  }
0x16b: {  	s21 =	sadd.s32 $0x80, s21;
	s9 =	sadd.s32 s9, s18  }
0x16c: {  	[tilespmem:s21], [sflag:$0x4] =	stream.linear.gather [spmem:s9], $0x10, $0x38;
	[tilespmem:$0x1CC20] =	vst v63  }
0x16d: {  	_ =	swait.ge [sflag:s23], $0x680;
	s9 =	sadd.s32 s12, s20;
	s17 =	sadd.s32 $0x1, s17  }
0x16e: {  	[sflag:s23] =	ssyncset.done $0x0;
	s9 =	sshll.u32 s9, $0x4;
	p1 =	sne.s32 s17, $0x6  }
.Ltmp12:
0x16f: {  	[sflag:s23] =	ssyncadd.s32 $0xFFFFF980;
	s9 =	sadd.s32 s6, s9;
	(pc) =	sbr.rel @p1 .LBB2_18-.Ltmp12, $4  }
0x170: {  	[hbm4b:s9+s4] =	stream.linear.scatter [tilespmem:s26], [sflag:$0x4], $0x3400, $0x38;
	[tilespmem:$0x1CC20] =	vst v63  }
0x171: {  	_ =	swait.ge [sflag:s23], $0x3400  }
0x172: {  	[sflag:s23] =	ssyncset.done $0x0  }
0x173: {  	s19 =	sadd.s32 $0x1A00, s19;
	s18 =	sadd.s32 $0x680, s18;
	[sflag:s23] =	ssyncadd.s32 $0xFFFFCC00  }
.Ltmp13:
0x174: {  	(pc) =	sbr.rel @p0 .LBB2_25-.Ltmp13, $1  }
0x175: {  	_ =	sdelay $0x3  }
0x176: {  	s9 =	rddreg [dreg:$0x4]  }
0x177: {  	[tilespmem:s26], [sflag:$0x4] =	stream.linear.gather [spmem:s9], $0x40, $0x38;
	[tilespmem:$0x1CC20] =	vst v63  }
0x178: {  	s20 =	rddreg [dreg:$0xa];
	s17 =	simm.s32 $0xCD80  }
0x179: {  	[tilespmem:s17], [sflag:$0x4] =	stream.linear.gather [spmem:s20], $0x40, $0x38;
	[tilespmem:$0x1CC20] =	vst v63  }
0x17a: {  	s21 =	rddreg [dreg:$0xb];
	s22 =	simm.s32 $0xCE00  }
0x17b: {  	[tilespmem:s22], [sflag:$0x4] =	stream.linear.gather [spmem:s21], $0x40, $0x38;
	[tilespmem:$0x1CC20] =	vst v63  }
0x17c: {  	s18 =	simm.s32 $0xCE80;
	s17 =	rddreg [dreg:$0xc]  }
0x17d: {  	[tilespmem:s18], [sflag:$0x4] =	stream.linear.gather [spmem:s17], $0x40, $0x38;
	[tilespmem:$0x1CC20] =	vst v63  }
0x17e: {  	s19 =	rddreg [dreg:$0xd];
	s20 =	simm.s32 $0xCF00  }
0x17f: {  	[tilespmem:s20], [sflag:$0x4] =	stream.linear.gather [spmem:s19], $0x40, $0x38;
	[tilespmem:$0x1CC20] =	vst v63  }
0x180: {  	s21 =	rddreg [dreg:$0xe];
	s22 =	simm.s32 $0xCF80  }
0x181: {  	[tilespmem:s22], [sflag:$0x4] =	stream.linear.gather [spmem:s21], $0x40, $0x38;
	[tilespmem:$0x1CC20] =	vst v63  }
0x182: {  	s17 =	rddreg [dreg:$0xf];
	s18 =	simm.s32 $0xD000  }
0x183: {  	[tilespmem:s18], [sflag:$0x4] =	stream.linear.gather [spmem:s17], $0x40, $0x38;
	[tilespmem:$0x1CC20] =	vst v63  }
0x184: {  	s19 =	rddreg [dreg:$0x10];
	s20 =	simm.s32 $0xD080  }
0x185: {  	[tilespmem:s20], [sflag:$0x4] =	stream.linear.gather [spmem:s19], $0x40, $0x38;
	[tilespmem:$0x1CC20] =	vst v63  }
0x186: {  	s21 =	rddreg [dreg:$0x11];
	s22 =	simm.s32 $0xD100  }
0x187: {  	[tilespmem:s22], [sflag:$0x4] =	stream.linear.gather [spmem:s21], $0x40, $0x38;
	[tilespmem:$0x1CC20] =	vst v63  }
0x188: {  	s17 =	rddreg [dreg:$0x12];
	s18 =	simm.s32 $0xD180  }
0x189: {  	[tilespmem:s18], [sflag:$0x4] =	stream.linear.gather [spmem:s17], $0x40, $0x38;
	[tilespmem:$0x1CC20] =	vst v63  }
0x18a: {  	s19 =	rddreg [dreg:$0x13];
	s20 =	simm.s32 $0xD200  }
0x18b: {  	[tilespmem:s20], [sflag:$0x4] =	stream.linear.gather [spmem:s19], $0x40, $0x38;
	[tilespmem:$0x1CC20] =	vst v63  }
0x18c: {  	s21 =	rddreg [dreg:$0x14];
	s22 =	simm.s32 $0xD280  }
0x18d: {  	[tilespmem:s22], [sflag:$0x4] =	stream.linear.gather [spmem:s21], $0x40, $0x38;
	[tilespmem:$0x1CC20] =	vst v63  }
0x18e: {  	s17 =	rddreg [dreg:$0x15];
	s18 =	simm.s32 $0xD300  }
0x18f: {  	[tilespmem:s18], [sflag:$0x4] =	stream.linear.gather [spmem:s17], $0x40, $0x38;
	[tilespmem:$0x1CC20] =	vst v63  }
0x190: {  	s19 =	rddreg [dreg:$0x16];
	s20 =	simm.s32 $0xD380  }
0x191: {  	[tilespmem:s20], [sflag:$0x4] =	stream.linear.gather [spmem:s19], $0x40, $0x38;
	[tilespmem:$0x1CC20] =	vst v63  }
0x192: {  	s21 =	rddreg [dreg:$0x17];
	s22 =	simm.s32 $0xD400  }
0x193: {  	[tilespmem:s22], [sflag:$0x4] =	stream.linear.gather [spmem:s21], $0x40, $0x38;
	[tilespmem:$0x1CC20] =	vst v63  }
0x194: {  	s17 =	rddreg [dreg:$0x18];
	s18 =	simm.s32 $0xD480  }
0x195: {  	[tilespmem:s18], [sflag:$0x4] =	stream.linear.gather [spmem:s17], $0x40, $0x38;
	[tilespmem:$0x1CC20] =	vst v63  }
0x196: {  	_ =	swait.ge [sflag:s23], $0x400  }
0x197: {  	[sflag:s23] =	ssyncset.done $0x0;
	s19 =	rddreg [dreg:$0x5]  }
0x198: {  	s20 =	simm.s32 $0xCD40;
	s21 =	rddreg [dreg:$0x19];
	[sflag:s23] =	ssyncadd.s32 $0xFFFFFC00  }
0x199: {  	[tilespmem:s20], [sflag:$0x4] =	stream.linear.gather [spmem:s19], $0x10, $0x38;
	[tilespmem:$0x1CC20] =	vst v63  }
0x19a: {  	s22 =	simm.s32 $0xCDC0;
	s17 =	rddreg [dreg:$0x1a]  }
0x19b: {  	[tilespmem:s22], [sflag:$0x4] =	stream.linear.gather [spmem:s21], $0x10, $0x38;
	[tilespmem:$0x1CC20] =	vst v63  }
0x19c: {  	s18 =	simm.s32 $0xCE40;
	s19 =	rddreg [dreg:$0x1b]  }
0x19d: {  	[tilespmem:s18], [sflag:$0x4] =	stream.linear.gather [spmem:s17], $0x10, $0x38;
	[tilespmem:$0x1CC20] =	vst v63  }
0x19e: {  	s20 =	simm.s32 $0xCEC0;
	s21 =	rddreg [dreg:$0x1c]  }
0x19f: {  	[tilespmem:s20], [sflag:$0x4] =	stream.linear.gather [spmem:s19], $0x10, $0x38;
	[tilespmem:$0x1CC20] =	vst v63  }
0x1a0: {  	s22 =	simm.s32 $0xCF40;
	s17 =	rddreg [dreg:$0x1d]  }
0x1a1: {  	[tilespmem:s22], [sflag:$0x4] =	stream.linear.gather [spmem:s21], $0x10, $0x38;
	[tilespmem:$0x1CC20] =	vst v63  }
0x1a2: {  	s18 =	simm.s32 $0xCFC0;
	s19 =	rddreg [dreg:$0x1e]  }
0x1a3: {  	[tilespmem:s18], [sflag:$0x4] =	stream.linear.gather [spmem:s17], $0x10, $0x38;
	[tilespmem:$0x1CC20] =	vst v63  }
0x1a4: {  	s20 =	simm.s32 $0xD040;
	s21 =	rddreg [dreg:$0x1f]  }
0x1a5: {  	[tilespmem:s20], [sflag:$0x4] =	stream.linear.gather [spmem:s19], $0x10, $0x38;
	[tilespmem:$0x1CC20] =	vst v63  }
0x1a6: {  	s22 =	simm.s32 $0xD0C0;
	s17 =	sld [smem:$0x7F6]  }
0x1a7: {  	[tilespmem:s22], [sflag:$0x4] =	stream.linear.gather [spmem:s21], $0x10, $0x38;
	[tilespmem:$0x1CC20] =	vst v63  }
0x1a8: {  	s18 =	simm.s32 $0xD140;
	s19 =	sld [smem:$0x7F7]  }
0x1a9: {  	[tilespmem:s18], [sflag:$0x4] =	stream.linear.gather [spmem:s17], $0x10, $0x38;
	[tilespmem:$0x1CC20] =	vst v63  }
0x1aa: {  	s20 =	simm.s32 $0xD1C0;
	s21 =	sld [smem:$0x7F8]  }
0x1ab: {  	[tilespmem:s20], [sflag:$0x4] =	stream.linear.gather [spmem:s19], $0x10, $0x38;
	[tilespmem:$0x1CC20] =	vst v63  }
0x1ac: {  	s22 =	simm.s32 $0xD240;
	s17 =	sld [smem:$0x7F9]  }
0x1ad: {  	[tilespmem:s22], [sflag:$0x4] =	stream.linear.gather [spmem:s21], $0x10, $0x38;
	[tilespmem:$0x1CC20] =	vst v63  }
0x1ae: {  	s18 =	simm.s32 $0xD2C0;
	s19 =	sld [smem:$0x7FA]  }
0x1af: {  	[tilespmem:s18], [sflag:$0x4] =	stream.linear.gather [spmem:s17], $0x10, $0x38;
	[tilespmem:$0x1CC20] =	vst v63  }
0x1b0: {  	s20 =	simm.s32 $0xD340;
	s21 =	sld [smem:$0x7FB]  }
0x1b1: {  	[tilespmem:s20], [sflag:$0x4] =	stream.linear.gather [spmem:s19], $0x10, $0x38;
	[tilespmem:$0x1CC20] =	vst v63  }
0x1b2: {  	s22 =	simm.s32 $0xD3C0;
	s18 =	sld [smem:$0x7FC]  }
0x1b3: {  	[tilespmem:s22], [sflag:$0x4] =	stream.linear.gather [spmem:s21], $0x10, $0x38;
	[tilespmem:$0x1CC20] =	vst v63  }
0x1b4: {  	s19 =	simm.s32 $0xD440;
	s20 =	sld [smem:$0x7FD]  }
0x1b5: {  	[tilespmem:s19], [sflag:$0x4] =	stream.linear.gather [spmem:s18], $0x10, $0x38;
	[tilespmem:$0x1CC20] =	vst v63  }
0x1b6: {  	s21 =	simm.s32 $0xD4C0  }
0x1b7: {  	[tilespmem:s21], [sflag:$0x4] =	stream.linear.gather [spmem:s20], $0x10, $0x38;
	[tilespmem:$0x1CC20] =	vst v63  }
0x1b8: {  	_ =	swait.ge [sflag:s23], $0x100  }
0x1b9: {  	[sflag:s23] =	ssyncset.done $0x0  }
.Ltmp14:
0x1ba: {  	s22 =	rddreg [dreg:$0x8];
	[sflag:s23] =	ssyncadd.s32 $0xFFFFFF00;
	(pc) =	sbr.rel .LBB2_25-.Ltmp14, $4  }
0x1bb: {  	[hbm4b:s22+s4] =	stream.linear.scatter [tilespmem:s26], [sflag:$0x4], $0x800, $0x38;
	[tilespmem:$0x1CC20] =	vst v63  }
0x1bc: {  	_ =	swait.ge [sflag:s23], $0x800  }
0x1bd: {  	[sflag:s23] =	ssyncset.done $0x0  }
0x1be: {  	[sflag:s23] =	ssyncadd.s32 $0xFFFFF800  }
.LBB2_26:
0x1bf: {  	_ =	sfence.sel $0x180000  }
0x1c0: {  	[bflag:$0x0] =	sbarrier.arrive $0xFFFF  }
0x1c1: {  	_ =	strace $0x90000047  }
0x1c2: {  	s0 =	stileid.u32;
	[bflag:$0x2] =	sbarrier.arrive $0xFFFF  }
0x1c3: {  	p0 =	sne.s32 s0, $0x0;
	s0 =	rddreg [dreg:$0x3]  }
0x1c4: {  	s0 =	sadd.s32 @!p0 $0x100000, s0  }
0x1c5: {  	[sflag:s0] =	ssyncadd.tile.s32 @!p0 $0x1;
	_ =	shalt  }
.Lfunc_end2:
_tile_overlayer_lowered:
.L_overlay_start_2:
0x1c6: {  	(tag) =	ssettag $0x2  }
0x1c7: {  	s0 =	rddreg [dreg:$0x0];
	s2 =	stileid.u32  }
0x1c8: {  	s1 =	rddreg [dreg:$0x1];
	p0 =	sne.s32 s2, $0x0  }
0x1c9: {  	s3 =	rddreg [dreg:$0x2];
	[bflag:$0x3] =	sbarrier.arrive $0xFFFF;
	s2 =	simm.s32 @!p0 $0x1C04  }
0x1ca: {  	[timem:s3], [sflag:s2] =	dma.local @!p0 [hbm:s0], s1  }
0x1cb: {  	s0 =	simm.s32 @!p0 $0x4  }
0x1cc: {  	_ =	swait.ge @!p0 [sflag:s0], s1  }
0x1cd: {  	s1 =	ssub.s32 @!p0 $0x0, s1;
	[sflag:s0] =	ssyncset.done @!p0 $0x0  }
0x1ce: {  	[sflag:s0] =	ssyncadd.s32 @!p0 s1  }
0x1cf: {  	[bflag:$0x3] =	sbarrier.arrive $0xFFFF  }
0x1d0: {  	_ =	shalt  }

</sc_bundles>
